<compile_context>
chip_gen: v7x
topology: tpu7x:2x2x1
jax: 0.10.2.dev20260603
libtpu: 0.0.44.dev20260713+nightly
codegen_flags: <defaults>
</compile_context>

<pallas_src>
import functools

import jax
import jax.numpy as jnp
from jax import lax
from jax.experimental import pallas as pl
from jax.experimental.pallas import tpu as pltpu
from jax.experimental.pallas import tpu_sc as plsc

_T = 5
_N = 1024
_B = 64
_D = 16
_H = 100

_NW = 32
_KPW = (_N * _D) // _NW
_CHUNK = 128
_NCH = _KPW // _CHUNK

_NB = 8
_NBL = _N // _NB


def _leaky(x):
    return jnp.maximum(x, 0.01 * x)



@functools.partial(
    pl.kernel,
    mesh=plsc.VectorSubcoreMesh(core_axis_name="c", subcore_axis_name="s"),
    out_type=jax.ShapeDtypeStruct((_N * _D, _B), jnp.bfloat16),
    scratch_types=[
        pltpu.VMEM((_NCH, _CHUNK), jnp.int32),
        pltpu.VMEM((_KPW, _B), jnp.bfloat16),
    ]
    + [pltpu.SemaphoreType.DMA] * (2 * _NCH),
    compiler_params=pltpu.CompilerParams(use_tc_tiling_on_sc=False),
)
def _gather_sc(table_hbm, idx_hbm, out_hbm, idx_v, rows_v, *sems):
    wid = lax.axis_index("s") * 2 + lax.axis_index("c")
    pltpu.sync_copy(idx_hbm.at[wid], idx_v)
    cps = [
        pltpu.async_copy(
            table_hbm.at[idx_v.at[j]],
            rows_v.at[pl.ds(j * _CHUNK, _CHUNK)],
            sems[j],
        )
        for j in range(_NCH)
    ]
    outs = []
    for j in range(_NCH):
        cps[j].wait()
        outs.append(
            pltpu.async_copy(
                rows_v.at[pl.ds(j * _CHUNK, _CHUNK)],
                out_hbm.at[pl.ds(wid * _KPW + j * _CHUNK, _CHUNK)],
                sems[_NCH + j],
            )
        )
    for cp in outs:
        cp.wait()



def _mlp_math(g_ref, w1_ref, b1_ref, w2_ref, b2_ref, w3_ref, nbl=_NBL):
    g = g_ref[...].reshape(nbl, _D, _B)
    h = lax.dot_general(g, w1_ref[...], (((1,), (1,)), ((0,), (0,))),
                        preferred_element_type=jnp.float32)
    h = _leaky(h + b1_ref[...].astype(jnp.float32)[:, None, :]).astype(jnp.bfloat16)
    h = lax.dot_general(h, w2_ref[...], (((2,), (1,)), ((0,), (0,))),
                        preferred_element_type=jnp.float32)
    h = _leaky(h + b2_ref[...].astype(jnp.float32)[:, None, :])
    o = jnp.sum(h * w3_ref[...].astype(jnp.float32)[:, None, :], axis=-1)
    return _leaky(o)


_NBC = 128


def _mlp_body_conv(g_ref, w1v_ref, b1_ref, w2v_ref, b2_ref, w3_ref,
                   outb_ref, w1b_ref, w2b_ref):
    w1b = jnp.transpose(w1v_ref[...].astype(jnp.bfloat16), (2, 1, 0))
    w2b = jnp.transpose(w2v_ref[...].astype(jnp.bfloat16), (2, 0, 1))
    w1b_ref[...] = w1b
    w2b_ref[...] = w2b
    g = g_ref[...].reshape(_NBC, _D, _B)
    h = lax.dot_general(g, w1b, (((1,), (1,)), ((0,), (0,))),
                        preferred_element_type=jnp.float32)
    h = _leaky(h + b1_ref[...].astype(jnp.float32)[:, None, :]).astype(jnp.bfloat16)
    h = lax.dot_general(h, w2b, (((2,), (1,)), ((0,), (0,))),
                        preferred_element_type=jnp.float32)
    h = _leaky(h + b2_ref[...].astype(jnp.float32)[:, None, :])
    o = jnp.sum(h * w3_ref[...].astype(jnp.float32)[:, None, :], axis=-1)
    outb_ref[...] = _leaky(o).astype(jnp.bfloat16)


def _mlp_conv(g, W1v, b1b, W2v, b2b, W3s):
    return pl.pallas_call(
        _mlp_body_conv,
        grid=(_N // _NBC,),
        in_specs=[
            pl.BlockSpec((_NBC * _D, _B), lambda i: (i, 0)),
            pl.BlockSpec((_H, _D, _NBC), lambda i: (0, 0, i)),
            pl.BlockSpec((_NBC, _H), lambda i: (i, 0)),
            pl.BlockSpec((_H, _H, _NBC), lambda i: (0, 0, i)),
            pl.BlockSpec((_NBC, _H), lambda i: (i, 0)),
            pl.BlockSpec((_NBC, _H), lambda i: (i, 0)),
        ],
        out_specs=[
            pl.BlockSpec((_NBC, _B), lambda i: (i, 0)),
            pl.BlockSpec((_NBC, _D, _H), lambda i: (i, 0, 0)),
            pl.BlockSpec((_NBC, _H, _H), lambda i: (i, 0, 0)),
        ],
        out_shape=[
            jax.ShapeDtypeStruct((_N, _B), jnp.bfloat16),
            jax.ShapeDtypeStruct((_N, _D, _H), jnp.bfloat16),
            jax.ShapeDtypeStruct((_N, _H, _H), jnp.bfloat16),
        ],
    )(g, W1v, b1b, W2v, b2b, W3s)


def _mlp_body_bf(g_ref, w1_ref, b1_ref, w2_ref, b2_ref, w3_ref, outb_ref):
    o = _mlp_math(g_ref, w1_ref, b1_ref, w2_ref, b2_ref, w3_ref)
    outb_ref[...] = o.astype(jnp.bfloat16)


def _mlp_body_last(g_ref, w1_ref, b1_ref, w2_ref, b2_ref, w3_ref, out_ref):
    o = _mlp_math(g_ref, w1_ref, b1_ref, w2_ref, b2_ref, w3_ref, nbl=2 * _NBL)
    out_ref[...] = o.T


_W1SPEC = pl.BlockSpec((_NBL, _D, _H), lambda i: (i, 0, 0))
_W2SPEC = pl.BlockSpec((_NBL, _H, _H), lambda i: (i, 0, 0))
_VSPEC = pl.BlockSpec((_NBL, _H), lambda i: (i, 0))
_GSPEC = pl.BlockSpec((_NBL * _D, _B), lambda i: (i, 0))
_OSPEC = pl.BlockSpec((_NBL, _B), lambda i: (i, 0))

_IN_SPECS = [_GSPEC, _W1SPEC, _VSPEC, _W2SPEC, _VSPEC, _VSPEC]


def _mlp_bf(g, W1b, b1, W2b, b2, W3s):
    return pl.pallas_call(
        _mlp_body_bf,
        grid=(_NB,),
        in_specs=_IN_SPECS,
        out_specs=_OSPEC,
        out_shape=jax.ShapeDtypeStruct((_N, _B), jnp.bfloat16),
    )(g, W1b, b1, W2b, b2, W3s)


_IN_SPECS2 = [
    pl.BlockSpec((2 * _NBL * _D, _B), lambda i: (i, 0)),
    pl.BlockSpec((2 * _NBL, _D, _H), lambda i: (i, 0, 0)),
    pl.BlockSpec((2 * _NBL, _H), lambda i: (i, 0)),
    pl.BlockSpec((2 * _NBL, _H, _H), lambda i: (i, 0, 0)),
    pl.BlockSpec((2 * _NBL, _H), lambda i: (i, 0)),
    pl.BlockSpec((2 * _NBL, _H), lambda i: (i, 0)),
]


def _mlp_last(g, W1b, b1, W2b, b2, W3s):
    return pl.pallas_call(
        _mlp_body_last,
        grid=(_NB // 2,),
        in_specs=_IN_SPECS2,
        out_specs=pl.BlockSpec((_B, 2 * _NBL), lambda i: (0, i)),
        out_shape=jax.ShapeDtypeStruct((_B, _N), jnp.float32),
    )(g, W1b, b1, W2b, b2, W3s)



def kernel(state, pred_idx, W1, b1, W2, b2, W3):
    sb = state.T.astype(jnp.bfloat16)
    idx3 = pred_idx.reshape(_NW, _NCH, _CHUNK)
    g = _gather_sc(sb, idx3)
    W1v = jnp.transpose(W1, (2, 1, 0))
    W2v = jnp.transpose(W2, (1, 2, 0))
    b1b = b1.astype(jnp.bfloat16)
    b2b = b2.astype(jnp.bfloat16)
    W3s = W3[:, :, 0].astype(jnp.bfloat16)
    sb, W1b, W2b = _mlp_conv(g, W1v, b1b, W2v, b2b, W3s)
    for _ in range(_T - 2):
        g = _gather_sc(sb, idx3)
        sb = _mlp_bf(g, W1b, b1b, W2b, b2b, W3s)
    g = _gather_sc(sb, idx3)
    return _mlp_last(g, W1b, b1b, W2b, b2b, W3s)

# --- scband reference (transcript-rebuilt; emitter-appended) ---
"""Pipeline reference for scband-whole-cell-19602230739411 (READ-ONLY COPY).

The authoritative reference and input builder live on the scoring server;
editing this copy changes nothing except your own understanding.
"""

import jax, jax.numpy as jnp
import numpy as np

B = 64      # batch of cell states
N = 1024    # number of nodes (genes)
D = 16      # in-degree per node, including the self loop added in __init__
H = 100     # hidden_dim of each per-node MLP
T = 5       # fixed number of fixed-point iterations (replaces threshold while-loop)


def setup_inputs(seed: int = 0) -> dict:
    key = jax.random.key(seed)
    ks = jax.random.split(key, 8)
    state = jax.random.normal(ks[0], (B, N), dtype=jnp.float32)
    pred_idx = jax.random.randint(ks[1], (N, D), 0, N, dtype=jnp.int32)
    # every node has a self loop (added in __init__)
    pred_idx = pred_idx.at[:, 0].set(jnp.arange(N, dtype=jnp.int32))
    s1 = 1.0 / np.sqrt(D)
    s2 = 1.0 / np.sqrt(H)
    # Stacked per-node MLP parameters: MLP(D -> H) LeakyReLU (H -> H) LeakyReLU (H -> 1, no bias) LeakyReLU
    W1 = jax.random.uniform(ks[2], (N, D, H), jnp.float32, -s1, s1)
    b1 = jax.random.uniform(ks[3], (N, H), jnp.float32, -s1, s1)
    W2 = jax.random.uniform(ks[4], (N, H, H), jnp.float32, -s2, s2)
    b2 = jax.random.uniform(ks[5], (N, H), jnp.float32, -s2, s2)
    W3 = jax.random.uniform(ks[6], (N, H, 1), jnp.float32, -s2, s2)
    return {"state": state, "pred_idx": pred_idx, "W1": W1, "b1": b1, "W2": W2, "b2": b2, "W3": W3}


def reference(state, pred_idx, W1, b1, W2, b2, W3):
    # One iteration: for each node, gather predecessor state columns, run that node's MLP.
    # All N per-node MLPs are evaluated as batched einsums over the node axis.
    def step(s, _):
        g = s[:, pred_idx]                                        # [B, N, D] gather (Jacobi update)
        h = jax.nn.leaky_relu(jnp.einsum('bnd,ndh->bnh', g, W1) + b1[None, :, :])
        h = jax.nn.leaky_relu(jnp.einsum('bnh,nhk->bnk', h, W2) + b2[None, :, :])
        o = jax.nn.leaky_relu(jnp.einsum('bnh,nho->bno', h, W3)[..., 0])  # [B, N]
        return o, None
    out, _ = jax.lax.scan(step, state, None, length=T)
    return out

if __name__ == "__main__":
    import jax
    _d = setup_inputs()
    print(jax.jit(kernel)(*tuple(_d.values())))

</pallas_src>

<mosaic_0001>
#map = affine_map<(d0, d1) -> (0, 0)>
#map1 = affine_map<(d0, d1) -> (0, 0, 0)>
module attributes {stable_mosaic.version = 14 : i64} {
  func.func @_gather_sc(%arg0: i32, %arg1: i32, %arg2: memref<1024x64xbf16, #tpu.memory_space<hbm>>, %arg3: memref<32x4x128xi32, #tpu.memory_space<hbm>>, %arg4: memref<16384x64xbf16, #tpu.memory_space<hbm>>, %arg5: memref<4x128xi32, #tpu.memory_space<vmem>>, %arg6: memref<512x64xbf16, #tpu.memory_space<vmem>>, %arg7: memref<!tpu.dma_semaphore, #tpu.memory_space<semaphore_mem>>, %arg8: memref<!tpu.dma_semaphore, #tpu.memory_space<semaphore_mem>>, %arg9: memref<!tpu.dma_semaphore, #tpu.memory_space<semaphore_mem>>, %arg10: memref<!tpu.dma_semaphore, #tpu.memory_space<semaphore_mem>>, %arg11: memref<!tpu.dma_semaphore, #tpu.memory_space<semaphore_mem>>, %arg12: memref<!tpu.dma_semaphore, #tpu.memory_space<semaphore_mem>>, %arg13: memref<!tpu.dma_semaphore, #tpu.memory_space<semaphore_mem>>, %arg14: memref<!tpu.dma_semaphore, #tpu.memory_space<semaphore_mem>>) attributes {dimension_semantics = [#tpu.dimension_semantics<core_parallel>, #tpu.dimension_semantics<subcore_parallel>], iteration_bounds = array<i64: 2, 16>, scalar_prefetch = 0 : i64, scratch_operands = 10 : i64, tpu.core_type = #tpu.core_type<sc_vector_subcore>, window_params = [{transform_indices = #map}, {transform_indices = #map1}, {transform_indices = #map}]} {
    %mul3A = arith.constant 2 : i32
    %mul3A_0 = arith.muli %arg1, %mul3A : i32
    %add3A = arith.addi %mul3A_0, %arg0 : i32
    "tpu.region"() ({
      %run_scoped3A = tpu.sem_alloc : memref<!tpu.dma_semaphore, #tpu.memory_space<semaphore_mem>>
      %dma_start3A_175 = arith.constant 0 : i32
      %dma_start3A_176 = arith.constant 0 : i32
      %dma_start3A_177 = tpu.memref_slice %arg3[%add3A, %dma_start3A_175, %dma_start3A_176] : memref<32x4x128xi32, #tpu.memory_space<hbm>> -> memref<1x4x128xi32, #tpu.memory_space<hbm>>
      %dma_start3A_178 = tpu.memref_squeeze %dma_start3A_177 : memref<1x4x128xi32, #tpu.memory_space<hbm>> -> memref<4x128xi32, #tpu.memory_space<hbm>>
      %dma_start3A_179 = arith.constant 0 : i32
      %dma_start3A_180 = arith.constant 0 : i32
      %dma_start3A_181 = tpu.memref_slice %arg3[%add3A, %dma_start3A_179, %dma_start3A_180] : memref<32x4x128xi32, #tpu.memory_space<hbm>> -> memref<1x4x128xi32, #tpu.memory_space<hbm>>
      %dma_start3A_182 = tpu.memref_squeeze %dma_start3A_181 : memref<1x4x128xi32, #tpu.memory_space<hbm>> -> memref<4x128xi32, #tpu.memory_space<hbm>>
      tpu.enqueue_dma source(%dma_start3A_182 : memref<4x128xi32, #tpu.memory_space<hbm>>) target(%arg5 : memref<4x128xi32, #tpu.memory_space<vmem>>) target_semaphore(%run_scoped3A : memref<!tpu.dma_semaphore, #tpu.memory_space<semaphore_mem>>)
      %dma_wait3A_183 = arith.constant 0 : i32
      %dma_wait3A_184 = arith.constant 0 : i32
      %dma_wait3A_185 = tpu.memref_slice %arg3[%add3A, %dma_wait3A_183, %dma_wait3A_184] : memref<32x4x128xi32, #tpu.memory_space<hbm>> -> memref<1x4x128xi32, #tpu.memory_space<hbm>>
      %dma_wait3A_186 = tpu.memref_squeeze %dma_wait3A_185 : memref<1x4x128xi32, #tpu.memory_space<hbm>> -> memref<4x128xi32, #tpu.memory_space<hbm>>
      %dma_wait3A_187 = arith.constant 0 : i32
      %dma_wait3A_188 = arith.constant 0 : i32
      %dma_wait3A_189 = tpu.memref_slice %arg3[%add3A, %dma_wait3A_187, %dma_wait3A_188] : memref<32x4x128xi32, #tpu.memory_space<hbm>> -> memref<1x4x128xi32, #tpu.memory_space<hbm>>
      %dma_wait3A_190 = tpu.memref_squeeze %dma_wait3A_189 : memref<1x4x128xi32, #tpu.memory_space<hbm>> -> memref<4x128xi32, #tpu.memory_space<hbm>>
      tpu.wait_dma2 semaphore(%run_scoped3A : memref<!tpu.dma_semaphore, #tpu.memory_space<semaphore_mem>>) src(%dma_wait3A_190 : memref<4x128xi32, #tpu.memory_space<hbm>>) dst(%arg5 : memref<4x128xi32, #tpu.memory_space<vmem>>)
      tpu.yield
    }) : () -> ()
    %dma_start3A = arith.constant 0 : i32
    %dma_start3A_1 = arith.constant 0 : i32
    %dma_start3A_2 = arith.constant 0 : i32
    %dma_start3A_3 = tpu.memref_slice %arg6[%dma_start3A_1, %dma_start3A_2] : memref<512x64xbf16, #tpu.memory_space<vmem>> -> memref<128x64xbf16, #tpu.memory_space<vmem>>
    %dma_start3A_4 = arith.constant 0 : i32
    %dma_start3A_5 = tpu.memref_slice %arg5[%dma_start3A, %dma_start3A_4] : memref<4x128xi32, #tpu.memory_space<vmem>> -> memref<1x128xi32, #tpu.memory_space<vmem>>
    %dma_start3A_6 = tpu.memref_squeeze %dma_start3A_5 : memref<1x128xi32, #tpu.memory_space<vmem>> -> memref<128xi32, #tpu.memory_space<vmem>>
    %dma_start3A_7 = arith.constant 0 : i32
    %dma_start3A_8 = arith.constant 0 : i32
    %dma_start3A_9 = tpu.memref_slice %arg2[%dma_start3A_7, %dma_start3A_8] : memref<1024x64xbf16, #tpu.memory_space<hbm>> -> memref<1024x64xbf16, #tpu.memory_space<hbm>>
    tpu.enqueue_indirect_dma source(%dma_start3A_9 : memref<1024x64xbf16, #tpu.memory_space<hbm>>) target(%dma_start3A_3 : memref<128x64xbf16, #tpu.memory_space<vmem>>) offsets(%dma_start3A_6 : memref<128xi32, #tpu.memory_space<vmem>>) semaphore(%arg7 : memref<!tpu.dma_semaphore, #tpu.memory_space<semaphore_mem>>)
    %dma_start3A_10 = arith.constant 1 : i32
    %dma_start3A_11 = arith.constant 128 : i32
    %dma_start3A_12 = arith.constant 0 : i32
    %dma_start3A_13 = tpu.memref_slice %arg6[%dma_start3A_11, %dma_start3A_12] : memref<512x64xbf16, #tpu.memory_space<vmem>> -> memref<128x64xbf16, #tpu.memory_space<vmem>>
    %dma_start3A_14 = arith.constant 0 : i32
    %dma_start3A_15 = tpu.memref_slice %arg5[%dma_start3A_10, %dma_start3A_14] : memref<4x128xi32, #tpu.memory_space<vmem>> -> memref<1x128xi32, #tpu.memory_space<vmem>>
    %dma_start3A_16 = tpu.memref_squeeze %dma_start3A_15 : memref<1x128xi32, #tpu.memory_space<vmem>> -> memref<128xi32, #tpu.memory_space<vmem>>
    %dma_start3A_17 = arith.constant 0 : i32
    %dma_start3A_18 = arith.constant 0 : i32
    %dma_start3A_19 = tpu.memref_slice %arg2[%dma_start3A_17, %dma_start3A_18] : memref<1024x64xbf16, #tpu.memory_space<hbm>> -> memref<1024x64xbf16, #tpu.memory_space<hbm>>
    tpu.enqueue_indirect_dma source(%dma_start3A_19 : memref<1024x64xbf16, #tpu.memory_space<hbm>>) target(%dma_start3A_13 : memref<128x64xbf16, #tpu.memory_space<vmem>>) offsets(%dma_start3A_16 : memref<128xi32, #tpu.memory_space<vmem>>) semaphore(%arg8 : memref<!tpu.dma_semaphore, #tpu.memory_space<semaphore_mem>>)
    %dma_start3A_20 = arith.constant 2 : i32
    %dma_start3A_21 = arith.constant 256 : i32
    %dma_start3A_22 = arith.constant 0 : i32
    %dma_start3A_23 = tpu.memref_slice %arg6[%dma_start3A_21, %dma_start3A_22] : memref<512x64xbf16, #tpu.memory_space<vmem>> -> memref<128x64xbf16, #tpu.memory_space<vmem>>
    %dma_start3A_24 = arith.constant 0 : i32
    %dma_start3A_25 = tpu.memref_slice %arg5[%dma_start3A_20, %dma_start3A_24] : memref<4x128xi32, #tpu.memory_space<vmem>> -> memref<1x128xi32, #tpu.memory_space<vmem>>
    %dma_start3A_26 = tpu.memref_squeeze %dma_start3A_25 : memref<1x128xi32, #tpu.memory_space<vmem>> -> memref<128xi32, #tpu.memory_space<vmem>>
    %dma_start3A_27 = arith.constant 0 : i32
    %dma_start3A_28 = arith.constant 0 : i32
    %dma_start3A_29 = tpu.memref_slice %arg2[%dma_start3A_27, %dma_start3A_28] : memref<1024x64xbf16, #tpu.memory_space<hbm>> -> memref<1024x64xbf16, #tpu.memory_space<hbm>>
    tpu.enqueue_indirect_dma source(%dma_start3A_29 : memref<1024x64xbf16, #tpu.memory_space<hbm>>) target(%dma_start3A_23 : memref<128x64xbf16, #tpu.memory_space<vmem>>) offsets(%dma_start3A_26 : memref<128xi32, #tpu.memory_space<vmem>>) semaphore(%arg9 : memref<!tpu.dma_semaphore, #tpu.memory_space<semaphore_mem>>)
    %dma_start3A_30 = arith.constant 3 : i32
    %dma_start3A_31 = arith.constant 384 : i32
    %dma_start3A_32 = arith.constant 0 : i32
    %dma_start3A_33 = tpu.memref_slice %arg6[%dma_start3A_31, %dma_start3A_32] : memref<512x64xbf16, #tpu.memory_space<vmem>> -> memref<128x64xbf16, #tpu.memory_space<vmem>>
    %dma_start3A_34 = arith.constant 0 : i32
    %dma_start3A_35 = tpu.memref_slice %arg5[%dma_start3A_30, %dma_start3A_34] : memref<4x128xi32, #tpu.memory_space<vmem>> -> memref<1x128xi32, #tpu.memory_space<vmem>>
    %dma_start3A_36 = tpu.memref_squeeze %dma_start3A_35 : memref<1x128xi32, #tpu.memory_space<vmem>> -> memref<128xi32, #tpu.memory_space<vmem>>
    %dma_start3A_37 = arith.constant 0 : i32
    %dma_start3A_38 = arith.constant 0 : i32
    %dma_start3A_39 = tpu.memref_slice %arg2[%dma_start3A_37, %dma_start3A_38] : memref<1024x64xbf16, #tpu.memory_space<hbm>> -> memref<1024x64xbf16, #tpu.memory_space<hbm>>
    tpu.enqueue_indirect_dma source(%dma_start3A_39 : memref<1024x64xbf16, #tpu.memory_space<hbm>>) target(%dma_start3A_33 : memref<128x64xbf16, #tpu.memory_space<vmem>>) offsets(%dma_start3A_36 : memref<128xi32, #tpu.memory_space<vmem>>) semaphore(%arg10 : memref<!tpu.dma_semaphore, #tpu.memory_space<semaphore_mem>>)
    %dma_wait3A = arith.constant 0 : i32
    %dma_wait3A_40 = arith.constant 0 : i32
    %dma_wait3A_41 = arith.constant 0 : i32
    %dma_wait3A_42 = tpu.memref_slice %arg6[%dma_wait3A_40, %dma_wait3A_41] : memref<512x64xbf16, #tpu.memory_space<vmem>> -> memref<128x64xbf16, #tpu.memory_space<vmem>>
    %dma_wait3A_43 = arith.constant 0 : i32
    %dma_wait3A_44 = tpu.memref_slice %arg5[%dma_wait3A, %dma_wait3A_43] : memref<4x128xi32, #tpu.memory_space<vmem>> -> memref<1x128xi32, #tpu.memory_space<vmem>>
    %dma_wait3A_45 = tpu.memref_squeeze %dma_wait3A_44 : memref<1x128xi32, #tpu.memory_space<vmem>> -> memref<128xi32, #tpu.memory_space<vmem>>
    %dma_wait3A_46 = arith.constant 0 : i32
    %dma_wait3A_47 = arith.constant 0 : i32
    %dma_wait3A_48 = tpu.memref_slice %arg2[%dma_wait3A_46, %dma_wait3A_47] : memref<1024x64xbf16, #tpu.memory_space<hbm>> -> memref<1024x64xbf16, #tpu.memory_space<hbm>>
    tpu.wait_indirect_dma semaphore(%arg7 : memref<!tpu.dma_semaphore, #tpu.memory_space<semaphore_mem>>) src(%dma_wait3A_48 : memref<1024x64xbf16, #tpu.memory_space<hbm>>) dst(%dma_wait3A_42 : memref<128x64xbf16, #tpu.memory_space<vmem>>)
    %mul3A_49 = arith.constant 512 : i32
    %mul3A_50 = arith.muli %add3A, %mul3A_49 : i32
    %add3A_51 = arith.constant 0 : i32
    %add3A_52 = arith.addi %mul3A_50, %add3A_51 : i32
    %dma_start3A_53 = arith.constant 0 : i32
    %dma_start3A_54 = arith.constant 0 : i32
    %dma_start3A_55 = tpu.memref_slice %arg6[%dma_start3A_53, %dma_start3A_54] : memref<512x64xbf16, #tpu.memory_space<vmem>> -> memref<128x64xbf16, #tpu.memory_space<vmem>>
    %dma_start3A_56 = arith.constant 0 : i32
    %dma_start3A_57 = tpu.memref_slice %arg4[%add3A_52, %dma_start3A_56] : memref<16384x64xbf16, #tpu.memory_space<hbm>> -> memref<128x64xbf16, #tpu.memory_space<hbm>>
    %dma_start3A_58 = arith.constant 0 : i32
    %dma_start3A_59 = tpu.memref_slice %arg4[%add3A_52, %dma_start3A_58] : memref<16384x64xbf16, #tpu.memory_space<hbm>> -> memref<128x64xbf16, #tpu.memory_space<hbm>>
    %dma_start3A_60 = arith.constant 0 : i32
    %dma_start3A_61 = arith.constant 0 : i32
    %dma_start3A_62 = tpu.memref_slice %arg6[%dma_start3A_60, %dma_start3A_61] : memref<512x64xbf16, #tpu.memory_space<vmem>> -> memref<128x64xbf16, #tpu.memory_space<vmem>>
    tpu.enqueue_dma source(%dma_start3A_62 : memref<128x64xbf16, #tpu.memory_space<vmem>>) target(%dma_start3A_59 : memref<128x64xbf16, #tpu.memory_space<hbm>>) target_semaphore(%arg11 : memref<!tpu.dma_semaphore, #tpu.memory_space<semaphore_mem>>)
    %dma_wait3A_63 = arith.constant 1 : i32
    %dma_wait3A_64 = arith.constant 128 : i32
    %dma_wait3A_65 = arith.constant 0 : i32
    %dma_wait3A_66 = tpu.memref_slice %arg6[%dma_wait3A_64, %dma_wait3A_65] : memref<512x64xbf16, #tpu.memory_space<vmem>> -> memref<128x64xbf16, #tpu.memory_space<vmem>>
    %dma_wait3A_67 = arith.constant 0 : i32
    %dma_wait3A_68 = tpu.memref_slice %arg5[%dma_wait3A_63, %dma_wait3A_67] : memref<4x128xi32, #tpu.memory_space<vmem>> -> memref<1x128xi32, #tpu.memory_space<vmem>>
    %dma_wait3A_69 = tpu.memref_squeeze %dma_wait3A_68 : memref<1x128xi32, #tpu.memory_space<vmem>> -> memref<128xi32, #tpu.memory_space<vmem>>
    %dma_wait3A_70 = arith.constant 0 : i32
    %dma_wait3A_71 = arith.constant 0 : i32
    %dma_wait3A_72 = tpu.memref_slice %arg2[%dma_wait3A_70, %dma_wait3A_71] : memref<1024x64xbf16, #tpu.memory_space<hbm>> -> memref<1024x64xbf16, #tpu.memory_space<hbm>>
    tpu.wait_indirect_dma semaphore(%arg8 : memref<!tpu.dma_semaphore, #tpu.memory_space<semaphore_mem>>) src(%dma_wait3A_72 : memref<1024x64xbf16, #tpu.memory_space<hbm>>) dst(%dma_wait3A_66 : memref<128x64xbf16, #tpu.memory_space<vmem>>)
    %mul3A_73 = arith.constant 512 : i32
    %mul3A_74 = arith.muli %add3A, %mul3A_73 : i32
    %add3A_75 = arith.constant 128 : i32
    %add3A_76 = arith.addi %mul3A_74, %add3A_75 : i32
    %dma_start3A_77 = arith.constant 128 : i32
    %dma_start3A_78 = arith.constant 0 : i32
    %dma_start3A_79 = tpu.memref_slice %arg6[%dma_start3A_77, %dma_start3A_78] : memref<512x64xbf16, #tpu.memory_space<vmem>> -> memref<128x64xbf16, #tpu.memory_space<vmem>>
    %dma_start3A_80 = arith.constant 0 : i32
    %dma_start3A_81 = tpu.memref_slice %arg4[%add3A_76, %dma_start3A_80] : memref<16384x64xbf16, #tpu.memory_space<hbm>> -> memref<128x64xbf16, #tpu.memory_space<hbm>>
    %dma_start3A_82 = arith.constant 0 : i32
    %dma_start3A_83 = tpu.memref_slice %arg4[%add3A_76, %dma_start3A_82] : memref<16384x64xbf16, #tpu.memory_space<hbm>> -> memref<128x64xbf16, #tpu.memory_space<hbm>>
    %dma_start3A_84 = arith.constant 128 : i32
    %dma_start3A_85 = arith.constant 0 : i32
    %dma_start3A_86 = tpu.memref_slice %arg6[%dma_start3A_84, %dma_start3A_85] : memref<512x64xbf16, #tpu.memory_space<vmem>> -> memref<128x64xbf16, #tpu.memory_space<vmem>>
    tpu.enqueue_dma source(%dma_start3A_86 : memref<128x64xbf16, #tpu.memory_space<vmem>>) target(%dma_start3A_83 : memref<128x64xbf16, #tpu.memory_space<hbm>>) target_semaphore(%arg12 : memref<!tpu.dma_semaphore, #tpu.memory_space<semaphore_mem>>)
    %dma_wait3A_87 = arith.constant 2 : i32
    %dma_wait3A_88 = arith.constant 256 : i32
    %dma_wait3A_89 = arith.constant 0 : i32
    %dma_wait3A_90 = tpu.memref_slice %arg6[%dma_wait3A_88, %dma_wait3A_89] : memref<512x64xbf16, #tpu.memory_space<vmem>> -> memref<128x64xbf16, #tpu.memory_space<vmem>>
    %dma_wait3A_91 = arith.constant 0 : i32
    %dma_wait3A_92 = tpu.memref_slice %arg5[%dma_wait3A_87, %dma_wait3A_91] : memref<4x128xi32, #tpu.memory_space<vmem>> -> memref<1x128xi32, #tpu.memory_space<vmem>>
    %dma_wait3A_93 = tpu.memref_squeeze %dma_wait3A_92 : memref<1x128xi32, #tpu.memory_space<vmem>> -> memref<128xi32, #tpu.memory_space<vmem>>
    %dma_wait3A_94 = arith.constant 0 : i32
    %dma_wait3A_95 = arith.constant 0 : i32
    %dma_wait3A_96 = tpu.memref_slice %arg2[%dma_wait3A_94, %dma_wait3A_95] : memref<1024x64xbf16, #tpu.memory_space<hbm>> -> memref<1024x64xbf16, #tpu.memory_space<hbm>>
    tpu.wait_indirect_dma semaphore(%arg9 : memref<!tpu.dma_semaphore, #tpu.memory_space<semaphore_mem>>) src(%dma_wait3A_96 : memref<1024x64xbf16, #tpu.memory_space<hbm>>) dst(%dma_wait3A_90 : memref<128x64xbf16, #tpu.memory_space<vmem>>)
    %mul3A_97 = arith.constant 512 : i32
    %mul3A_98 = arith.muli %add3A, %mul3A_97 : i32
    %add3A_99 = arith.constant 256 : i32
    %add3A_100 = arith.addi %mul3A_98, %add3A_99 : i32
    %dma_start3A_101 = arith.constant 256 : i32
    %dma_start3A_102 = arith.constant 0 : i32
    %dma_start3A_103 = tpu.memref_slice %arg6[%dma_start3A_101, %dma_start3A_102] : memref<512x64xbf16, #tpu.memory_space<vmem>> -> memref<128x64xbf16, #tpu.memory_space<vmem>>
    %dma_start3A_104 = arith.constant 0 : i32
    %dma_start3A_105 = tpu.memref_slice %arg4[%add3A_100, %dma_start3A_104] : memref<16384x64xbf16, #tpu.memory_space<hbm>> -> memref<128x64xbf16, #tpu.memory_space<hbm>>
    %dma_start3A_106 = arith.constant 0 : i32
    %dma_start3A_107 = tpu.memref_slice %arg4[%add3A_100, %dma_start3A_106] : memref<16384x64xbf16, #tpu.memory_space<hbm>> -> memref<128x64xbf16, #tpu.memory_space<hbm>>
    %dma_start3A_108 = arith.constant 256 : i32
    %dma_start3A_109 = arith.constant 0 : i32
    %dma_start3A_110 = tpu.memref_slice %arg6[%dma_start3A_108, %dma_start3A_109] : memref<512x64xbf16, #tpu.memory_space<vmem>> -> memref<128x64xbf16, #tpu.memory_space<vmem>>
    tpu.enqueue_dma source(%dma_start3A_110 : memref<128x64xbf16, #tpu.memory_space<vmem>>) target(%dma_start3A_107 : memref<128x64xbf16, #tpu.memory_space<hbm>>) target_semaphore(%arg13 : memref<!tpu.dma_semaphore, #tpu.memory_space<semaphore_mem>>)
    %dma_wait3A_111 = arith.constant 3 : i32
    %dma_wait3A_112 = arith.constant 384 : i32
    %dma_wait3A_113 = arith.constant 0 : i32
    %dma_wait3A_114 = tpu.memref_slice %arg6[%dma_wait3A_112, %dma_wait3A_113] : memref<512x64xbf16, #tpu.memory_space<vmem>> -> memref<128x64xbf16, #tpu.memory_space<vmem>>
    %dma_wait3A_115 = arith.constant 0 : i32
    %dma_wait3A_116 = tpu.memref_slice %arg5[%dma_wait3A_111, %dma_wait3A_115] : memref<4x128xi32, #tpu.memory_space<vmem>> -> memref<1x128xi32, #tpu.memory_space<vmem>>
    %dma_wait3A_117 = tpu.memref_squeeze %dma_wait3A_116 : memref<1x128xi32, #tpu.memory_space<vmem>> -> memref<128xi32, #tpu.memory_space<vmem>>
    %dma_wait3A_118 = arith.constant 0 : i32
    %dma_wait3A_119 = arith.constant 0 : i32
    %dma_wait3A_120 = tpu.memref_slice %arg2[%dma_wait3A_118, %dma_wait3A_119] : memref<1024x64xbf16, #tpu.memory_space<hbm>> -> memref<1024x64xbf16, #tpu.memory_space<hbm>>
    tpu.wait_indirect_dma semaphore(%arg10 : memref<!tpu.dma_semaphore, #tpu.memory_space<semaphore_mem>>) src(%dma_wait3A_120 : memref<1024x64xbf16, #tpu.memory_space<hbm>>) dst(%dma_wait3A_114 : memref<128x64xbf16, #tpu.memory_space<vmem>>)
    %mul3A_121 = arith.constant 512 : i32
    %mul3A_122 = arith.muli %add3A, %mul3A_121 : i32
    %add3A_123 = arith.constant 384 : i32
    %add3A_124 = arith.addi %mul3A_122, %add3A_123 : i32
    %dma_start3A_125 = arith.constant 384 : i32
    %dma_start3A_126 = arith.constant 0 : i32
    %dma_start3A_127 = tpu.memref_slice %arg6[%dma_start3A_125, %dma_start3A_126] : memref<512x64xbf16, #tpu.memory_space<vmem>> -> memref<128x64xbf16, #tpu.memory_space<vmem>>
    %dma_start3A_128 = arith.constant 0 : i32
    %dma_start3A_129 = tpu.memref_slice %arg4[%add3A_124, %dma_start3A_128] : memref<16384x64xbf16, #tpu.memory_space<hbm>> -> memref<128x64xbf16, #tpu.memory_space<hbm>>
    %dma_start3A_130 = arith.constant 0 : i32
    %dma_start3A_131 = tpu.memref_slice %arg4[%add3A_124, %dma_start3A_130] : memref<16384x64xbf16, #tpu.memory_space<hbm>> -> memref<128x64xbf16, #tpu.memory_space<hbm>>
    %dma_start3A_132 = arith.constant 384 : i32
    %dma_start3A_133 = arith.constant 0 : i32
    %dma_start3A_134 = tpu.memref_slice %arg6[%dma_start3A_132, %dma_start3A_133] : memref<512x64xbf16, #tpu.memory_space<vmem>> -> memref<128x64xbf16, #tpu.memory_space<vmem>>
    tpu.enqueue_dma source(%dma_start3A_134 : memref<128x64xbf16, #tpu.memory_space<vmem>>) target(%dma_start3A_131 : memref<128x64xbf16, #tpu.memory_space<hbm>>) target_semaphore(%arg14 : memref<!tpu.dma_semaphore, #tpu.memory_space<semaphore_mem>>)
    %dma_wait3A_135 = arith.constant 0 : i32
    %dma_wait3A_136 = arith.constant 0 : i32
    %dma_wait3A_137 = tpu.memref_slice %arg6[%dma_wait3A_135, %dma_wait3A_136] : memref<512x64xbf16, #tpu.memory_space<vmem>> -> memref<128x64xbf16, #tpu.memory_space<vmem>>
    %dma_wait3A_138 = arith.constant 0 : i32
    %dma_wait3A_139 = tpu.memref_slice %arg4[%add3A_52, %dma_wait3A_138] : memref<16384x64xbf16, #tpu.memory_space<hbm>> -> memref<128x64xbf16, #tpu.memory_space<hbm>>
    %dma_wait3A_140 = arith.constant 0 : i32
    %dma_wait3A_141 = tpu.memref_slice %arg4[%add3A_52, %dma_wait3A_140] : memref<16384x64xbf16, #tpu.memory_space<hbm>> -> memref<128x64xbf16, #tpu.memory_space<hbm>>
    %dma_wait3A_142 = arith.constant 0 : i32
    %dma_wait3A_143 = arith.constant 0 : i32
    %dma_wait3A_144 = tpu.memref_slice %arg6[%dma_wait3A_142, %dma_wait3A_143] : memref<512x64xbf16, #tpu.memory_space<vmem>> -> memref<128x64xbf16, #tpu.memory_space<vmem>>
    tpu.wait_dma2 semaphore(%arg11 : memref<!tpu.dma_semaphore, #tpu.memory_space<semaphore_mem>>) src(%dma_wait3A_144 : memref<128x64xbf16, #tpu.memory_space<vmem>>) dst(%dma_wait3A_141 : memref<128x64xbf16, #tpu.memory_space<hbm>>)
    %dma_wait3A_145 = arith.constant 128 : i32
    %dma_wait3A_146 = arith.constant 0 : i32
    %dma_wait3A_147 = tpu.memref_slice %arg6[%dma_wait3A_145, %dma_wait3A_146] : memref<512x64xbf16, #tpu.memory_space<vmem>> -> memref<128x64xbf16, #tpu.memory_space<vmem>>
    %dma_wait3A_148 = arith.constant 0 : i32
    %dma_wait3A_149 = tpu.memref_slice %arg4[%add3A_76, %dma_wait3A_148] : memref<16384x64xbf16, #tpu.memory_space<hbm>> -> memref<128x64xbf16, #tpu.memory_space<hbm>>
    %dma_wait3A_150 = arith.constant 0 : i32
    %dma_wait3A_151 = tpu.memref_slice %arg4[%add3A_76, %dma_wait3A_150] : memref<16384x64xbf16, #tpu.memory_space<hbm>> -> memref<128x64xbf16, #tpu.memory_space<hbm>>
    %dma_wait3A_152 = arith.constant 128 : i32
    %dma_wait3A_153 = arith.constant 0 : i32
    %dma_wait3A_154 = tpu.memref_slice %arg6[%dma_wait3A_152, %dma_wait3A_153] : memref<512x64xbf16, #tpu.memory_space<vmem>> -> memref<128x64xbf16, #tpu.memory_space<vmem>>
    tpu.wait_dma2 semaphore(%arg12 : memref<!tpu.dma_semaphore, #tpu.memory_space<semaphore_mem>>) src(%dma_wait3A_154 : memref<128x64xbf16, #tpu.memory_space<vmem>>) dst(%dma_wait3A_151 : memref<128x64xbf16, #tpu.memory_space<hbm>>)
    %dma_wait3A_155 = arith.constant 256 : i32
    %dma_wait3A_156 = arith.constant 0 : i32
    %dma_wait3A_157 = tpu.memref_slice %arg6[%dma_wait3A_155, %dma_wait3A_156] : memref<512x64xbf16, #tpu.memory_space<vmem>> -> memref<128x64xbf16, #tpu.memory_space<vmem>>
    %dma_wait3A_158 = arith.constant 0 : i32
    %dma_wait3A_159 = tpu.memref_slice %arg4[%add3A_100, %dma_wait3A_158] : memref<16384x64xbf16, #tpu.memory_space<hbm>> -> memref<128x64xbf16, #tpu.memory_space<hbm>>
    %dma_wait3A_160 = arith.constant 0 : i32
    %dma_wait3A_161 = tpu.memref_slice %arg4[%add3A_100, %dma_wait3A_160] : memref<16384x64xbf16, #tpu.memory_space<hbm>> -> memref<128x64xbf16, #tpu.memory_space<hbm>>
    %dma_wait3A_162 = arith.constant 256 : i32
    %dma_wait3A_163 = arith.constant 0 : i32
    %dma_wait3A_164 = tpu.memref_slice %arg6[%dma_wait3A_162, %dma_wait3A_163] : memref<512x64xbf16, #tpu.memory_space<vmem>> -> memref<128x64xbf16, #tpu.memory_space<vmem>>
    tpu.wait_dma2 semaphore(%arg13 : memref<!tpu.dma_semaphore, #tpu.memory_space<semaphore_mem>>) src(%dma_wait3A_164 : memref<128x64xbf16, #tpu.memory_space<vmem>>) dst(%dma_wait3A_161 : memref<128x64xbf16, #tpu.memory_space<hbm>>)
    %dma_wait3A_165 = arith.constant 384 : i32
    %dma_wait3A_166 = arith.constant 0 : i32
    %dma_wait3A_167 = tpu.memref_slice %arg6[%dma_wait3A_165, %dma_wait3A_166] : memref<512x64xbf16, #tpu.memory_space<vmem>> -> memref<128x64xbf16, #tpu.memory_space<vmem>>
    %dma_wait3A_168 = arith.constant 0 : i32
    %dma_wait3A_169 = tpu.memref_slice %arg4[%add3A_124, %dma_wait3A_168] : memref<16384x64xbf16, #tpu.memory_space<hbm>> -> memref<128x64xbf16, #tpu.memory_space<hbm>>
    %dma_wait3A_170 = arith.constant 0 : i32
    %dma_wait3A_171 = tpu.memref_slice %arg4[%add3A_124, %dma_wait3A_170] : memref<16384x64xbf16, #tpu.memory_space<hbm>> -> memref<128x64xbf16, #tpu.memory_space<hbm>>
    %dma_wait3A_172 = arith.constant 384 : i32
    %dma_wait3A_173 = arith.constant 0 : i32
    %dma_wait3A_174 = tpu.memref_slice %arg6[%dma_wait3A_172, %dma_wait3A_173] : memref<512x64xbf16, #tpu.memory_space<vmem>> -> memref<128x64xbf16, #tpu.memory_space<vmem>>
    tpu.wait_dma2 semaphore(%arg14 : memref<!tpu.dma_semaphore, #tpu.memory_space<semaphore_mem>>) src(%dma_wait3A_174 : memref<128x64xbf16, #tpu.memory_space<vmem>>) dst(%dma_wait3A_171 : memref<128x64xbf16, #tpu.memory_space<hbm>>)
    return
  }
}

#map = affine_map<(d0, d1) -> (0, 0)>
#map1 = affine_map<(d0, d1) -> (0, 0, 0)>
module attributes {stable_mosaic.version = 14 : i64} {
  func.func @_gather_sc(%arg0: i32, %arg1: i32, %arg2: memref<1024x64xbf16, #tpu.memory_space<hbm>>, %arg3: memref<32x4x128xi32, #tpu.memory_space<hbm>>, %arg4: memref<16384x64xbf16, #tpu.memory_space<hbm>>, %arg5: memref<4x128xi32, #tpu.memory_space<vmem>>, %arg6: memref<512x64xbf16, #tpu.memory_space<vmem>>, %arg7: memref<!tpu.dma_semaphore, #tpu.memory_space<semaphore_mem>>, %arg8: memref<!tpu.dma_semaphore, #tpu.memory_space<semaphore_mem>>, %arg9: memref<!tpu.dma_semaphore, #tpu.memory_space<semaphore_mem>>, %arg10: memref<!tpu.dma_semaphore, #tpu.memory_space<semaphore_mem>>, %arg11: memref<!tpu.dma_semaphore, #tpu.memory_space<semaphore_mem>>, %arg12: memref<!tpu.dma_semaphore, #tpu.memory_space<semaphore_mem>>, %arg13: memref<!tpu.dma_semaphore, #tpu.memory_space<semaphore_mem>>, %arg14: memref<!tpu.dma_semaphore, #tpu.memory_space<semaphore_mem>>) attributes {dimension_semantics = [#tpu.dimension_semantics<core_parallel>, #tpu.dimension_semantics<subcore_parallel>], iteration_bounds = array<i64: 2, 16>, scalar_prefetch = 0 : i64, scratch_operands = 10 : i64, tpu.core_type = #tpu.core_type<sc_vector_subcore>, window_params = [{transform_indices = #map}, {transform_indices = #map1}, {transform_indices = #map}]} {
    %mul3A = arith.constant 2 : i32
    %mul3A_0 = arith.muli %arg1, %mul3A : i32
    %add3A = arith.addi %mul3A_0, %arg0 : i32
    "tpu.region"() ({
      %run_scoped3A = tpu.sem_alloc : memref<!tpu.dma_semaphore, #tpu.memory_space<semaphore_mem>>
      %dma_start3A_175 = arith.constant 0 : i32
      %dma_start3A_176 = arith.constant 0 : i32
      %dma_start3A_177 = tpu.memref_slice %arg3[%add3A, %dma_start3A_175, %dma_start3A_176] : memref<32x4x128xi32, #tpu.memory_space<hbm>> -> memref<1x4x128xi32, #tpu.memory_space<hbm>>
      %dma_start3A_178 = tpu.memref_squeeze %dma_start3A_177 : memref<1x4x128xi32, #tpu.memory_space<hbm>> -> memref<4x128xi32, #tpu.memory_space<hbm>>
      %dma_start3A_179 = arith.constant 0 : i32
      %dma_start3A_180 = arith.constant 0 : i32
      %dma_start3A_181 = tpu.memref_slice %arg3[%add3A, %dma_start3A_179, %dma_start3A_180] : memref<32x4x128xi32, #tpu.memory_space<hbm>> -> memref<1x4x128xi32, #tpu.memory_space<hbm>>
      %dma_start3A_182 = tpu.memref_squeeze %dma_start3A_181 : memref<1x4x128xi32, #tpu.memory_space<hbm>> -> memref<4x128xi32, #tpu.memory_space<hbm>>
      tpu.enqueue_dma source(%dma_start3A_182 : memref<4x128xi32, #tpu.memory_space<hbm>>) target(%arg5 : memref<4x128xi32, #tpu.memory_space<vmem>>) target_semaphore(%run_scoped3A : memref<!tpu.dma_semaphore, #tpu.memory_space<semaphore_mem>>)
      %dma_wait3A_183 = arith.constant 0 : i32
      %dma_wait3A_184 = arith.constant 0 : i32
      %dma_wait3A_185 = tpu.memref_slice %arg3[%add3A, %dma_wait3A_183, %dma_wait3A_184] : memref<32x4x128xi32, #tpu.memory_space<hbm>> -> memref<1x4x128xi32, #tpu.memory_space<hbm>>
      %dma_wait3A_186 = tpu.memref_squeeze %dma_wait3A_185 : memref<1x4x128xi32, #tpu.memory_space<hbm>> -> memref<4x128xi32, #tpu.memory_space<hbm>>
      %dma_wait3A_187 = arith.constant 0 : i32
      %dma_wait3A_188 = arith.constant 0 : i32
      %dma_wait3A_189 = tpu.memref_slice %arg3[%add3A, %dma_wait3A_187, %dma_wait3A_188] : memref<32x4x128xi32, #tpu.memory_space<hbm>> -> memref<1x4x128xi32, #tpu.memory_space<hbm>>
      %dma_wait3A_190 = tpu.memref_squeeze %dma_wait3A_189 : memref<1x4x128xi32, #tpu.memory_space<hbm>> -> memref<4x128xi32, #tpu.memory_space<hbm>>
      tpu.wait_dma2 semaphore(%run_scoped3A : memref<!tpu.dma_semaphore, #tpu.memory_space<semaphore_mem>>) src(%dma_wait3A_190 : memref<4x128xi32, #tpu.memory_space<hbm>>) dst(%arg5 : memref<4x128xi32, #tpu.memory_space<vmem>>)
      tpu.yield
    }) : () -> ()
    %dma_start3A = arith.constant 0 : i32
    %dma_start3A_1 = arith.constant 0 : i32
    %dma_start3A_2 = arith.constant 0 : i32
    %dma_start3A_3 = tpu.memref_slice %arg6[%dma_start3A_1, %dma_start3A_2] : memref<512x64xbf16, #tpu.memory_space<vmem>> -> memref<128x64xbf16, #tpu.memory_space<vmem>>
    %dma_start3A_4 = arith.constant 0 : i32
    %dma_start3A_5 = tpu.memref_slice %arg5[%dma_start3A, %dma_start3A_4] : memref<4x128xi32, #tpu.memory_space<vmem>> -> memref<1x128xi32, #tpu.memory_space<vmem>>
    %dma_start3A_6 = tpu.memref_squeeze %dma_start3A_5 : memref<1x128xi32, #tpu.memory_space<vmem>> -> memref<128xi32, #tpu.memory_space<vmem>>
    %dma_start3A_7 = arith.constant 0 : i32
    %dma_start3A_8 = arith.constant 0 : i32
    %dma_start3A_9 = tpu.memref_slice %arg2[%dma_start3A_7, %dma_start3A_8] : memref<1024x64xbf16, #tpu.memory_space<hbm>> -> memref<1024x64xbf16, #tpu.memory_space<hbm>>
    tpu.enqueue_indirect_dma source(%dma_start3A_9 : memref<1024x64xbf16, #tpu.memory_space<hbm>>) target(%dma_start3A_3 : memref<128x64xbf16, #tpu.memory_space<vmem>>) offsets(%dma_start3A_6 : memref<128xi32, #tpu.memory_space<vmem>>) semaphore(%arg7 : memref<!tpu.dma_semaphore, #tpu.memory_space<semaphore_mem>>)
    %dma_start3A_10 = arith.constant 1 : i32
    %dma_start3A_11 = arith.constant 128 : i32
    %dma_start3A_12 = arith.constant 0 : i32
    %dma_start3A_13 = tpu.memref_slice %arg6[%dma_start3A_11, %dma_start3A_12] : memref<512x64xbf16, #tpu.memory_space<vmem>> -> memref<128x64xbf16, #tpu.memory_space<vmem>>
    %dma_start3A_14 = arith.constant 0 : i32
    %dma_start3A_15 = tpu.memref_slice %arg5[%dma_start3A_10, %dma_start3A_14] : memref<4x128xi32, #tpu.memory_space<vmem>> -> memref<1x128xi32, #tpu.memory_space<vmem>>
    %dma_start3A_16 = tpu.memref_squeeze %dma_start3A_15 : memref<1x128xi32, #tpu.memory_space<vmem>> -> memref<128xi32, #tpu.memory_space<vmem>>
    %dma_start3A_17 = arith.constant 0 : i32
    %dma_start3A_18 = arith.constant 0 : i32
    %dma_start3A_19 = tpu.memref_slice %arg2[%dma_start3A_17, %dma_start3A_18] : memref<1024x64xbf16, #tpu.memory_space<hbm>> -> memref<1024x64xbf16, #tpu.memory_space<hbm>>
    tpu.enqueue_indirect_dma source(%dma_start3A_19 : memref<1024x64xbf16, #tpu.memory_space<hbm>>) target(%dma_start3A_13 : memref<128x64xbf16, #tpu.memory_space<vmem>>) offsets(%dma_start3A_16 : memref<128xi32, #tpu.memory_space<vmem>>) semaphore(%arg8 : memref<!tpu.dma_semaphore, #tpu.memory_space<semaphore_mem>>)
    %dma_start3A_20 = arith.constant 2 : i32
    %dma_start3A_21 = arith.constant 256 : i32
    %dma_start3A_22 = arith.constant 0 : i32
    %dma_start3A_23 = tpu.memref_slice %arg6[%dma_start3A_21, %dma_start3A_22] : memref<512x64xbf16, #tpu.memory_space<vmem>> -> memref<128x64xbf16, #tpu.memory_space<vmem>>
    %dma_start3A_24 = arith.constant 0 : i32
    %dma_start3A_25 = tpu.memref_slice %arg5[%dma_start3A_20, %dma_start3A_24] : memref<4x128xi32, #tpu.memory_space<vmem>> -> memref<1x128xi32, #tpu.memory_space<vmem>>
    %dma_start3A_26 = tpu.memref_squeeze %dma_start3A_25 : memref<1x128xi32, #tpu.memory_space<vmem>> -> memref<128xi32, #tpu.memory_space<vmem>>
    %dma_start3A_27 = arith.constant 0 : i32
    %dma_start3A_28 = arith.constant 0 : i32
    %dma_start3A_29 = tpu.memref_slice %arg2[%dma_start3A_27, %dma_start3A_28] : memref<1024x64xbf16, #tpu.memory_space<hbm>> -> memref<1024x64xbf16, #tpu.memory_space<hbm>>
    tpu.enqueue_indirect_dma source(%dma_start3A_29 : memref<1024x64xbf16, #tpu.memory_space<hbm>>) target(%dma_start3A_23 : memref<128x64xbf16, #tpu.memory_space<vmem>>) offsets(%dma_start3A_26 : memref<128xi32, #tpu.memory_space<vmem>>) semaphore(%arg9 : memref<!tpu.dma_semaphore, #tpu.memory_space<semaphore_mem>>)
    %dma_start3A_30 = arith.constant 3 : i32
    %dma_start3A_31 = arith.constant 384 : i32
    %dma_start3A_32 = arith.constant 0 : i32
    %dma_start3A_33 = tpu.memref_slice %arg6[%dma_start3A_31, %dma_start3A_32] : memref<512x64xbf16, #tpu.memory_space<vmem>> -> memref<128x64xbf16, #tpu.memory_space<vmem>>
    %dma_start3A_34 = arith.constant 0 : i32
    %dma_start3A_35 = tpu.memref_slice %arg5[%dma_start3A_30, %dma_start3A_34] : memref<4x128xi32, #tpu.memory_space<vmem>> -> memref<1x128xi32, #tpu.memory_space<vmem>>
    %dma_start3A_36 = tpu.memref_squeeze %dma_start3A_35 : memref<1x128xi32, #tpu.memory_space<vmem>> -> memref<128xi32, #tpu.memory_space<vmem>>
    %dma_start3A_37 = arith.constant 0 : i32
    %dma_start3A_38 = arith.constant 0 : i32
    %dma_start3A_39 = tpu.memref_slice %arg2[%dma_start3A_37, %dma_start3A_38] : memref<1024x64xbf16, #tpu.memory_space<hbm>> -> memref<1024x64xbf16, #tpu.memory_space<hbm>>
    tpu.enqueue_indirect_dma source(%dma_start3A_39 : memref<1024x64xbf16, #tpu.memory_space<hbm>>) target(%dma_start3A_33 : memref<128x64xbf16, #tpu.memory_space<vmem>>) offsets(%dma_start3A_36 : memref<128xi32, #tpu.memory_space<vmem>>) semaphore(%arg10 : memref<!tpu.dma_semaphore, #tpu.memory_space<semaphore_mem>>)
    %dma_wait3A = arith.constant 0 : i32
    %dma_wait3A_40 = arith.constant 0 : i32
    %dma_wait3A_41 = arith.constant 0 : i32
    %dma_wait3A_42 = tpu.memref_slice %arg6[%dma_wait3A_40, %dma_wait3A_41] : memref<512x64xbf16, #tpu.memory_space<vmem>> -> memref<128x64xbf16, #tpu.memory_space<vmem>>
    %dma_wait3A_43 = arith.constant 0 : i32
    %dma_wait3A_44 = tpu.memref_slice %arg5[%dma_wait3A, %dma_wait3A_43] : memref<4x128xi32, #tpu.memory_space<vmem>> -> memref<1x128xi32, #tpu.memory_space<vmem>>
    %dma_wait3A_45 = tpu.memref_squeeze %dma_wait3A_44 : memref<1x128xi32, #tpu.memory_space<vmem>> -> memref<128xi32, #tpu.memory_space<vmem>>
    %dma_wait3A_46 = arith.constant 0 : i32
    %dma_wait3A_47 = arith.constant 0 : i32
    %dma_wait3A_48 = tpu.memref_slice %arg2[%dma_wait3A_46, %dma_wait3A_47] : memref<1024x64xbf16, #tpu.memory_space<hbm>> -> memref<1024x64xbf16, #tpu.memory_space<hbm>>
    tpu.wait_indirect_dma semaphore(%arg7 : memref<!tpu.dma_semaphore, #tpu.memory_space<semaphore_mem>>) src(%dma_wait3A_48 : memref<1024x64xbf16, #tpu.memory_space<hbm>>) dst(%dma_wait3A_42 : memref<128x64xbf16, #tpu.memory_space<vmem>>)
    %mul3A_49 = arith.constant 512 : i32
    %mul3A_50 = arith.muli %add3A, %mul3A_49 : i32
    %add3A_51 = arith.constant 0 : i32
    %add3A_52 = arith.addi %mul3A_50, %add3A_51 : i32
    %dma_start3A_53 = arith.constant 0 : i32
    %dma_start3A_54 = arith.constant 0 : i32
    %dma_start3A_55 = tpu.memref_slice %arg6[%dma_start3A_53, %dma_start3A_54] : memref<512x64xbf16, #tpu.memory_space<vmem>> -> memref<128x64xbf16, #tpu.memory_space<vmem>>
    %dma_start3A_56 = arith.constant 0 : i32
    %dma_start3A_57 = tpu.memref_slice %arg4[%add3A_52, %dma_start3A_56] : memref<16384x64xbf16, #tpu.memory_space<hbm>> -> memref<128x64xbf16, #tpu.memory_space<hbm>>
    %dma_start3A_58 = arith.constant 0 : i32
    %dma_start3A_59 = tpu.memref_slice %arg4[%add3A_52, %dma_start3A_58] : memref<16384x64xbf16, #tpu.memory_space<hbm>> -> memref<128x64xbf16, #tpu.memory_space<hbm>>
    %dma_start3A_60 = arith.constant 0 : i32
    %dma_start3A_61 = arith.constant 0 : i32
    %dma_start3A_62 = tpu.memref_slice %arg6[%dma_start3A_60, %dma_start3A_61] : memref<512x64xbf16, #tpu.memory_space<vmem>> -> memref<128x64xbf16, #tpu.memory_space<vmem>>
    tpu.enqueue_dma source(%dma_start3A_62 : memref<128x64xbf16, #tpu.memory_space<vmem>>) target(%dma_start3A_59 : memref<128x64xbf16, #tpu.memory_space<hbm>>) target_semaphore(%arg11 : memref<!tpu.dma_semaphore, #tpu.memory_space<semaphore_mem>>)
    %dma_wait3A_63 = arith.constant 1 : i32
    %dma_wait3A_64 = arith.constant 128 : i32
    %dma_wait3A_65 = arith.constant 0 : i32
    %dma_wait3A_66 = tpu.memref_slice %arg6[%dma_wait3A_64, %dma_wait3A_65] : memref<512x64xbf16, #tpu.memory_space<vmem>> -> memref<128x64xbf16, #tpu.memory_space<vmem>>
    %dma_wait3A_67 = arith.constant 0 : i32
    %dma_wait3A_68 = tpu.memref_slice %arg5[%dma_wait3A_63, %dma_wait3A_67] : memref<4x128xi32, #tpu.memory_space<vmem>> -> memref<1x128xi32, #tpu.memory_space<vmem>>
    %dma_wait3A_69 = tpu.memref_squeeze %dma_wait3A_68 : memref<1x128xi32, #tpu.memory_space<vmem>> -> memref<128xi32, #tpu.memory_space<vmem>>
    %dma_wait3A_70 = arith.constant 0 : i32
    %dma_wait3A_71 = arith.constant 0 : i32
    %dma_wait3A_72 = tpu.memref_slice %arg2[%dma_wait3A_70, %dma_wait3A_71] : memref<1024x64xbf16, #tpu.memory_space<hbm>> -> memref<1024x64xbf16, #tpu.memory_space<hbm>>
    tpu.wait_indirect_dma semaphore(%arg8 : memref<!tpu.dma_semaphore, #tpu.memory_space<semaphore_mem>>) src(%dma_wait3A_72 : memref<1024x64xbf16, #tpu.memory_space<hbm>>) dst(%dma_wait3A_66 : memref<128x64xbf16, #tpu.memory_space<vmem>>)
    %mul3A_73 = arith.constant 512 : i32
    %mul3A_74 = arith.muli %add3A, %mul3A_73 : i32
    %add3A_75 = arith.constant 128 : i32
    %add3A_76 = arith.addi %mul3A_74, %add3A_75 : i32
    %dma_start3A_77 = arith.constant 128 : i32
    %dma_start3A_78 = arith.constant 0 : i32
    %dma_start3A_79 = tpu.memref_slice %arg6[%dma_start3A_77, %dma_start3A_78] : memref<512x64xbf16, #tpu.memory_space<vmem>> -> memref<128x64xbf16, #tpu.memory_space<vmem>>
    %dma_start3A_80 = arith.constant 0 : i32
    %dma_start3A_81 = tpu.memref_slice %arg4[%add3A_76, %dma_start3A_80] : memref<16384x64xbf16, #tpu.memory_space<hbm>> -> memref<128x64xbf16, #tpu.memory_space<hbm>>
    %dma_start3A_82 = arith.constant 0 : i32
    %dma_start3A_83 = tpu.memref_slice %arg4[%add3A_76, %dma_start3A_82] : memref<16384x64xbf16, #tpu.memory_space<hbm>> -> memref<128x64xbf16, #tpu.memory_space<hbm>>
    %dma_start3A_84 = arith.constant 128 : i32
    %dma_start3A_85 = arith.constant 0 : i32
    %dma_start3A_86 = tpu.memref_slice %arg6[%dma_start3A_84, %dma_start3A_85] : memref<512x64xbf16, #tpu.memory_space<vmem>> -> memref<128x64xbf16, #tpu.memory_space<vmem>>
    tpu.enqueue_dma source(%dma_start3A_86 : memref<128x64xbf16, #tpu.memory_space<vmem>>) target(%dma_start3A_83 : memref<128x64xbf16, #tpu.memory_space<hbm>>) target_semaphore(%arg12 : memref<!tpu.dma_semaphore, #tpu.memory_space<semaphore_mem>>)
    %dma_wait3A_87 = arith.constant 2 : i32
    %dma_wait3A_88 = arith.constant 256 : i32
    %dma_wait3A_89 = arith.constant 0 : i32
    %dma_wait3A_90 = tpu.memref_slice %arg6[%dma_wait3A_88, %dma_wait3A_89] : memref<512x64xbf16, #tpu.memory_space<vmem>> -> memref<128x64xbf16, #tpu.memory_space<vmem>>
    %dma_wait3A_91 = arith.constant 0 : i32
    %dma_wait3A_92 = tpu.memref_slice %arg5[%dma_wait3A_87, %dma_wait3A_91] : memref<4x128xi32, #tpu.memory_space<vmem>> -> memref<1x128xi32, #tpu.memory_space<vmem>>
    %dma_wait3A_93 = tpu.memref_squeeze %dma_wait3A_92 : memref<1x128xi32, #tpu.memory_space<vmem>> -> memref<128xi32, #tpu.memory_space<vmem>>
    %dma_wait3A_94 = arith.constant 0 : i32
    %dma_wait3A_95 = arith.constant 0 : i32
    %dma_wait3A_96 = tpu.memref_slice %arg2[%dma_wait3A_94, %dma_wait3A_95] : memref<1024x64xbf16, #tpu.memory_space<hbm>> -> memref<1024x64xbf16, #tpu.memory_space<hbm>>
    tpu.wait_indirect_dma semaphore(%arg9 : memref<!tpu.dma_semaphore, #tpu.memory_space<semaphore_mem>>) src(%dma_wait3A_96 : memref<1024x64xbf16, #tpu.memory_space<hbm>>) dst(%dma_wait3A_90 : memref<128x64xbf16, #tpu.memory_space<vmem>>)
    %mul3A_97 = arith.constant 512 : i32
    %mul3A_98 = arith.muli %add3A, %mul3A_97 : i32
    %add3A_99 = arith.constant 256 : i32
    %add3A_100 = arith.addi %mul3A_98, %add3A_99 : i32
    %dma_start3A_101 = arith.constant 256 : i32
    %dma_start3A_102 = arith.constant 0 : i32
    %dma_start3A_103 = tpu.memref_slice %arg6[%dma_start3A_101, %dma_start3A_102] : memref<512x64xbf16, #tpu.memory_space<vmem>> -> memref<128x64xbf16, #tpu.memory_space<vmem>>
    %dma_start3A_104 = arith.constant 0 : i32
    %dma_start3A_105 = tpu.memref_slice %arg4[%add3A_100, %dma_start3A_104] : memref<16384x64xbf16, #tpu.memory_space<hbm>> -> memref<128x64xbf16, #tpu.memory_space<hbm>>
    %dma_start3A_106 = arith.constant 0 : i32
    %dma_start3A_107 = tpu.memref_slice %arg4[%add3A_100, %dma_start3A_106] : memref<16384x64xbf16, #tpu.memory_space<hbm>> -> memref<128x64xbf16, #tpu.memory_space<hbm>>
    %dma_start3A_108 = arith.constant 256 : i32
    %dma_start3A_109 = arith.constant 0 : i32
    %dma_start3A_110 = tpu.memref_slice %arg6[%dma_start3A_108, %dma_start3A_109] : memref<512x64xbf16, #tpu.memory_space<vmem>> -> memref<128x64xbf16, #tpu.memory_space<vmem>>
    tpu.enqueue_dma source(%dma_start3A_110 : memref<128x64xbf16, #tpu.memory_space<vmem>>) target(%dma_start3A_107 : memref<128x64xbf16, #tpu.memory_space<hbm>>) target_semaphore(%arg13 : memref<!tpu.dma_semaphore, #tpu.memory_space<semaphore_mem>>)
    %dma_wait3A_111 = arith.constant 3 : i32
    %dma_wait3A_112 = arith.constant 384 : i32
    %dma_wait3A_113 = arith.constant 0 : i32
    %dma_wait3A_114 = tpu.memref_slice %arg6[%dma_wait3A_112, %dma_wait3A_113] : memref<512x64xbf16, #tpu.memory_space<vmem>> -> memref<128x64xbf16, #tpu.memory_space<vmem>>
    %dma_wait3A_115 = arith.constant 0 : i32
    %dma_wait3A_116 = tpu.memref_slice %arg5[%dma_wait3A_111, %dma_wait3A_115] : memref<4x128xi32, #tpu.memory_space<vmem>> -> memref<1x128xi32, #tpu.memory_space<vmem>>
    %dma_wait3A_117 = tpu.memref_squeeze %dma_wait3A_116 : memref<1x128xi32, #tpu.memory_space<vmem>> -> memref<128xi32, #tpu.memory_space<vmem>>
    %dma_wait3A_118 = arith.constant 0 : i32
    %dma_wait3A_119 = arith.constant 0 : i32
    %dma_wait3A_120 = tpu.memref_slice %arg2[%dma_wait3A_118, %dma_wait3A_119] : memref<1024x64xbf16, #tpu.memory_space<hbm>> -> memref<1024x64xbf16, #tpu.memory_space<hbm>>
    tpu.wait_indirect_dma semaphore(%arg10 : memref<!tpu.dma_semaphore, #tpu.memory_space<semaphore_mem>>) src(%dma_wait3A_120 : memref<1024x64xbf16, #tpu.memory_space<hbm>>) dst(%dma_wait3A_114 : memref<128x64xbf16, #tpu.memory_space<vmem>>)
    %mul3A_121 = arith.constant 512 : i32
    %mul3A_122 = arith.muli %add3A, %mul3A_121 : i32
    %add3A_123 = arith.constant 384 : i32
    %add3A_124 = arith.addi %mul3A_122, %add3A_123 : i32
    %dma_start3A_125 = arith.constant 384 : i32
    %dma_start3A_126 = arith.constant 0 : i32
    %dma_start3A_127 = tpu.memref_slice %arg6[%dma_start3A_125, %dma_start3A_126] : memref<512x64xbf16, #tpu.memory_space<vmem>> -> memref<128x64xbf16, #tpu.memory_space<vmem>>
    %dma_start3A_128 = arith.constant 0 : i32
    %dma_start3A_129 = tpu.memref_slice %arg4[%add3A_124, %dma_start3A_128] : memref<16384x64xbf16, #tpu.memory_space<hbm>> -> memref<128x64xbf16, #tpu.memory_space<hbm>>
    %dma_start3A_130 = arith.constant 0 : i32
    %dma_start3A_131 = tpu.memref_slice %arg4[%add3A_124, %dma_start3A_130] : memref<16384x64xbf16, #tpu.memory_space<hbm>> -> memref<128x64xbf16, #tpu.memory_space<hbm>>
    %dma_start3A_132 = arith.constant 384 : i32
    %dma_start3A_133 = arith.constant 0 : i32
    %dma_start3A_134 = tpu.memref_slice %arg6[%dma_start3A_132, %dma_start3A_133] : memref<512x64xbf16, #tpu.memory_space<vmem>> -> memref<128x64xbf16, #tpu.memory_space<vmem>>
    tpu.enqueue_dma source(%dma_start3A_134 : memref<128x64xbf16, #tpu.memory_space<vmem>>) target(%dma_start3A_131 : memref<128x64xbf16, #tpu.memory_space<hbm>>) target_semaphore(%arg14 : memref<!tpu.dma_semaphore, #tpu.memory_space<semaphore_mem>>)
    %dma_wait3A_135 = arith.constant 0 : i32
    %dma_wait3A_136 = arith.constant 0 : i32
    %dma_wait3A_137 = tpu.memref_slice %arg6[%dma_wait3A_135, %dma_wait3A_136] : memref<512x64xbf16, #tpu.memory_space<vmem>> -> memref<128x64xbf16, #tpu.memory_space<vmem>>
    %dma_wait3A_138 = arith.constant 0 : i32
    %dma_wait3A_139 = tpu.memref_slice %arg4[%add3A_52, %dma_wait3A_138] : memref<16384x64xbf16, #tpu.memory_space<hbm>> -> memref<128x64xbf16, #tpu.memory_space<hbm>>
    %dma_wait3A_140 = arith.constant 0 : i32
    %dma_wait3A_141 = tpu.memref_slice %arg4[%add3A_52, %dma_wait3A_140] : memref<16384x64xbf16, #tpu.memory_space<hbm>> -> memref<128x64xbf16, #tpu.memory_space<hbm>>
    %dma_wait3A_142 = arith.constant 0 : i32
    %dma_wait3A_143 = arith.constant 0 : i32
    %dma_wait3A_144 = tpu.memref_slice %arg6[%dma_wait3A_142, %dma_wait3A_143] : memref<512x64xbf16, #tpu.memory_space<vmem>> -> memref<128x64xbf16, #tpu.memory_space<vmem>>
    tpu.wait_dma2 semaphore(%arg11 : memref<!tpu.dma_semaphore, #tpu.memory_space<semaphore_mem>>) src(%dma_wait3A_144 : memref<128x64xbf16, #tpu.memory_space<vmem>>) dst(%dma_wait3A_141 : memref<128x64xbf16, #tpu.memory_space<hbm>>)
    %dma_wait3A_145 = arith.constant 128 : i32
    %dma_wait3A_146 = arith.constant 0 : i32
    %dma_wait3A_147 = tpu.memref_slice %arg6[%dma_wait3A_145, %dma_wait3A_146] : memref<512x64xbf16, #tpu.memory_space<vmem>> -> memref<128x64xbf16, #tpu.memory_space<vmem>>
    %dma_wait3A_148 = arith.constant 0 : i32
    %dma_wait3A_149 = tpu.memref_slice %arg4[%add3A_76, %dma_wait3A_148] : memref<16384x64xbf16, #tpu.memory_space<hbm>> -> memref<128x64xbf16, #tpu.memory_space<hbm>>
    %dma_wait3A_150 = arith.constant 0 : i32
    %dma_wait3A_151 = tpu.memref_slice %arg4[%add3A_76, %dma_wait3A_150] : memref<16384x64xbf16, #tpu.memory_space<hbm>> -> memref<128x64xbf16, #tpu.memory_space<hbm>>
    %dma_wait3A_152 = arith.constant 128 : i32
    %dma_wait3A_153 = arith.constant 0 : i32
    %dma_wait3A_154 = tpu.memref_slice %arg6[%dma_wait3A_152, %dma_wait3A_153] : memref<512x64xbf16, #tpu.memory_space<vmem>> -> memref<128x64xbf16, #tpu.memory_space<vmem>>
    tpu.wait_dma2 semaphore(%arg12 : memref<!tpu.dma_semaphore, #tpu.memory_space<semaphore_mem>>) src(%dma_wait3A_154 : memref<128x64xbf16, #tpu.memory_space<vmem>>) dst(%dma_wait3A_151 : memref<128x64xbf16, #tpu.memory_space<hbm>>)
    %dma_wait3A_155 = arith.constant 256 : i32
    %dma_wait3A_156 = arith.constant 0 : i32
    %dma_wait3A_157 = tpu.memref_slice %arg6[%dma_wait3A_155, %dma_wait3A_156] : memref<512x64xbf16, #tpu.memory_space<vmem>> -> memref<128x64xbf16, #tpu.memory_space<vmem>>
    %dma_wait3A_158 = arith.constant 0 : i32
    %dma_wait3A_159 = tpu.memref_slice %arg4[%add3A_100, %dma_wait3A_158] : memref<16384x64xbf16, #tpu.memory_space<hbm>> -> memref<128x64xbf16, #tpu.memory_space<hbm>>
    %dma_wait3A_160 = arith.constant 0 : i32
    %dma_wait3A_161 = tpu.memref_slice %arg4[%add3A_100, %dma_wait3A_160] : memref<16384x64xbf16, #tpu.memory_space<hbm>> -> memref<128x64xbf16, #tpu.memory_space<hbm>>
    %dma_wait3A_162 = arith.constant 256 : i32
    %dma_wait3A_163 = arith.constant 0 : i32
    %dma_wait3A_164 = tpu.memref_slice %arg6[%dma_wait3A_162, %dma_wait3A_163] : memref<512x64xbf16, #tpu.memory_space<vmem>> -> memref<128x64xbf16, #tpu.memory_space<vmem>>
    tpu.wait_dma2 semaphore(%arg13 : memref<!tpu.dma_semaphore, #tpu.memory_space<semaphore_mem>>) src(%dma_wait3A_164 : memref<128x64xbf16, #tpu.memory_space<vmem>>) dst(%dma_wait3A_161 : memref<128x64xbf16, #tpu.memory_space<hbm>>)
    %dma_wait3A_165 = arith.constant 384 : i32
    %dma_wait3A_166 = arith.constant 0 : i32
    %dma_wait3A_167 = tpu.memref_slice %arg6[%dma_wait3A_165, %dma_wait3A_166] : memref<512x64xbf16, #tpu.memory_space<vmem>> -> memref<128x64xbf16, #tpu.memory_space<vmem>>
    %dma_wait3A_168 = arith.constant 0 : i32
    %dma_wait3A_169 = tpu.memref_slice %arg4[%add3A_124, %dma_wait3A_168] : memref<16384x64xbf16, #tpu.memory_space<hbm>> -> memref<128x64xbf16, #tpu.memory_space<hbm>>
    %dma_wait3A_170 = arith.constant 0 : i32
    %dma_wait3A_171 = tpu.memref_slice %arg4[%add3A_124, %dma_wait3A_170] : memref<16384x64xbf16, #tpu.memory_space<hbm>> -> memref<128x64xbf16, #tpu.memory_space<hbm>>
    %dma_wait3A_172 = arith.constant 384 : i32
    %dma_wait3A_173 = arith.constant 0 : i32
    %dma_wait3A_174 = tpu.memref_slice %arg6[%dma_wait3A_172, %dma_wait3A_173] : memref<512x64xbf16, #tpu.memory_space<vmem>> -> memref<128x64xbf16, #tpu.memory_space<vmem>>
    tpu.wait_dma2 semaphore(%arg14 : memref<!tpu.dma_semaphore, #tpu.memory_space<semaphore_mem>>) src(%dma_wait3A_174 : memref<128x64xbf16, #tpu.memory_space<vmem>>) dst(%dma_wait3A_171 : memref<128x64xbf16, #tpu.memory_space<hbm>>)
    return
  }
}

#map = affine_map<(d0, d1) -> (0, 0)>
#map1 = affine_map<(d0, d1) -> (0, 0, 0)>
module attributes {stable_mosaic.version = 14 : i64} {
  func.func @_gather_sc(%arg0: i32, %arg1: i32, %arg2: memref<1024x64xbf16, #tpu.memory_space<hbm>>, %arg3: memref<32x4x128xi32, #tpu.memory_space<hbm>>, %arg4: memref<16384x64xbf16, #tpu.memory_space<hbm>>, %arg5: memref<4x128xi32, #tpu.memory_space<vmem>>, %arg6: memref<512x64xbf16, #tpu.memory_space<vmem>>, %arg7: memref<!tpu.dma_semaphore, #tpu.memory_space<semaphore_mem>>, %arg8: memref<!tpu.dma_semaphore, #tpu.memory_space<semaphore_mem>>, %arg9: memref<!tpu.dma_semaphore, #tpu.memory_space<semaphore_mem>>, %arg10: memref<!tpu.dma_semaphore, #tpu.memory_space<semaphore_mem>>, %arg11: memref<!tpu.dma_semaphore, #tpu.memory_space<semaphore_mem>>, %arg12: memref<!tpu.dma_semaphore, #tpu.memory_space<semaphore_mem>>, %arg13: memref<!tpu.dma_semaphore, #tpu.memory_space<semaphore_mem>>, %arg14: memref<!tpu.dma_semaphore, #tpu.memory_space<semaphore_mem>>) attributes {dimension_semantics = [#tpu.dimension_semantics<core_parallel>, #tpu.dimension_semantics<subcore_parallel>], iteration_bounds = array<i64: 2, 16>, scalar_prefetch = 0 : i64, scratch_operands = 10 : i64, tpu.core_type = #tpu.core_type<sc_vector_subcore>, window_params = [{transform_indices = #map}, {transform_indices = #map1}, {transform_indices = #map}]} {
    %mul3A = arith.constant 2 : i32
    %mul3A_0 = arith.muli %arg1, %mul3A : i32
    %add3A = arith.addi %mul3A_0, %arg0 : i32
    "tpu.region"() ({
      %run_scoped3A = tpu.sem_alloc : memref<!tpu.dma_semaphore, #tpu.memory_space<semaphore_mem>>
      %dma_start3A_175 = arith.constant 0 : i32
      %dma_start3A_176 = arith.constant 0 : i32
      %dma_start3A_177 = tpu.memref_slice %arg3[%add3A, %dma_start3A_175, %dma_start3A_176] : memref<32x4x128xi32, #tpu.memory_space<hbm>> -> memref<1x4x128xi32, #tpu.memory_space<hbm>>
      %dma_start3A_178 = tpu.memref_squeeze %dma_start3A_177 : memref<1x4x128xi32, #tpu.memory_space<hbm>> -> memref<4x128xi32, #tpu.memory_space<hbm>>
      %dma_start3A_179 = arith.constant 0 : i32
      %dma_start3A_180 = arith.constant 0 : i32
      %dma_start3A_181 = tpu.memref_slice %arg3[%add3A, %dma_start3A_179, %dma_start3A_180] : memref<32x4x128xi32, #tpu.memory_space<hbm>> -> memref<1x4x128xi32, #tpu.memory_space<hbm>>
      %dma_start3A_182 = tpu.memref_squeeze %dma_start3A_181 : memref<1x4x128xi32, #tpu.memory_space<hbm>> -> memref<4x128xi32, #tpu.memory_space<hbm>>
      tpu.enqueue_dma source(%dma_start3A_182 : memref<4x128xi32, #tpu.memory_space<hbm>>) target(%arg5 : memref<4x128xi32, #tpu.memory_space<vmem>>) target_semaphore(%run_scoped3A : memref<!tpu.dma_semaphore, #tpu.memory_space<semaphore_mem>>)
      %dma_wait3A_183 = arith.constant 0 : i32
      %dma_wait3A_184 = arith.constant 0 : i32
      %dma_wait3A_185 = tpu.memref_slice %arg3[%add3A, %dma_wait3A_183, %dma_wait3A_184] : memref<32x4x128xi32, #tpu.memory_space<hbm>> -> memref<1x4x128xi32, #tpu.memory_space<hbm>>
      %dma_wait3A_186 = tpu.memref_squeeze %dma_wait3A_185 : memref<1x4x128xi32, #tpu.memory_space<hbm>> -> memref<4x128xi32, #tpu.memory_space<hbm>>
      %dma_wait3A_187 = arith.constant 0 : i32
      %dma_wait3A_188 = arith.constant 0 : i32
      %dma_wait3A_189 = tpu.memref_slice %arg3[%add3A, %dma_wait3A_187, %dma_wait3A_188] : memref<32x4x128xi32, #tpu.memory_space<hbm>> -> memref<1x4x128xi32, #tpu.memory_space<hbm>>
      %dma_wait3A_190 = tpu.memref_squeeze %dma_wait3A_189 : memref<1x4x128xi32, #tpu.memory_space<hbm>> -> memref<4x128xi32, #tpu.memory_space<hbm>>
      tpu.wait_dma2 semaphore(%run_scoped3A : memref<!tpu.dma_semaphore, #tpu.memory_space<semaphore_mem>>) src(%dma_wait3A_190 : memref<4x128xi32, #tpu.memory_space<hbm>>) dst(%arg5 : memref<4x128xi32, #tpu.memory_space<vmem>>)
      tpu.yield
    }) : () -> ()
    %dma_start3A = arith.constant 0 : i32
    %dma_start3A_1 = arith.constant 0 : i32
    %dma_start3A_2 = arith.constant 0 : i32
    %dma_start3A_3 = tpu.memref_slice %arg6[%dma_start3A_1, %dma_start3A_2] : memref<512x64xbf16, #tpu.memory_space<vmem>> -> memref<128x64xbf16, #tpu.memory_space<vmem>>
    %dma_start3A_4 = arith.constant 0 : i32
    %dma_start3A_5 = tpu.memref_slice %arg5[%dma_start3A, %dma_start3A_4] : memref<4x128xi32, #tpu.memory_space<vmem>> -> memref<1x128xi32, #tpu.memory_space<vmem>>
    %dma_start3A_6 = tpu.memref_squeeze %dma_start3A_5 : memref<1x128xi32, #tpu.memory_space<vmem>> -> memref<128xi32, #tpu.memory_space<vmem>>
    %dma_start3A_7 = arith.constant 0 : i32
    %dma_start3A_8 = arith.constant 0 : i32
    %dma_start3A_9 = tpu.memref_slice %arg2[%dma_start3A_7, %dma_start3A_8] : memref<1024x64xbf16, #tpu.memory_space<hbm>> -> memref<1024x64xbf16, #tpu.memory_space<hbm>>
    tpu.enqueue_indirect_dma source(%dma_start3A_9 : memref<1024x64xbf16, #tpu.memory_space<hbm>>) target(%dma_start3A_3 : memref<128x64xbf16, #tpu.memory_space<vmem>>) offsets(%dma_start3A_6 : memref<128xi32, #tpu.memory_space<vmem>>) semaphore(%arg7 : memref<!tpu.dma_semaphore, #tpu.memory_space<semaphore_mem>>)
    %dma_start3A_10 = arith.constant 1 : i32
    %dma_start3A_11 = arith.constant 128 : i32
    %dma_start3A_12 = arith.constant 0 : i32
    %dma_start3A_13 = tpu.memref_slice %arg6[%dma_start3A_11, %dma_start3A_12] : memref<512x64xbf16, #tpu.memory_space<vmem>> -> memref<128x64xbf16, #tpu.memory_space<vmem>>
    %dma_start3A_14 = arith.constant 0 : i32
    %dma_start3A_15 = tpu.memref_slice %arg5[%dma_start3A_10, %dma_start3A_14] : memref<4x128xi32, #tpu.memory_space<vmem>> -> memref<1x128xi32, #tpu.memory_space<vmem>>
    %dma_start3A_16 = tpu.memref_squeeze %dma_start3A_15 : memref<1x128xi32, #tpu.memory_space<vmem>> -> memref<128xi32, #tpu.memory_space<vmem>>
    %dma_start3A_17 = arith.constant 0 : i32
    %dma_start3A_18 = arith.constant 0 : i32
    %dma_start3A_19 = tpu.memref_slice %arg2[%dma_start3A_17, %dma_start3A_18] : memref<1024x64xbf16, #tpu.memory_space<hbm>> -> memref<1024x64xbf16, #tpu.memory_space<hbm>>
    tpu.enqueue_indirect_dma source(%dma_start3A_19 : memref<1024x64xbf16, #tpu.memory_space<hbm>>) target(%dma_start3A_13 : memref<128x64xbf16, #tpu.memory_space<vmem>>) offsets(%dma_start3A_16 : memref<128xi32, #tpu.memory_space<vmem>>) semaphore(%arg8 : memref<!tpu.dma_semaphore, #tpu.memory_space<semaphore_mem>>)
    %dma_start3A_20 = arith.constant 2 : i32
    %dma_start3A_21 = arith.constant 256 : i32
    %dma_start3A_22 = arith.constant 0 : i32
    %dma_start3A_23 = tpu.memref_slice %arg6[%dma_start3A_21, %dma_start3A_22] : memref<512x64xbf16, #tpu.memory_space<vmem>> -> memref<128x64xbf16, #tpu.memory_space<vmem>>
    %dma_start3A_24 = arith.constant 0 : i32
    %dma_start3A_25 = tpu.memref_slice %arg5[%dma_start3A_20, %dma_start3A_24] : memref<4x128xi32, #tpu.memory_space<vmem>> -> memref<1x128xi32, #tpu.memory_space<vmem>>
    %dma_start3A_26 = tpu.memref_squeeze %dma_start3A_25 : memref<1x128xi32, #tpu.memory_space<vmem>> -> memref<128xi32, #tpu.memory_space<vmem>>
    %dma_start3A_27 = arith.constant 0 : i32
    %dma_start3A_28 = arith.constant 0 : i32
    %dma_start3A_29 = tpu.memref_slice %arg2[%dma_start3A_27, %dma_start3A_28] : memref<1024x64xbf16, #tpu.memory_space<hbm>> -> memref<1024x64xbf16, #tpu.memory_space<hbm>>
    tpu.enqueue_indirect_dma source(%dma_start3A_29 : memref<1024x64xbf16, #tpu.memory_space<hbm>>) target(%dma_start3A_23 : memref<128x64xbf16, #tpu.memory_space<vmem>>) offsets(%dma_start3A_26 : memref<128xi32, #tpu.memory_space<vmem>>) semaphore(%arg9 : memref<!tpu.dma_semaphore, #tpu.memory_space<semaphore_mem>>)
    %dma_start3A_30 = arith.constant 3 : i32
    %dma_start3A_31 = arith.constant 384 : i32
    %dma_start3A_32 = arith.constant 0 : i32
    %dma_start3A_33 = tpu.memref_slice %arg6[%dma_start3A_31, %dma_start3A_32] : memref<512x64xbf16, #tpu.memory_space<vmem>> -> memref<128x64xbf16, #tpu.memory_space<vmem>>
    %dma_start3A_34 = arith.constant 0 : i32
    %dma_start3A_35 = tpu.memref_slice %arg5[%dma_start3A_30, %dma_start3A_34] : memref<4x128xi32, #tpu.memory_space<vmem>> -> memref<1x128xi32, #tpu.memory_space<vmem>>
    %dma_start3A_36 = tpu.memref_squeeze %dma_start3A_35 : memref<1x128xi32, #tpu.memory_space<vmem>> -> memref<128xi32, #tpu.memory_space<vmem>>
    %dma_start3A_37 = arith.constant 0 : i32
    %dma_start3A_38 = arith.constant 0 : i32
    %dma_start3A_39 = tpu.memref_slice %arg2[%dma_start3A_37, %dma_start3A_38] : memref<1024x64xbf16, #tpu.memory_space<hbm>> -> memref<1024x64xbf16, #tpu.memory_space<hbm>>
    tpu.enqueue_indirect_dma source(%dma_start3A_39 : memref<1024x64xbf16, #tpu.memory_space<hbm>>) target(%dma_start3A_33 : memref<128x64xbf16, #tpu.memory_space<vmem>>) offsets(%dma_start3A_36 : memref<128xi32, #tpu.memory_space<vmem>>) semaphore(%arg10 : memref<!tpu.dma_semaphore, #tpu.memory_space<semaphore_mem>>)
    %dma_wait3A = arith.constant 0 : i32
    %dma_wait3A_40 = arith.constant 0 : i32
    %dma_wait3A_41 = arith.constant 0 : i32
    %dma_wait3A_42 = tpu.memref_slice %arg6[%dma_wait3A_40, %dma_wait3A_41] : memref<512x64xbf16, #tpu.memory_space<vmem>> -> memref<128x64xbf16, #tpu.memory_space<vmem>>
    %dma_wait3A_43 = arith.constant 0 : i32
    %dma_wait3A_44 = tpu.memref_slice %arg5[%dma_wait3A, %dma_wait3A_43] : memref<4x128xi32, #tpu.memory_space<vmem>> -> memref<1x128xi32, #tpu.memory_space<vmem>>
    %dma_wait3A_45 = tpu.memref_squeeze %dma_wait3A_44 : memref<1x128xi32, #tpu.memory_space<vmem>> -> memref<128xi32, #tpu.memory_space<vmem>>
    %dma_wait3A_46 = arith.constant 0 : i32
    %dma_wait3A_47 = arith.constant 0 : i32
    %dma_wait3A_48 = tpu.memref_slice %arg2[%dma_wait3A_46, %dma_wait3A_47] : memref<1024x64xbf16, #tpu.memory_space<hbm>> -> memref<1024x64xbf16, #tpu.memory_space<hbm>>
    tpu.wait_indirect_dma semaphore(%arg7 : memref<!tpu.dma_semaphore, #tpu.memory_space<semaphore_mem>>) src(%dma_wait3A_48 : memref<1024x64xbf16, #tpu.memory_space<hbm>>) dst(%dma_wait3A_42 : memref<128x64xbf16, #tpu.memory_space<vmem>>)
    %mul3A_49 = arith.constant 512 : i32
    %mul3A_50 = arith.muli %add3A, %mul3A_49 : i32
    %add3A_51 = arith.constant 0 : i32
    %add3A_52 = arith.addi %mul3A_50, %add3A_51 : i32
    %dma_start3A_53 = arith.constant 0 : i32
    %dma_start3A_54 = arith.constant 0 : i32
    %dma_start3A_55 = tpu.memref_slice %arg6[%dma_start3A_53, %dma_start3A_54] : memref<512x64xbf16, #tpu.memory_space<vmem>> -> memref<128x64xbf16, #tpu.memory_space<vmem>>
    %dma_start3A_56 = arith.constant 0 : i32
    %dma_start3A_57 = tpu.memref_slice %arg4[%add3A_52, %dma_start3A_56] : memref<16384x64xbf16, #tpu.memory_space<hbm>> -> memref<128x64xbf16, #tpu.memory_space<hbm>>
    %dma_start3A_58 = arith.constant 0 : i32
    %dma_start3A_59 = tpu.memref_slice %arg4[%add3A_52, %dma_start3A_58] : memref<16384x64xbf16, #tpu.memory_space<hbm>> -> memref<128x64xbf16, #tpu.memory_space<hbm>>
    %dma_start3A_60 = arith.constant 0 : i32
    %dma_start3A_61 = arith.constant 0 : i32
    %dma_start3A_62 = tpu.memref_slice %arg6[%dma_start3A_60, %dma_start3A_61] : memref<512x64xbf16, #tpu.memory_space<vmem>> -> memref<128x64xbf16, #tpu.memory_space<vmem>>
    tpu.enqueue_dma source(%dma_start3A_62 : memref<128x64xbf16, #tpu.memory_space<vmem>>) target(%dma_start3A_59 : memref<128x64xbf16, #tpu.memory_space<hbm>>) target_semaphore(%arg11 : memref<!tpu.dma_semaphore, #tpu.memory_space<semaphore_mem>>)
    %dma_wait3A_63 = arith.constant 1 : i32
    %dma_wait3A_64 = arith.constant 128 : i32
    %dma_wait3A_65 = arith.constant 0 : i32
    %dma_wait3A_66 = tpu.memref_slice %arg6[%dma_wait3A_64, %dma_wait3A_65] : memref<512x64xbf16, #tpu.memory_space<vmem>> -> memref<128x64xbf16, #tpu.memory_space<vmem>>
    %dma_wait3A_67 = arith.constant 0 : i32
    %dma_wait3A_68 = tpu.memref_slice %arg5[%dma_wait3A_63, %dma_wait3A_67] : memref<4x128xi32, #tpu.memory_space<vmem>> -> memref<1x128xi32, #tpu.memory_space<vmem>>
    %dma_wait3A_69 = tpu.memref_squeeze %dma_wait3A_68 : memref<1x128xi32, #tpu.memory_space<vmem>> -> memref<128xi32, #tpu.memory_space<vmem>>
    %dma_wait3A_70 = arith.constant 0 : i32
    %dma_wait3A_71 = arith.constant 0 : i32
    %dma_wait3A_72 = tpu.memref_slice %arg2[%dma_wait3A_70, %dma_wait3A_71] : memref<1024x64xbf16, #tpu.memory_space<hbm>> -> memref<1024x64xbf16, #tpu.memory_space<hbm>>
    tpu.wait_indirect_dma semaphore(%arg8 : memref<!tpu.dma_semaphore, #tpu.memory_space<semaphore_mem>>) src(%dma_wait3A_72 : memref<1024x64xbf16, #tpu.memory_space<hbm>>) dst(%dma_wait3A_66 : memref<128x64xbf16, #tpu.memory_space<vmem>>)
    %mul3A_73 = arith.constant 512 : i32
    %mul3A_74 = arith.muli %add3A, %mul3A_73 : i32
    %add3A_75 = arith.constant 128 : i32
    %add3A_76 = arith.addi %mul3A_74, %add3A_75 : i32
    %dma_start3A_77 = arith.constant 128 : i32
    %dma_start3A_78 = arith.constant 0 : i32
    %dma_start3A_79 = tpu.memref_slice %arg6[%dma_start3A_77, %dma_start3A_78] : memref<512x64xbf16, #tpu.memory_space<vmem>> -> memref<128x64xbf16, #tpu.memory_space<vmem>>
    %dma_start3A_80 = arith.constant 0 : i32
    %dma_start3A_81 = tpu.memref_slice %arg4[%add3A_76, %dma_start3A_80] : memref<16384x64xbf16, #tpu.memory_space<hbm>> -> memref<128x64xbf16, #tpu.memory_space<hbm>>
    %dma_start3A_82 = arith.constant 0 : i32
    %dma_start3A_83 = tpu.memref_slice %arg4[%add3A_76, %dma_start3A_82] : memref<16384x64xbf16, #tpu.memory_space<hbm>> -> memref<128x64xbf16, #tpu.memory_space<hbm>>
    %dma_start3A_84 = arith.constant 128 : i32
    %dma_start3A_85 = arith.constant 0 : i32
    %dma_start3A_86 = tpu.memref_slice %arg6[%dma_start3A_84, %dma_start3A_85] : memref<512x64xbf16, #tpu.memory_space<vmem>> -> memref<128x64xbf16, #tpu.memory_space<vmem>>
    tpu.enqueue_dma source(%dma_start3A_86 : memref<128x64xbf16, #tpu.memory_space<vmem>>) target(%dma_start3A_83 : memref<128x64xbf16, #tpu.memory_space<hbm>>) target_semaphore(%arg12 : memref<!tpu.dma_semaphore, #tpu.memory_space<semaphore_mem>>)
    %dma_wait3A_87 = arith.constant 2 : i32
    %dma_wait3A_88 = arith.constant 256 : i32
    %dma_wait3A_89 = arith.constant 0 : i32
    %dma_wait3A_90 = tpu.memref_slice %arg6[%dma_wait3A_88, %dma_wait3A_89] : memref<512x64xbf16, #tpu.memory_space<vmem>> -> memref<128x64xbf16, #tpu.memory_space<vmem>>
    %dma_wait3A_91 = arith.constant 0 : i32
    %dma_wait3A_92 = tpu.memref_slice %arg5[%dma_wait3A_87, %dma_wait3A_91] : memref<4x128xi32, #tpu.memory_space<vmem>> -> memref<1x128xi32, #tpu.memory_space<vmem>>
    %dma_wait3A_93 = tpu.memref_squeeze %dma_wait3A_92 : memref<1x128xi32, #tpu.memory_space<vmem>> -> memref<128xi32, #tpu.memory_space<vmem>>
    %dma_wait3A_94 = arith.constant 0 : i32
    %dma_wait3A_95 = arith.constant 0 : i32
    %dma_wait3A_96 = tpu.memref_slice %arg2[%dma_wait3A_94, %dma_wait3A_95] : memref<1024x64xbf16, #tpu.memory_space<hbm>> -> memref<1024x64xbf16, #tpu.memory_space<hbm>>
    tpu.wait_indirect_dma semaphore(%arg9 : memref<!tpu.dma_semaphore, #tpu.memory_space<semaphore_mem>>) src(%dma_wait3A_96 : memref<1024x64xbf16, #tpu.memory_space<hbm>>) dst(%dma_wait3A_90 : memref<128x64xbf16, #tpu.memory_space<vmem>>)
    %mul3A_97 = arith.constant 512 : i32
    %mul3A_98 = arith.muli %add3A, %mul3A_97 : i32
    %add3A_99 = arith.constant 256 : i32
    %add3A_100 = arith.addi %mul3A_98, %add3A_99 : i32
    %dma_start3A_101 = arith.constant 256 : i32
    %dma_start3A_102 = arith.constant 0 : i32
    %dma_start3A_103 = tpu.memref_slice %arg6[%dma_start3A_101, %dma_start3A_102] : memref<512x64xbf16, #tpu.memory_space<vmem>> -> memref<128x64xbf16, #tpu.memory_space<vmem>>
    %dma_start3A_104 = arith.constant 0 : i32
    %dma_start3A_105 = tpu.memref_slice %arg4[%add3A_100, %dma_start3A_104] : memref<16384x64xbf16, #tpu.memory_space<hbm>> -> memref<128x64xbf16, #tpu.memory_space<hbm>>
    %dma_start3A_106 = arith.constant 0 : i32
    %dma_start3A_107 = tpu.memref_slice %arg4[%add3A_100, %dma_start3A_106] : memref<16384x64xbf16, #tpu.memory_space<hbm>> -> memref<128x64xbf16, #tpu.memory_space<hbm>>
    %dma_start3A_108 = arith.constant 256 : i32
    %dma_start3A_109 = arith.constant 0 : i32
    %dma_start3A_110 = tpu.memref_slice %arg6[%dma_start3A_108, %dma_start3A_109] : memref<512x64xbf16, #tpu.memory_space<vmem>> -> memref<128x64xbf16, #tpu.memory_space<vmem>>
    tpu.enqueue_dma source(%dma_start3A_110 : memref<128x64xbf16, #tpu.memory_space<vmem>>) target(%dma_start3A_107 : memref<128x64xbf16, #tpu.memory_space<hbm>>) target_semaphore(%arg13 : memref<!tpu.dma_semaphore, #tpu.memory_space<semaphore_mem>>)
    %dma_wait3A_111 = arith.constant 3 : i32
    %dma_wait3A_112 = arith.constant 384 : i32
    %dma_wait3A_113 = arith.constant 0 : i32
    %dma_wait3A_114 = tpu.memref_slice %arg6[%dma_wait3A_112, %dma_wait3A_113] : memref<512x64xbf16, #tpu.memory_space<vmem>> -> memref<128x64xbf16, #tpu.memory_space<vmem>>
    %dma_wait3A_115 = arith.constant 0 : i32
    %dma_wait3A_116 = tpu.memref_slice %arg5[%dma_wait3A_111, %dma_wait3A_115] : memref<4x128xi32, #tpu.memory_space<vmem>> -> memref<1x128xi32, #tpu.memory_space<vmem>>
    %dma_wait3A_117 = tpu.memref_squeeze %dma_wait3A_116 : memref<1x128xi32, #tpu.memory_space<vmem>> -> memref<128xi32, #tpu.memory_space<vmem>>
    %dma_wait3A_118 = arith.constant 0 : i32
    %dma_wait3A_119 = arith.constant 0 : i32
    %dma_wait3A_120 = tpu.memref_slice %arg2[%dma_wait3A_118, %dma_wait3A_119] : memref<1024x64xbf16, #tpu.memory_space<hbm>> -> memref<1024x64xbf16, #tpu.memory_space<hbm>>
    tpu.wait_indirect_dma semaphore(%arg10 : memref<!tpu.dma_semaphore, #tpu.memory_space<semaphore_mem>>) src(%dma_wait3A_120 : memref<1024x64xbf16, #tpu.memory_space<hbm>>) dst(%dma_wait3A_114 : memref<128x64xbf16, #tpu.memory_space<vmem>>)
    %mul3A_121 = arith.constant 512 : i32
    %mul3A_122 = arith.muli %add3A, %mul3A_121 : i32
    %add3A_123 = arith.constant 384 : i32
    %add3A_124 = arith.addi %mul3A_122, %add3A_123 : i32
    %dma_start3A_125 = arith.constant 384 : i32
    %dma_start3A_126 = arith.constant 0 : i32
    %dma_start3A_127 = tpu.memref_slice %arg6[%dma_start3A_125, %dma_start3A_126] : memref<512x64xbf16, #tpu.memory_space<vmem>> -> memref<128x64xbf16, #tpu.memory_space<vmem>>
    %dma_start3A_128 = arith.constant 0 : i32
    %dma_start3A_129 = tpu.memref_slice %arg4[%add3A_124, %dma_start3A_128] : memref<16384x64xbf16, #tpu.memory_space<hbm>> -> memref<128x64xbf16, #tpu.memory_space<hbm>>
    %dma_start3A_130 = arith.constant 0 : i32
    %dma_start3A_131 = tpu.memref_slice %arg4[%add3A_124, %dma_start3A_130] : memref<16384x64xbf16, #tpu.memory_space<hbm>> -> memref<128x64xbf16, #tpu.memory_space<hbm>>
    %dma_start3A_132 = arith.constant 384 : i32
    %dma_start3A_133 = arith.constant 0 : i32
    %dma_start3A_134 = tpu.memref_slice %arg6[%dma_start3A_132, %dma_start3A_133] : memref<512x64xbf16, #tpu.memory_space<vmem>> -> memref<128x64xbf16, #tpu.memory_space<vmem>>
    tpu.enqueue_dma source(%dma_start3A_134 : memref<128x64xbf16, #tpu.memory_space<vmem>>) target(%dma_start3A_131 : memref<128x64xbf16, #tpu.memory_space<hbm>>) target_semaphore(%arg14 : memref<!tpu.dma_semaphore, #tpu.memory_space<semaphore_mem>>)
    %dma_wait3A_135 = arith.constant 0 : i32
    %dma_wait3A_136 = arith.constant 0 : i32
    %dma_wait3A_137 = tpu.memref_slice %arg6[%dma_wait3A_135, %dma_wait3A_136] : memref<512x64xbf16, #tpu.memory_space<vmem>> -> memref<128x64xbf16, #tpu.memory_space<vmem>>
    %dma_wait3A_138 = arith.constant 0 : i32
    %dma_wait3A_139 = tpu.memref_slice %arg4[%add3A_52, %dma_wait3A_138] : memref<16384x64xbf16, #tpu.memory_space<hbm>> -> memref<128x64xbf16, #tpu.memory_space<hbm>>
    %dma_wait3A_140 = arith.constant 0 : i32
    %dma_wait3A_141 = tpu.memref_slice %arg4[%add3A_52, %dma_wait3A_140] : memref<16384x64xbf16, #tpu.memory_space<hbm>> -> memref<128x64xbf16, #tpu.memory_space<hbm>>
    %dma_wait3A_142 = arith.constant 0 : i32
    %dma_wait3A_143 = arith.constant 0 : i32
    %dma_wait3A_144 = tpu.memref_slice %arg6[%dma_wait3A_142, %dma_wait3A_143] : memref<512x64xbf16, #tpu.memory_space<vmem>> -> memref<128x64xbf16, #tpu.memory_space<vmem>>
    tpu.wait_dma2 semaphore(%arg11 : memref<!tpu.dma_semaphore, #tpu.memory_space<semaphore_mem>>) src(%dma_wait3A_144 : memref<128x64xbf16, #tpu.memory_space<vmem>>) dst(%dma_wait3A_141 : memref<128x64xbf16, #tpu.memory_space<hbm>>)
    %dma_wait3A_145 = arith.constant 128 : i32
    %dma_wait3A_146 = arith.constant 0 : i32
    %dma_wait3A_147 = tpu.memref_slice %arg6[%dma_wait3A_145, %dma_wait3A_146] : memref<512x64xbf16, #tpu.memory_space<vmem>> -> memref<128x64xbf16, #tpu.memory_space<vmem>>
    %dma_wait3A_148 = arith.constant 0 : i32
    %dma_wait3A_149 = tpu.memref_slice %arg4[%add3A_76, %dma_wait3A_148] : memref<16384x64xbf16, #tpu.memory_space<hbm>> -> memref<128x64xbf16, #tpu.memory_space<hbm>>
    %dma_wait3A_150 = arith.constant 0 : i32
    %dma_wait3A_151 = tpu.memref_slice %arg4[%add3A_76, %dma_wait3A_150] : memref<16384x64xbf16, #tpu.memory_space<hbm>> -> memref<128x64xbf16, #tpu.memory_space<hbm>>
    %dma_wait3A_152 = arith.constant 128 : i32
    %dma_wait3A_153 = arith.constant 0 : i32
    %dma_wait3A_154 = tpu.memref_slice %arg6[%dma_wait3A_152, %dma_wait3A_153] : memref<512x64xbf16, #tpu.memory_space<vmem>> -> memref<128x64xbf16, #tpu.memory_space<vmem>>
    tpu.wait_dma2 semaphore(%arg12 : memref<!tpu.dma_semaphore, #tpu.memory_space<semaphore_mem>>) src(%dma_wait3A_154 : memref<128x64xbf16, #tpu.memory_space<vmem>>) dst(%dma_wait3A_151 : memref<128x64xbf16, #tpu.memory_space<hbm>>)
    %dma_wait3A_155 = arith.constant 256 : i32
    %dma_wait3A_156 = arith.constant 0 : i32
    %dma_wait3A_157 = tpu.memref_slice %arg6[%dma_wait3A_155, %dma_wait3A_156] : memref<512x64xbf16, #tpu.memory_space<vmem>> -> memref<128x64xbf16, #tpu.memory_space<vmem>>
    %dma_wait3A_158 = arith.constant 0 : i32
    %dma_wait3A_159 = tpu.memref_slice %arg4[%add3A_100, %dma_wait3A_158] : memref<16384x64xbf16, #tpu.memory_space<hbm>> -> memref<128x64xbf16, #tpu.memory_space<hbm>>
    %dma_wait3A_160 = arith.constant 0 : i32
    %dma_wait3A_161 = tpu.memref_slice %arg4[%add3A_100, %dma_wait3A_160] : memref<16384x64xbf16, #tpu.memory_space<hbm>> -> memref<128x64xbf16, #tpu.memory_space<hbm>>
    %dma_wait3A_162 = arith.constant 256 : i32
    %dma_wait3A_163 = arith.constant 0 : i32
    %dma_wait3A_164 = tpu.memref_slice %arg6[%dma_wait3A_162, %dma_wait3A_163] : memref<512x64xbf16, #tpu.memory_space<vmem>> -> memref<128x64xbf16, #tpu.memory_space<vmem>>
    tpu.wait_dma2 semaphore(%arg13 : memref<!tpu.dma_semaphore, #tpu.memory_space<semaphore_mem>>) src(%dma_wait3A_164 : memref<128x64xbf16, #tpu.memory_space<vmem>>) dst(%dma_wait3A_161 : memref<128x64xbf16, #tpu.memory_space<hbm>>)
    %dma_wait3A_165 = arith.constant 384 : i32
    %dma_wait3A_166 = arith.constant 0 : i32
    %dma_wait3A_167 = tpu.memref_slice %arg6[%dma_wait3A_165, %dma_wait3A_166] : memref<512x64xbf16, #tpu.memory_space<vmem>> -> memref<128x64xbf16, #tpu.memory_space<vmem>>
    %dma_wait3A_168 = arith.constant 0 : i32
    %dma_wait3A_169 = tpu.memref_slice %arg4[%add3A_124, %dma_wait3A_168] : memref<16384x64xbf16, #tpu.memory_space<hbm>> -> memref<128x64xbf16, #tpu.memory_space<hbm>>
    %dma_wait3A_170 = arith.constant 0 : i32
    %dma_wait3A_171 = tpu.memref_slice %arg4[%add3A_124, %dma_wait3A_170] : memref<16384x64xbf16, #tpu.memory_space<hbm>> -> memref<128x64xbf16, #tpu.memory_space<hbm>>
    %dma_wait3A_172 = arith.constant 384 : i32
    %dma_wait3A_173 = arith.constant 0 : i32
    %dma_wait3A_174 = tpu.memref_slice %arg6[%dma_wait3A_172, %dma_wait3A_173] : memref<512x64xbf16, #tpu.memory_space<vmem>> -> memref<128x64xbf16, #tpu.memory_space<vmem>>
    tpu.wait_dma2 semaphore(%arg14 : memref<!tpu.dma_semaphore, #tpu.memory_space<semaphore_mem>>) src(%dma_wait3A_174 : memref<128x64xbf16, #tpu.memory_space<vmem>>) dst(%dma_wait3A_171 : memref<128x64xbf16, #tpu.memory_space<hbm>>)
    return
  }
}

#map = affine_map<(d0, d1) -> (0, 0)>
#map1 = affine_map<(d0, d1) -> (0, 0, 0)>
module attributes {stable_mosaic.version = 14 : i64} {
  func.func @_gather_sc(%arg0: i32, %arg1: i32, %arg2: memref<1024x64xbf16, #tpu.memory_space<hbm>>, %arg3: memref<32x4x128xi32, #tpu.memory_space<hbm>>, %arg4: memref<16384x64xbf16, #tpu.memory_space<hbm>>, %arg5: memref<4x128xi32, #tpu.memory_space<vmem>>, %arg6: memref<512x64xbf16, #tpu.memory_space<vmem>>, %arg7: memref<!tpu.dma_semaphore, #tpu.memory_space<semaphore_mem>>, %arg8: memref<!tpu.dma_semaphore, #tpu.memory_space<semaphore_mem>>, %arg9: memref<!tpu.dma_semaphore, #tpu.memory_space<semaphore_mem>>, %arg10: memref<!tpu.dma_semaphore, #tpu.memory_space<semaphore_mem>>, %arg11: memref<!tpu.dma_semaphore, #tpu.memory_space<semaphore_mem>>, %arg12: memref<!tpu.dma_semaphore, #tpu.memory_space<semaphore_mem>>, %arg13: memref<!tpu.dma_semaphore, #tpu.memory_space<semaphore_mem>>, %arg14: memref<!tpu.dma_semaphore, #tpu.memory_space<semaphore_mem>>) attributes {dimension_semantics = [#tpu.dimension_semantics<core_parallel>, #tpu.dimension_semantics<subcore_parallel>], iteration_bounds = array<i64: 2, 16>, scalar_prefetch = 0 : i64, scratch_operands = 10 : i64, tpu.core_type = #tpu.core_type<sc_vector_subcore>, window_params = [{transform_indices = #map}, {transform_indices = #map1}, {transform_indices = #map}]} {
    %mul3A = arith.constant 2 : i32
    %mul3A_0 = arith.muli %arg1, %mul3A : i32
    %add3A = arith.addi %mul3A_0, %arg0 : i32
    "tpu.region"() ({
      %run_scoped3A = tpu.sem_alloc : memref<!tpu.dma_semaphore, #tpu.memory_space<semaphore_mem>>
      %dma_start3A_175 = arith.constant 0 : i32
      %dma_start3A_176 = arith.constant 0 : i32
      %dma_start3A_177 = tpu.memref_slice %arg3[%add3A, %dma_start3A_175, %dma_start3A_176] : memref<32x4x128xi32, #tpu.memory_space<hbm>> -> memref<1x4x128xi32, #tpu.memory_space<hbm>>
      %dma_start3A_178 = tpu.memref_squeeze %dma_start3A_177 : memref<1x4x128xi32, #tpu.memory_space<hbm>> -> memref<4x128xi32, #tpu.memory_space<hbm>>
      %dma_start3A_179 = arith.constant 0 : i32
      %dma_start3A_180 = arith.constant 0 : i32
      %dma_start3A_181 = tpu.memref_slice %arg3[%add3A, %dma_start3A_179, %dma_start3A_180] : memref<32x4x128xi32, #tpu.memory_space<hbm>> -> memref<1x4x128xi32, #tpu.memory_space<hbm>>
      %dma_start3A_182 = tpu.memref_squeeze %dma_start3A_181 : memref<1x4x128xi32, #tpu.memory_space<hbm>> -> memref<4x128xi32, #tpu.memory_space<hbm>>
      tpu.enqueue_dma source(%dma_start3A_182 : memref<4x128xi32, #tpu.memory_space<hbm>>) target(%arg5 : memref<4x128xi32, #tpu.memory_space<vmem>>) target_semaphore(%run_scoped3A : memref<!tpu.dma_semaphore, #tpu.memory_space<semaphore_mem>>)
      %dma_wait3A_183 = arith.constant 0 : i32
      %dma_wait3A_184 = arith.constant 0 : i32
      %dma_wait3A_185 = tpu.memref_slice %arg3[%add3A, %dma_wait3A_183, %dma_wait3A_184] : memref<32x4x128xi32, #tpu.memory_space<hbm>> -> memref<1x4x128xi32, #tpu.memory_space<hbm>>
      %dma_wait3A_186 = tpu.memref_squeeze %dma_wait3A_185 : memref<1x4x128xi32, #tpu.memory_space<hbm>> -> memref<4x128xi32, #tpu.memory_space<hbm>>
      %dma_wait3A_187 = arith.constant 0 : i32
      %dma_wait3A_188 = arith.constant 0 : i32
      %dma_wait3A_189 = tpu.memref_slice %arg3[%add3A, %dma_wait3A_187, %dma_wait3A_188] : memref<32x4x128xi32, #tpu.memory_space<hbm>> -> memref<1x4x128xi32, #tpu.memory_space<hbm>>
      %dma_wait3A_190 = tpu.memref_squeeze %dma_wait3A_189 : memref<1x4x128xi32, #tpu.memory_space<hbm>> -> memref<4x128xi32, #tpu.memory_space<hbm>>
      tpu.wait_dma2 semaphore(%run_scoped3A : memref<!tpu.dma_semaphore, #tpu.memory_space<semaphore_mem>>) src(%dma_wait3A_190 : memref<4x128xi32, #tpu.memory_space<hbm>>) dst(%arg5 : memref<4x128xi32, #tpu.memory_space<vmem>>)
      tpu.yield
    }) : () -> ()
    %dma_start3A = arith.constant 0 : i32
    %dma_start3A_1 = arith.constant 0 : i32
    %dma_start3A_2 = arith.constant 0 : i32
    %dma_start3A_3 = tpu.memref_slice %arg6[%dma_start3A_1, %dma_start3A_2] : memref<512x64xbf16, #tpu.memory_space<vmem>> -> memref<128x64xbf16, #tpu.memory_space<vmem>>
    %dma_start3A_4 = arith.constant 0 : i32
    %dma_start3A_5 = tpu.memref_slice %arg5[%dma_start3A, %dma_start3A_4] : memref<4x128xi32, #tpu.memory_space<vmem>> -> memref<1x128xi32, #tpu.memory_space<vmem>>
    %dma_start3A_6 = tpu.memref_squeeze %dma_start3A_5 : memref<1x128xi32, #tpu.memory_space<vmem>> -> memref<128xi32, #tpu.memory_space<vmem>>
    %dma_start3A_7 = arith.constant 0 : i32
    %dma_start3A_8 = arith.constant 0 : i32
    %dma_start3A_9 = tpu.memref_slice %arg2[%dma_start3A_7, %dma_start3A_8] : memref<1024x64xbf16, #tpu.memory_space<hbm>> -> memref<1024x64xbf16, #tpu.memory_space<hbm>>
    tpu.enqueue_indirect_dma source(%dma_start3A_9 : memref<1024x64xbf16, #tpu.memory_space<hbm>>) target(%dma_start3A_3 : memref<128x64xbf16, #tpu.memory_space<vmem>>) offsets(%dma_start3A_6 : memref<128xi32, #tpu.memory_space<vmem>>) semaphore(%arg7 : memref<!tpu.dma_semaphore, #tpu.memory_space<semaphore_mem>>)
    %dma_start3A_10 = arith.constant 1 : i32
    %dma_start3A_11 = arith.constant 128 : i32
    %dma_start3A_12 = arith.constant 0 : i32
    %dma_start3A_13 = tpu.memref_slice %arg6[%dma_start3A_11, %dma_start3A_12] : memref<512x64xbf16, #tpu.memory_space<vmem>> -> memref<128x64xbf16, #tpu.memory_space<vmem>>
    %dma_start3A_14 = arith.constant 0 : i32
    %dma_start3A_15 = tpu.memref_slice %arg5[%dma_start3A_10, %dma_start3A_14] : memref<4x128xi32, #tpu.memory_space<vmem>> -> memref<1x128xi32, #tpu.memory_space<vmem>>
    %dma_start3A_16 = tpu.memref_squeeze %dma_start3A_15 : memref<1x128xi32, #tpu.memory_space<vmem>> -> memref<128xi32, #tpu.memory_space<vmem>>
    %dma_start3A_17 = arith.constant 0 : i32
    %dma_start3A_18 = arith.constant 0 : i32
    %dma_start3A_19 = tpu.memref_slice %arg2[%dma_start3A_17, %dma_start3A_18] : memref<1024x64xbf16, #tpu.memory_space<hbm>> -> memref<1024x64xbf16, #tpu.memory_space<hbm>>
    tpu.enqueue_indirect_dma source(%dma_start3A_19 : memref<1024x64xbf16, #tpu.memory_space<hbm>>) target(%dma_start3A_13 : memref<128x64xbf16, #tpu.memory_space<vmem>>) offsets(%dma_start3A_16 : memref<128xi32, #tpu.memory_space<vmem>>) semaphore(%arg8 : memref<!tpu.dma_semaphore, #tpu.memory_space<semaphore_mem>>)
    %dma_start3A_20 = arith.constant 2 : i32
    %dma_start3A_21 = arith.constant 256 : i32
    %dma_start3A_22 = arith.constant 0 : i32
    %dma_start3A_23 = tpu.memref_slice %arg6[%dma_start3A_21, %dma_start3A_22] : memref<512x64xbf16, #tpu.memory_space<vmem>> -> memref<128x64xbf16, #tpu.memory_space<vmem>>
    %dma_start3A_24 = arith.constant 0 : i32
    %dma_start3A_25 = tpu.memref_slice %arg5[%dma_start3A_20, %dma_start3A_24] : memref<4x128xi32, #tpu.memory_space<vmem>> -> memref<1x128xi32, #tpu.memory_space<vmem>>
    %dma_start3A_26 = tpu.memref_squeeze %dma_start3A_25 : memref<1x128xi32, #tpu.memory_space<vmem>> -> memref<128xi32, #tpu.memory_space<vmem>>
    %dma_start3A_27 = arith.constant 0 : i32
    %dma_start3A_28 = arith.constant 0 : i32
    %dma_start3A_29 = tpu.memref_slice %arg2[%dma_start3A_27, %dma_start3A_28] : memref<1024x64xbf16, #tpu.memory_space<hbm>> -> memref<1024x64xbf16, #tpu.memory_space<hbm>>
    tpu.enqueue_indirect_dma source(%dma_start3A_29 : memref<1024x64xbf16, #tpu.memory_space<hbm>>) target(%dma_start3A_23 : memref<128x64xbf16, #tpu.memory_space<vmem>>) offsets(%dma_start3A_26 : memref<128xi32, #tpu.memory_space<vmem>>) semaphore(%arg9 : memref<!tpu.dma_semaphore, #tpu.memory_space<semaphore_mem>>)
    %dma_start3A_30 = arith.constant 3 : i32
    %dma_start3A_31 = arith.constant 384 : i32
    %dma_start3A_32 = arith.constant 0 : i32
    %dma_start3A_33 = tpu.memref_slice %arg6[%dma_start3A_31, %dma_start3A_32] : memref<512x64xbf16, #tpu.memory_space<vmem>> -> memref<128x64xbf16, #tpu.memory_space<vmem>>
    %dma_start3A_34 = arith.constant 0 : i32
    %dma_start3A_35 = tpu.memref_slice %arg5[%dma_start3A_30, %dma_start3A_34] : memref<4x128xi32, #tpu.memory_space<vmem>> -> memref<1x128xi32, #tpu.memory_space<vmem>>
    %dma_start3A_36 = tpu.memref_squeeze %dma_start3A_35 : memref<1x128xi32, #tpu.memory_space<vmem>> -> memref<128xi32, #tpu.memory_space<vmem>>
    %dma_start3A_37 = arith.constant 0 : i32
    %dma_start3A_38 = arith.constant 0 : i32
    %dma_start3A_39 = tpu.memref_slice %arg2[%dma_start3A_37, %dma_start3A_38] : memref<1024x64xbf16, #tpu.memory_space<hbm>> -> memref<1024x64xbf16, #tpu.memory_space<hbm>>
    tpu.enqueue_indirect_dma source(%dma_start3A_39 : memref<1024x64xbf16, #tpu.memory_space<hbm>>) target(%dma_start3A_33 : memref<128x64xbf16, #tpu.memory_space<vmem>>) offsets(%dma_start3A_36 : memref<128xi32, #tpu.memory_space<vmem>>) semaphore(%arg10 : memref<!tpu.dma_semaphore, #tpu.memory_space<semaphore_mem>>)
    %dma_wait3A = arith.constant 0 : i32
    %dma_wait3A_40 = arith.constant 0 : i32
    %dma_wait3A_41 = arith.constant 0 : i32
    %dma_wait3A_42 = tpu.memref_slice %arg6[%dma_wait3A_40, %dma_wait3A_41] : memref<512x64xbf16, #tpu.memory_space<vmem>> -> memref<128x64xbf16, #tpu.memory_space<vmem>>
    %dma_wait3A_43 = arith.constant 0 : i32
    %dma_wait3A_44 = tpu.memref_slice %arg5[%dma_wait3A, %dma_wait3A_43] : memref<4x128xi32, #tpu.memory_space<vmem>> -> memref<1x128xi32, #tpu.memory_space<vmem>>
    %dma_wait3A_45 = tpu.memref_squeeze %dma_wait3A_44 : memref<1x128xi32, #tpu.memory_space<vmem>> -> memref<128xi32, #tpu.memory_space<vmem>>
    %dma_wait3A_46 = arith.constant 0 : i32
    %dma_wait3A_47 = arith.constant 0 : i32
    %dma_wait3A_48 = tpu.memref_slice %arg2[%dma_wait3A_46, %dma_wait3A_47] : memref<1024x64xbf16, #tpu.memory_space<hbm>> -> memref<1024x64xbf16, #tpu.memory_space<hbm>>
    tpu.wait_indirect_dma semaphore(%arg7 : memref<!tpu.dma_semaphore, #tpu.memory_space<semaphore_mem>>) src(%dma_wait3A_48 : memref<1024x64xbf16, #tpu.memory_space<hbm>>) dst(%dma_wait3A_42 : memref<128x64xbf16, #tpu.memory_space<vmem>>)
    %mul3A_49 = arith.constant 512 : i32
    %mul3A_50 = arith.muli %add3A, %mul3A_49 : i32
    %add3A_51 = arith.constant 0 : i32
    %add3A_52 = arith.addi %mul3A_50, %add3A_51 : i32
    %dma_start3A_53 = arith.constant 0 : i32
    %dma_start3A_54 = arith.constant 0 : i32
    %dma_start3A_55 = tpu.memref_slice %arg6[%dma_start3A_53, %dma_start3A_54] : memref<512x64xbf16, #tpu.memory_space<vmem>> -> memref<128x64xbf16, #tpu.memory_space<vmem>>
    %dma_start3A_56 = arith.constant 0 : i32
    %dma_start3A_57 = tpu.memref_slice %arg4[%add3A_52, %dma_start3A_56] : memref<16384x64xbf16, #tpu.memory_space<hbm>> -> memref<128x64xbf16, #tpu.memory_space<hbm>>
    %dma_start3A_58 = arith.constant 0 : i32
    %dma_start3A_59 = tpu.memref_slice %arg4[%add3A_52, %dma_start3A_58] : memref<16384x64xbf16, #tpu.memory_space<hbm>> -> memref<128x64xbf16, #tpu.memory_space<hbm>>
    %dma_start3A_60 = arith.constant 0 : i32
    %dma_start3A_61 = arith.constant 0 : i32
    %dma_start3A_62 = tpu.memref_slice %arg6[%dma_start3A_60, %dma_start3A_61] : memref<512x64xbf16, #tpu.memory_space<vmem>> -> memref<128x64xbf16, #tpu.memory_space<vmem>>
    tpu.enqueue_dma source(%dma_start3A_62 : memref<128x64xbf16, #tpu.memory_space<vmem>>) target(%dma_start3A_59 : memref<128x64xbf16, #tpu.memory_space<hbm>>) target_semaphore(%arg11 : memref<!tpu.dma_semaphore, #tpu.memory_space<semaphore_mem>>)
    %dma_wait3A_63 = arith.constant 1 : i32
    %dma_wait3A_64 = arith.constant 128 : i32
    %dma_wait3A_65 = arith.constant 0 : i32
    %dma_wait3A_66 = tpu.memref_slice %arg6[%dma_wait3A_64, %dma_wait3A_65] : memref<512x64xbf16, #tpu.memory_space<vmem>> -> memref<128x64xbf16, #tpu.memory_space<vmem>>
    %dma_wait3A_67 = arith.constant 0 : i32
    %dma_wait3A_68 = tpu.memref_slice %arg5[%dma_wait3A_63, %dma_wait3A_67] : memref<4x128xi32, #tpu.memory_space<vmem>> -> memref<1x128xi32, #tpu.memory_space<vmem>>
    %dma_wait3A_69 = tpu.memref_squeeze %dma_wait3A_68 : memref<1x128xi32, #tpu.memory_space<vmem>> -> memref<128xi32, #tpu.memory_space<vmem>>
    %dma_wait3A_70 = arith.constant 0 : i32
    %dma_wait3A_71 = arith.constant 0 : i32
    %dma_wait3A_72 = tpu.memref_slice %arg2[%dma_wait3A_70, %dma_wait3A_71] : memref<1024x64xbf16, #tpu.memory_space<hbm>> -> memref<1024x64xbf16, #tpu.memory_space<hbm>>
    tpu.wait_indirect_dma semaphore(%arg8 : memref<!tpu.dma_semaphore, #tpu.memory_space<semaphore_mem>>) src(%dma_wait3A_72 : memref<1024x64xbf16, #tpu.memory_space<hbm>>) dst(%dma_wait3A_66 : memref<128x64xbf16, #tpu.memory_space<vmem>>)
    %mul3A_73 = arith.constant 512 : i32
    %mul3A_74 = arith.muli %add3A, %mul3A_73 : i32
    %add3A_75 = arith.constant 128 : i32
    %add3A_76 = arith.addi %mul3A_74, %add3A_75 : i32
    %dma_start3A_77 = arith.constant 128 : i32
    %dma_start3A_78 = arith.constant 0 : i32
    %dma_start3A_79 = tpu.memref_slice %arg6[%dma_start3A_77, %dma_start3A_78] : memref<512x64xbf16, #tpu.memory_space<vmem>> -> memref<128x64xbf16, #tpu.memory_space<vmem>>
    %dma_start3A_80 = arith.constant 0 : i32
    %dma_start3A_81 = tpu.memref_slice %arg4[%add3A_76, %dma_start3A_80] : memref<16384x64xbf16, #tpu.memory_space<hbm>> -> memref<128x64xbf16, #tpu.memory_space<hbm>>
    %dma_start3A_82 = arith.constant 0 : i32
    %dma_start3A_83 = tpu.memref_slice %arg4[%add3A_76, %dma_start3A_82] : memref<16384x64xbf16, #tpu.memory_space<hbm>> -> memref<128x64xbf16, #tpu.memory_space<hbm>>
    %dma_start3A_84 = arith.constant 128 : i32
    %dma_start3A_85 = arith.constant 0 : i32
    %dma_start3A_86 = tpu.memref_slice %arg6[%dma_start3A_84, %dma_start3A_85] : memref<512x64xbf16, #tpu.memory_space<vmem>> -> memref<128x64xbf16, #tpu.memory_space<vmem>>
    tpu.enqueue_dma source(%dma_start3A_86 : memref<128x64xbf16, #tpu.memory_space<vmem>>) target(%dma_start3A_83 : memref<128x64xbf16, #tpu.memory_space<hbm>>) target_semaphore(%arg12 : memref<!tpu.dma_semaphore, #tpu.memory_space<semaphore_mem>>)
    %dma_wait3A_87 = arith.constant 2 : i32
    %dma_wait3A_88 = arith.constant 256 : i32
    %dma_wait3A_89 = arith.constant 0 : i32
    %dma_wait3A_90 = tpu.memref_slice %arg6[%dma_wait3A_88, %dma_wait3A_89] : memref<512x64xbf16, #tpu.memory_space<vmem>> -> memref<128x64xbf16, #tpu.memory_space<vmem>>
    %dma_wait3A_91 = arith.constant 0 : i32
    %dma_wait3A_92 = tpu.memref_slice %arg5[%dma_wait3A_87, %dma_wait3A_91] : memref<4x128xi32, #tpu.memory_space<vmem>> -> memref<1x128xi32, #tpu.memory_space<vmem>>
    %dma_wait3A_93 = tpu.memref_squeeze %dma_wait3A_92 : memref<1x128xi32, #tpu.memory_space<vmem>> -> memref<128xi32, #tpu.memory_space<vmem>>
    %dma_wait3A_94 = arith.constant 0 : i32
    %dma_wait3A_95 = arith.constant 0 : i32
    %dma_wait3A_96 = tpu.memref_slice %arg2[%dma_wait3A_94, %dma_wait3A_95] : memref<1024x64xbf16, #tpu.memory_space<hbm>> -> memref<1024x64xbf16, #tpu.memory_space<hbm>>
    tpu.wait_indirect_dma semaphore(%arg9 : memref<!tpu.dma_semaphore, #tpu.memory_space<semaphore_mem>>) src(%dma_wait3A_96 : memref<1024x64xbf16, #tpu.memory_space<hbm>>) dst(%dma_wait3A_90 : memref<128x64xbf16, #tpu.memory_space<vmem>>)
    %mul3A_97 = arith.constant 512 : i32
    %mul3A_98 = arith.muli %add3A, %mul3A_97 : i32
    %add3A_99 = arith.constant 256 : i32
    %add3A_100 = arith.addi %mul3A_98, %add3A_99 : i32
    %dma_start3A_101 = arith.constant 256 : i32
    %dma_start3A_102 = arith.constant 0 : i32
    %dma_start3A_103 = tpu.memref_slice %arg6[%dma_start3A_101, %dma_start3A_102] : memref<512x64xbf16, #tpu.memory_space<vmem>> -> memref<128x64xbf16, #tpu.memory_space<vmem>>
    %dma_start3A_104 = arith.constant 0 : i32
    %dma_start3A_105 = tpu.memref_slice %arg4[%add3A_100, %dma_start3A_104] : memref<16384x64xbf16, #tpu.memory_space<hbm>> -> memref<128x64xbf16, #tpu.memory_space<hbm>>
    %dma_start3A_106 = arith.constant 0 : i32
    %dma_start3A_107 = tpu.memref_slice %arg4[%add3A_100, %dma_start3A_106] : memref<16384x64xbf16, #tpu.memory_space<hbm>> -> memref<128x64xbf16, #tpu.memory_space<hbm>>
    %dma_start3A_108 = arith.constant 256 : i32
    %dma_start3A_109 = arith.constant 0 : i32
    %dma_start3A_110 = tpu.memref_slice %arg6[%dma_start3A_108, %dma_start3A_109] : memref<512x64xbf16, #tpu.memory_space<vmem>> -> memref<128x64xbf16, #tpu.memory_space<vmem>>
    tpu.enqueue_dma source(%dma_start3A_110 : memref<128x64xbf16, #tpu.memory_space<vmem>>) target(%dma_start3A_107 : memref<128x64xbf16, #tpu.memory_space<hbm>>) target_semaphore(%arg13 : memref<!tpu.dma_semaphore, #tpu.memory_space<semaphore_mem>>)
    %dma_wait3A_111 = arith.constant 3 : i32
    %dma_wait3A_112 = arith.constant 384 : i32
    %dma_wait3A_113 = arith.constant 0 : i32
    %dma_wait3A_114 = tpu.memref_slice %arg6[%dma_wait3A_112, %dma_wait3A_113] : memref<512x64xbf16, #tpu.memory_space<vmem>> -> memref<128x64xbf16, #tpu.memory_space<vmem>>
    %dma_wait3A_115 = arith.constant 0 : i32
    %dma_wait3A_116 = tpu.memref_slice %arg5[%dma_wait3A_111, %dma_wait3A_115] : memref<4x128xi32, #tpu.memory_space<vmem>> -> memref<1x128xi32, #tpu.memory_space<vmem>>
    %dma_wait3A_117 = tpu.memref_squeeze %dma_wait3A_116 : memref<1x128xi32, #tpu.memory_space<vmem>> -> memref<128xi32, #tpu.memory_space<vmem>>
    %dma_wait3A_118 = arith.constant 0 : i32
    %dma_wait3A_119 = arith.constant 0 : i32
    %dma_wait3A_120 = tpu.memref_slice %arg2[%dma_wait3A_118, %dma_wait3A_119] : memref<1024x64xbf16, #tpu.memory_space<hbm>> -> memref<1024x64xbf16, #tpu.memory_space<hbm>>
    tpu.wait_indirect_dma semaphore(%arg10 : memref<!tpu.dma_semaphore, #tpu.memory_space<semaphore_mem>>) src(%dma_wait3A_120 : memref<1024x64xbf16, #tpu.memory_space<hbm>>) dst(%dma_wait3A_114 : memref<128x64xbf16, #tpu.memory_space<vmem>>)
    %mul3A_121 = arith.constant 512 : i32
    %mul3A_122 = arith.muli %add3A, %mul3A_121 : i32
    %add3A_123 = arith.constant 384 : i32
    %add3A_124 = arith.addi %mul3A_122, %add3A_123 : i32
    %dma_start3A_125 = arith.constant 384 : i32
    %dma_start3A_126 = arith.constant 0 : i32
    %dma_start3A_127 = tpu.memref_slice %arg6[%dma_start3A_125, %dma_start3A_126] : memref<512x64xbf16, #tpu.memory_space<vmem>> -> memref<128x64xbf16, #tpu.memory_space<vmem>>
    %dma_start3A_128 = arith.constant 0 : i32
    %dma_start3A_129 = tpu.memref_slice %arg4[%add3A_124, %dma_start3A_128] : memref<16384x64xbf16, #tpu.memory_space<hbm>> -> memref<128x64xbf16, #tpu.memory_space<hbm>>
    %dma_start3A_130 = arith.constant 0 : i32
    %dma_start3A_131 = tpu.memref_slice %arg4[%add3A_124, %dma_start3A_130] : memref<16384x64xbf16, #tpu.memory_space<hbm>> -> memref<128x64xbf16, #tpu.memory_space<hbm>>
    %dma_start3A_132 = arith.constant 384 : i32
    %dma_start3A_133 = arith.constant 0 : i32
    %dma_start3A_134 = tpu.memref_slice %arg6[%dma_start3A_132, %dma_start3A_133] : memref<512x64xbf16, #tpu.memory_space<vmem>> -> memref<128x64xbf16, #tpu.memory_space<vmem>>
    tpu.enqueue_dma source(%dma_start3A_134 : memref<128x64xbf16, #tpu.memory_space<vmem>>) target(%dma_start3A_131 : memref<128x64xbf16, #tpu.memory_space<hbm>>) target_semaphore(%arg14 : memref<!tpu.dma_semaphore, #tpu.memory_space<semaphore_mem>>)
    %dma_wait3A_135 = arith.constant 0 : i32
    %dma_wait3A_136 = arith.constant 0 : i32
    %dma_wait3A_137 = tpu.memref_slice %arg6[%dma_wait3A_135, %dma_wait3A_136] : memref<512x64xbf16, #tpu.memory_space<vmem>> -> memref<128x64xbf16, #tpu.memory_space<vmem>>
    %dma_wait3A_138 = arith.constant 0 : i32
    %dma_wait3A_139 = tpu.memref_slice %arg4[%add3A_52, %dma_wait3A_138] : memref<16384x64xbf16, #tpu.memory_space<hbm>> -> memref<128x64xbf16, #tpu.memory_space<hbm>>
    %dma_wait3A_140 = arith.constant 0 : i32
    %dma_wait3A_141 = tpu.memref_slice %arg4[%add3A_52, %dma_wait3A_140] : memref<16384x64xbf16, #tpu.memory_space<hbm>> -> memref<128x64xbf16, #tpu.memory_space<hbm>>
    %dma_wait3A_142 = arith.constant 0 : i32
    %dma_wait3A_143 = arith.constant 0 : i32
    %dma_wait3A_144 = tpu.memref_slice %arg6[%dma_wait3A_142, %dma_wait3A_143] : memref<512x64xbf16, #tpu.memory_space<vmem>> -> memref<128x64xbf16, #tpu.memory_space<vmem>>
    tpu.wait_dma2 semaphore(%arg11 : memref<!tpu.dma_semaphore, #tpu.memory_space<semaphore_mem>>) src(%dma_wait3A_144 : memref<128x64xbf16, #tpu.memory_space<vmem>>) dst(%dma_wait3A_141 : memref<128x64xbf16, #tpu.memory_space<hbm>>)
    %dma_wait3A_145 = arith.constant 128 : i32
    %dma_wait3A_146 = arith.constant 0 : i32
    %dma_wait3A_147 = tpu.memref_slice %arg6[%dma_wait3A_145, %dma_wait3A_146] : memref<512x64xbf16, #tpu.memory_space<vmem>> -> memref<128x64xbf16, #tpu.memory_space<vmem>>
    %dma_wait3A_148 = arith.constant 0 : i32
    %dma_wait3A_149 = tpu.memref_slice %arg4[%add3A_76, %dma_wait3A_148] : memref<16384x64xbf16, #tpu.memory_space<hbm>> -> memref<128x64xbf16, #tpu.memory_space<hbm>>
    %dma_wait3A_150 = arith.constant 0 : i32
    %dma_wait3A_151 = tpu.memref_slice %arg4[%add3A_76, %dma_wait3A_150] : memref<16384x64xbf16, #tpu.memory_space<hbm>> -> memref<128x64xbf16, #tpu.memory_space<hbm>>
    %dma_wait3A_152 = arith.constant 128 : i32
    %dma_wait3A_153 = arith.constant 0 : i32
    %dma_wait3A_154 = tpu.memref_slice %arg6[%dma_wait3A_152, %dma_wait3A_153] : memref<512x64xbf16, #tpu.memory_space<vmem>> -> memref<128x64xbf16, #tpu.memory_space<vmem>>
    tpu.wait_dma2 semaphore(%arg12 : memref<!tpu.dma_semaphore, #tpu.memory_space<semaphore_mem>>) src(%dma_wait3A_154 : memref<128x64xbf16, #tpu.memory_space<vmem>>) dst(%dma_wait3A_151 : memref<128x64xbf16, #tpu.memory_space<hbm>>)
    %dma_wait3A_155 = arith.constant 256 : i32
    %dma_wait3A_156 = arith.constant 0 : i32
    %dma_wait3A_157 = tpu.memref_slice %arg6[%dma_wait3A_155, %dma_wait3A_156] : memref<512x64xbf16, #tpu.memory_space<vmem>> -> memref<128x64xbf16, #tpu.memory_space<vmem>>
    %dma_wait3A_158 = arith.constant 0 : i32
    %dma_wait3A_159 = tpu.memref_slice %arg4[%add3A_100, %dma_wait3A_158] : memref<16384x64xbf16, #tpu.memory_space<hbm>> -> memref<128x64xbf16, #tpu.memory_space<hbm>>
    %dma_wait3A_160 = arith.constant 0 : i32
    %dma_wait3A_161 = tpu.memref_slice %arg4[%add3A_100, %dma_wait3A_160] : memref<16384x64xbf16, #tpu.memory_space<hbm>> -> memref<128x64xbf16, #tpu.memory_space<hbm>>
    %dma_wait3A_162 = arith.constant 256 : i32
    %dma_wait3A_163 = arith.constant 0 : i32
    %dma_wait3A_164 = tpu.memref_slice %arg6[%dma_wait3A_162, %dma_wait3A_163] : memref<512x64xbf16, #tpu.memory_space<vmem>> -> memref<128x64xbf16, #tpu.memory_space<vmem>>
    tpu.wait_dma2 semaphore(%arg13 : memref<!tpu.dma_semaphore, #tpu.memory_space<semaphore_mem>>) src(%dma_wait3A_164 : memref<128x64xbf16, #tpu.memory_space<vmem>>) dst(%dma_wait3A_161 : memref<128x64xbf16, #tpu.memory_space<hbm>>)
    %dma_wait3A_165 = arith.constant 384 : i32
    %dma_wait3A_166 = arith.constant 0 : i32
    %dma_wait3A_167 = tpu.memref_slice %arg6[%dma_wait3A_165, %dma_wait3A_166] : memref<512x64xbf16, #tpu.memory_space<vmem>> -> memref<128x64xbf16, #tpu.memory_space<vmem>>
    %dma_wait3A_168 = arith.constant 0 : i32
    %dma_wait3A_169 = tpu.memref_slice %arg4[%add3A_124, %dma_wait3A_168] : memref<16384x64xbf16, #tpu.memory_space<hbm>> -> memref<128x64xbf16, #tpu.memory_space<hbm>>
    %dma_wait3A_170 = arith.constant 0 : i32
    %dma_wait3A_171 = tpu.memref_slice %arg4[%add3A_124, %dma_wait3A_170] : memref<16384x64xbf16, #tpu.memory_space<hbm>> -> memref<128x64xbf16, #tpu.memory_space<hbm>>
    %dma_wait3A_172 = arith.constant 384 : i32
    %dma_wait3A_173 = arith.constant 0 : i32
    %dma_wait3A_174 = tpu.memref_slice %arg6[%dma_wait3A_172, %dma_wait3A_173] : memref<512x64xbf16, #tpu.memory_space<vmem>> -> memref<128x64xbf16, #tpu.memory_space<vmem>>
    tpu.wait_dma2 semaphore(%arg14 : memref<!tpu.dma_semaphore, #tpu.memory_space<semaphore_mem>>) src(%dma_wait3A_174 : memref<128x64xbf16, #tpu.memory_space<vmem>>) dst(%dma_wait3A_171 : memref<128x64xbf16, #tpu.memory_space<hbm>>)
    return
  }
}

#map = affine_map<(d0, d1) -> (0, 0)>
#map1 = affine_map<(d0, d1) -> (0, 0, 0)>
module attributes {stable_mosaic.version = 14 : i64} {
  func.func @_gather_sc(%arg0: i32, %arg1: i32, %arg2: memref<1024x64xbf16, #tpu.memory_space<hbm>>, %arg3: memref<32x4x128xi32, #tpu.memory_space<hbm>>, %arg4: memref<16384x64xbf16, #tpu.memory_space<hbm>>, %arg5: memref<4x128xi32, #tpu.memory_space<vmem>>, %arg6: memref<512x64xbf16, #tpu.memory_space<vmem>>, %arg7: memref<!tpu.dma_semaphore, #tpu.memory_space<semaphore_mem>>, %arg8: memref<!tpu.dma_semaphore, #tpu.memory_space<semaphore_mem>>, %arg9: memref<!tpu.dma_semaphore, #tpu.memory_space<semaphore_mem>>, %arg10: memref<!tpu.dma_semaphore, #tpu.memory_space<semaphore_mem>>, %arg11: memref<!tpu.dma_semaphore, #tpu.memory_space<semaphore_mem>>, %arg12: memref<!tpu.dma_semaphore, #tpu.memory_space<semaphore_mem>>, %arg13: memref<!tpu.dma_semaphore, #tpu.memory_space<semaphore_mem>>, %arg14: memref<!tpu.dma_semaphore, #tpu.memory_space<semaphore_mem>>) attributes {dimension_semantics = [#tpu.dimension_semantics<core_parallel>, #tpu.dimension_semantics<subcore_parallel>], iteration_bounds = array<i64: 2, 16>, scalar_prefetch = 0 : i64, scratch_operands = 10 : i64, tpu.core_type = #tpu.core_type<sc_vector_subcore>, window_params = [{transform_indices = #map}, {transform_indices = #map1}, {transform_indices = #map}]} {
    %mul3A = arith.constant 2 : i32
    %mul3A_0 = arith.muli %arg1, %mul3A : i32
    %add3A = arith.addi %mul3A_0, %arg0 : i32
    "tpu.region"() ({
      %run_scoped3A = tpu.sem_alloc : memref<!tpu.dma_semaphore, #tpu.memory_space<semaphore_mem>>
      %dma_start3A_175 = arith.constant 0 : i32
      %dma_start3A_176 = arith.constant 0 : i32
      %dma_start3A_177 = tpu.memref_slice %arg3[%add3A, %dma_start3A_175, %dma_start3A_176] : memref<32x4x128xi32, #tpu.memory_space<hbm>> -> memref<1x4x128xi32, #tpu.memory_space<hbm>>
      %dma_start3A_178 = tpu.memref_squeeze %dma_start3A_177 : memref<1x4x128xi32, #tpu.memory_space<hbm>> -> memref<4x128xi32, #tpu.memory_space<hbm>>
      %dma_start3A_179 = arith.constant 0 : i32
      %dma_start3A_180 = arith.constant 0 : i32
      %dma_start3A_181 = tpu.memref_slice %arg3[%add3A, %dma_start3A_179, %dma_start3A_180] : memref<32x4x128xi32, #tpu.memory_space<hbm>> -> memref<1x4x128xi32, #tpu.memory_space<hbm>>
      %dma_start3A_182 = tpu.memref_squeeze %dma_start3A_181 : memref<1x4x128xi32, #tpu.memory_space<hbm>> -> memref<4x128xi32, #tpu.memory_space<hbm>>
      tpu.enqueue_dma source(%dma_start3A_182 : memref<4x128xi32, #tpu.memory_space<hbm>>) target(%arg5 : memref<4x128xi32, #tpu.memory_space<vmem>>) target_semaphore(%run_scoped3A : memref<!tpu.dma_semaphore, #tpu.memory_space<semaphore_mem>>)
      %dma_wait3A_183 = arith.constant 0 : i32
      %dma_wait3A_184 = arith.constant 0 : i32
      %dma_wait3A_185 = tpu.memref_slice %arg3[%add3A, %dma_wait3A_183, %dma_wait3A_184] : memref<32x4x128xi32, #tpu.memory_space<hbm>> -> memref<1x4x128xi32, #tpu.memory_space<hbm>>
      %dma_wait3A_186 = tpu.memref_squeeze %dma_wait3A_185 : memref<1x4x128xi32, #tpu.memory_space<hbm>> -> memref<4x128xi32, #tpu.memory_space<hbm>>
      %dma_wait3A_187 = arith.constant 0 : i32
      %dma_wait3A_188 = arith.constant 0 : i32
      %dma_wait3A_189 = tpu.memref_slice %arg3[%add3A, %dma_wait3A_187, %dma_wait3A_188] : memref<32x4x128xi32, #tpu.memory_space<hbm>> -> memref<1x4x128xi32, #tpu.memory_space<hbm>>
      %dma_wait3A_190 = tpu.memref_squeeze %dma_wait3A_189 : memref<1x4x128xi32, #tpu.memory_space<hbm>> -> memref<4x128xi32, #tpu.memory_space<hbm>>
      tpu.wait_dma2 semaphore(%run_scoped3A : memref<!tpu.dma_semaphore, #tpu.memory_space<semaphore_mem>>) src(%dma_wait3A_190 : memref<4x128xi32, #tpu.memory_space<hbm>>) dst(%arg5 : memref<4x128xi32, #tpu.memory_space<vmem>>)
      tpu.yield
    }) : () -> ()
    %dma_start3A = arith.constant 0 : i32
    %dma_start3A_1 = arith.constant 0 : i32
    %dma_start3A_2 = arith.constant 0 : i32
    %dma_start3A_3 = tpu.memref_slice %arg6[%dma_start3A_1, %dma_start3A_2] : memref<512x64xbf16, #tpu.memory_space<vmem>> -> memref<128x64xbf16, #tpu.memory_space<vmem>>
    %dma_start3A_4 = arith.constant 0 : i32
    %dma_start3A_5 = tpu.memref_slice %arg5[%dma_start3A, %dma_start3A_4] : memref<4x128xi32, #tpu.memory_space<vmem>> -> memref<1x128xi32, #tpu.memory_space<vmem>>
    %dma_start3A_6 = tpu.memref_squeeze %dma_start3A_5 : memref<1x128xi32, #tpu.memory_space<vmem>> -> memref<128xi32, #tpu.memory_space<vmem>>
    %dma_start3A_7 = arith.constant 0 : i32
    %dma_start3A_8 = arith.constant 0 : i32
    %dma_start3A_9 = tpu.memref_slice %arg2[%dma_start3A_7, %dma_start3A_8] : memref<1024x64xbf16, #tpu.memory_space<hbm>> -> memref<1024x64xbf16, #tpu.memory_space<hbm>>
    tpu.enqueue_indirect_dma source(%dma_start3A_9 : memref<1024x64xbf16, #tpu.memory_space<hbm>>) target(%dma_start3A_3 : memref<128x64xbf16, #tpu.memory_space<vmem>>) offsets(%dma_start3A_6 : memref<128xi32, #tpu.memory_space<vmem>>) semaphore(%arg7 : memref<!tpu.dma_semaphore, #tpu.memory_space<semaphore_mem>>)
    %dma_start3A_10 = arith.constant 1 : i32
    %dma_start3A_11 = arith.constant 128 : i32
    %dma_start3A_12 = arith.constant 0 : i32
    %dma_start3A_13 = tpu.memref_slice %arg6[%dma_start3A_11, %dma_start3A_12] : memref<512x64xbf16, #tpu.memory_space<vmem>> -> memref<128x64xbf16, #tpu.memory_space<vmem>>
    %dma_start3A_14 = arith.constant 0 : i32
    %dma_start3A_15 = tpu.memref_slice %arg5[%dma_start3A_10, %dma_start3A_14] : memref<4x128xi32, #tpu.memory_space<vmem>> -> memref<1x128xi32, #tpu.memory_space<vmem>>
    %dma_start3A_16 = tpu.memref_squeeze %dma_start3A_15 : memref<1x128xi32, #tpu.memory_space<vmem>> -> memref<128xi32, #tpu.memory_space<vmem>>
    %dma_start3A_17 = arith.constant 0 : i32
    %dma_start3A_18 = arith.constant 0 : i32
    %dma_start3A_19 = tpu.memref_slice %arg2[%dma_start3A_17, %dma_start3A_18] : memref<1024x64xbf16, #tpu.memory_space<hbm>> -> memref<1024x64xbf16, #tpu.memory_space<hbm>>
    tpu.enqueue_indirect_dma source(%dma_start3A_19 : memref<1024x64xbf16, #tpu.memory_space<hbm>>) target(%dma_start3A_13 : memref<128x64xbf16, #tpu.memory_space<vmem>>) offsets(%dma_start3A_16 : memref<128xi32, #tpu.memory_space<vmem>>) semaphore(%arg8 : memref<!tpu.dma_semaphore, #tpu.memory_space<semaphore_mem>>)
    %dma_start3A_20 = arith.constant 2 : i32
    %dma_start3A_21 = arith.constant 256 : i32
    %dma_start3A_22 = arith.constant 0 : i32
    %dma_start3A_23 = tpu.memref_slice %arg6[%dma_start3A_21, %dma_start3A_22] : memref<512x64xbf16, #tpu.memory_space<vmem>> -> memref<128x64xbf16, #tpu.memory_space<vmem>>
    %dma_start3A_24 = arith.constant 0 : i32
    %dma_start3A_25 = tpu.memref_slice %arg5[%dma_start3A_20, %dma_start3A_24] : memref<4x128xi32, #tpu.memory_space<vmem>> -> memref<1x128xi32, #tpu.memory_space<vmem>>
    %dma_start3A_26 = tpu.memref_squeeze %dma_start3A_25 : memref<1x128xi32, #tpu.memory_space<vmem>> -> memref<128xi32, #tpu.memory_space<vmem>>
    %dma_start3A_27 = arith.constant 0 : i32
    %dma_start3A_28 = arith.constant 0 : i32
    %dma_start3A_29 = tpu.memref_slice %arg2[%dma_start3A_27, %dma_start3A_28] : memref<1024x64xbf16, #tpu.memory_space<hbm>> -> memref<1024x64xbf16, #tpu.memory_space<hbm>>
    tpu.enqueue_indirect_dma source(%dma_start3A_29 : memref<1024x64xbf16, #tpu.memory_space<hbm>>) target(%dma_start3A_23 : memref<128x64xbf16, #tpu.memory_space<vmem>>) offsets(%dma_start3A_26 : memref<128xi32, #tpu.memory_space<vmem>>) semaphore(%arg9 : memref<!tpu.dma_semaphore, #tpu.memory_space<semaphore_mem>>)
    %dma_start3A_30 = arith.constant 3 : i32
    %dma_start3A_31 = arith.constant 384 : i32
    %dma_start3A_32 = arith.constant 0 : i32
    %dma_start3A_33 = tpu.memref_slice %arg6[%dma_start3A_31, %dma_start3A_32] : memref<512x64xbf16, #tpu.memory_space<vmem>> -> memref<128x64xbf16, #tpu.memory_space<vmem>>
    %dma_start3A_34 = arith.constant 0 : i32
    %dma_start3A_35 = tpu.memref_slice %arg5[%dma_start3A_30, %dma_start3A_34] : memref<4x128xi32, #tpu.memory_space<vmem>> -> memref<1x128xi32, #tpu.memory_space<vmem>>
    %dma_start3A_36 = tpu.memref_squeeze %dma_start3A_35 : memref<1x128xi32, #tpu.memory_space<vmem>> -> memref<128xi32, #tpu.memory_space<vmem>>
    %dma_start3A_37 = arith.constant 0 : i32
    %dma_start3A_38 = arith.constant 0 : i32
    %dma_start3A_39 = tpu.memref_slice %arg2[%dma_start3A_37, %dma_start3A_38] : memref<1024x64xbf16, #tpu.memory_space<hbm>> -> memref<1024x64xbf16, #tpu.memory_space<hbm>>
    tpu.enqueue_indirect_dma source(%dma_start3A_39 : memref<1024x64xbf16, #tpu.memory_space<hbm>>) target(%dma_start3A_33 : memref<128x64xbf16, #tpu.memory_space<vmem>>) offsets(%dma_start3A_36 : memref<128xi32, #tpu.memory_space<vmem>>) semaphore(%arg10 : memref<!tpu.dma_semaphore, #tpu.memory_space<semaphore_mem>>)
    %dma_wait3A = arith.constant 0 : i32
    %dma_wait3A_40 = arith.constant 0 : i32
    %dma_wait3A_41 = arith.constant 0 : i32
    %dma_wait3A_42 = tpu.memref_slice %arg6[%dma_wait3A_40, %dma_wait3A_41] : memref<512x64xbf16, #tpu.memory_space<vmem>> -> memref<128x64xbf16, #tpu.memory_space<vmem>>
    %dma_wait3A_43 = arith.constant 0 : i32
    %dma_wait3A_44 = tpu.memref_slice %arg5[%dma_wait3A, %dma_wait3A_43] : memref<4x128xi32, #tpu.memory_space<vmem>> -> memref<1x128xi32, #tpu.memory_space<vmem>>
    %dma_wait3A_45 = tpu.memref_squeeze %dma_wait3A_44 : memref<1x128xi32, #tpu.memory_space<vmem>> -> memref<128xi32, #tpu.memory_space<vmem>>
    %dma_wait3A_46 = arith.constant 0 : i32
    %dma_wait3A_47 = arith.constant 0 : i32
    %dma_wait3A_48 = tpu.memref_slice %arg2[%dma_wait3A_46, %dma_wait3A_47] : memref<1024x64xbf16, #tpu.memory_space<hbm>> -> memref<1024x64xbf16, #tpu.memory_space<hbm>>
    tpu.wait_indirect_dma semaphore(%arg7 : memref<!tpu.dma_semaphore, #tpu.memory_space<semaphore_mem>>) src(%dma_wait3A_48 : memref<1024x64xbf16, #tpu.memory_space<hbm>>) dst(%dma_wait3A_42 : memref<128x64xbf16, #tpu.memory_space<vmem>>)
    %mul3A_49 = arith.constant 512 : i32
    %mul3A_50 = arith.muli %add3A, %mul3A_49 : i32
    %add3A_51 = arith.constant 0 : i32
    %add3A_52 = arith.addi %mul3A_50, %add3A_51 : i32
    %dma_start3A_53 = arith.constant 0 : i32
    %dma_start3A_54 = arith.constant 0 : i32
    %dma_start3A_55 = tpu.memref_slice %arg6[%dma_start3A_53, %dma_start3A_54] : memref<512x64xbf16, #tpu.memory_space<vmem>> -> memref<128x64xbf16, #tpu.memory_space<vmem>>
    %dma_start3A_56 = arith.constant 0 : i32
    %dma_start3A_57 = tpu.memref_slice %arg4[%add3A_52, %dma_start3A_56] : memref<16384x64xbf16, #tpu.memory_space<hbm>> -> memref<128x64xbf16, #tpu.memory_space<hbm>>
    %dma_start3A_58 = arith.constant 0 : i32
    %dma_start3A_59 = tpu.memref_slice %arg4[%add3A_52, %dma_start3A_58] : memref<16384x64xbf16, #tpu.memory_space<hbm>> -> memref<128x64xbf16, #tpu.memory_space<hbm>>
    %dma_start3A_60 = arith.constant 0 : i32
    %dma_start3A_61 = arith.constant 0 : i32
    %dma_start3A_62 = tpu.memref_slice %arg6[%dma_start3A_60, %dma_start3A_61] : memref<512x64xbf16, #tpu.memory_space<vmem>> -> memref<128x64xbf16, #tpu.memory_space<vmem>>
    tpu.enqueue_dma source(%dma_start3A_62 : memref<128x64xbf16, #tpu.memory_space<vmem>>) target(%dma_start3A_59 : memref<128x64xbf16, #tpu.memory_space<hbm>>) target_semaphore(%arg11 : memref<!tpu.dma_semaphore, #tpu.memory_space<semaphore_mem>>)
    %dma_wait3A_63 = arith.constant 1 : i32
    %dma_wait3A_64 = arith.constant 128 : i32
    %dma_wait3A_65 = arith.constant 0 : i32
    %dma_wait3A_66 = tpu.memref_slice %arg6[%dma_wait3A_64, %dma_wait3A_65] : memref<512x64xbf16, #tpu.memory_space<vmem>> -> memref<128x64xbf16, #tpu.memory_space<vmem>>
    %dma_wait3A_67 = arith.constant 0 : i32
    %dma_wait3A_68 = tpu.memref_slice %arg5[%dma_wait3A_63, %dma_wait3A_67] : memref<4x128xi32, #tpu.memory_space<vmem>> -> memref<1x128xi32, #tpu.memory_space<vmem>>
    %dma_wait3A_69 = tpu.memref_squeeze %dma_wait3A_68 : memref<1x128xi32, #tpu.memory_space<vmem>> -> memref<128xi32, #tpu.memory_space<vmem>>
    %dma_wait3A_70 = arith.constant 0 : i32
    %dma_wait3A_71 = arith.constant 0 : i32
    %dma_wait3A_72 = tpu.memref_slice %arg2[%dma_wait3A_70, %dma_wait3A_71] : memref<1024x64xbf16, #tpu.memory_space<hbm>> -> memref<1024x64xbf16, #tpu.memory_space<hbm>>
    tpu.wait_indirect_dma semaphore(%arg8 : memref<!tpu.dma_semaphore, #tpu.memory_space<semaphore_mem>>) src(%dma_wait3A_72 : memref<1024x64xbf16, #tpu.memory_space<hbm>>) dst(%dma_wait3A_66 : memref<128x64xbf16, #tpu.memory_space<vmem>>)
    %mul3A_73 = arith.constant 512 : i32
    %mul3A_74 = arith.muli %add3A, %mul3A_73 : i32
    %add3A_75 = arith.constant 128 : i32
    %add3A_76 = arith.addi %mul3A_74, %add3A_75 : i32
    %dma_start3A_77 = arith.constant 128 : i32
    %dma_start3A_78 = arith.constant 0 : i32
    %dma_start3A_79 = tpu.memref_slice %arg6[%dma_start3A_77, %dma_start3A_78] : memref<512x64xbf16, #tpu.memory_space<vmem>> -> memref<128x64xbf16, #tpu.memory_space<vmem>>
    %dma_start3A_80 = arith.constant 0 : i32
    %dma_start3A_81 = tpu.memref_slice %arg4[%add3A_76, %dma_start3A_80] : memref<16384x64xbf16, #tpu.memory_space<hbm>> -> memref<128x64xbf16, #tpu.memory_space<hbm>>
    %dma_start3A_82 = arith.constant 0 : i32
    %dma_start3A_83 = tpu.memref_slice %arg4[%add3A_76, %dma_start3A_82] : memref<16384x64xbf16, #tpu.memory_space<hbm>> -> memref<128x64xbf16, #tpu.memory_space<hbm>>
    %dma_start3A_84 = arith.constant 128 : i32
    %dma_start3A_85 = arith.constant 0 : i32
    %dma_start3A_86 = tpu.memref_slice %arg6[%dma_start3A_84, %dma_start3A_85] : memref<512x64xbf16, #tpu.memory_space<vmem>> -> memref<128x64xbf16, #tpu.memory_space<vmem>>
    tpu.enqueue_dma source(%dma_start3A_86 : memref<128x64xbf16, #tpu.memory_space<vmem>>) target(%dma_start3A_83 : memref<128x64xbf16, #tpu.memory_space<hbm>>) target_semaphore(%arg12 : memref<!tpu.dma_semaphore, #tpu.memory_space<semaphore_mem>>)
    %dma_wait3A_87 = arith.constant 2 : i32
    %dma_wait3A_88 = arith.constant 256 : i32
    %dma_wait3A_89 = arith.constant 0 : i32
    %dma_wait3A_90 = tpu.memref_slice %arg6[%dma_wait3A_88, %dma_wait3A_89] : memref<512x64xbf16, #tpu.memory_space<vmem>> -> memref<128x64xbf16, #tpu.memory_space<vmem>>
    %dma_wait3A_91 = arith.constant 0 : i32
    %dma_wait3A_92 = tpu.memref_slice %arg5[%dma_wait3A_87, %dma_wait3A_91] : memref<4x128xi32, #tpu.memory_space<vmem>> -> memref<1x128xi32, #tpu.memory_space<vmem>>
    %dma_wait3A_93 = tpu.memref_squeeze %dma_wait3A_92 : memref<1x128xi32, #tpu.memory_space<vmem>> -> memref<128xi32, #tpu.memory_space<vmem>>
    %dma_wait3A_94 = arith.constant 0 : i32
    %dma_wait3A_95 = arith.constant 0 : i32
    %dma_wait3A_96 = tpu.memref_slice %arg2[%dma_wait3A_94, %dma_wait3A_95] : memref<1024x64xbf16, #tpu.memory_space<hbm>> -> memref<1024x64xbf16, #tpu.memory_space<hbm>>
    tpu.wait_indirect_dma semaphore(%arg9 : memref<!tpu.dma_semaphore, #tpu.memory_space<semaphore_mem>>) src(%dma_wait3A_96 : memref<1024x64xbf16, #tpu.memory_space<hbm>>) dst(%dma_wait3A_90 : memref<128x64xbf16, #tpu.memory_space<vmem>>)
    %mul3A_97 = arith.constant 512 : i32
    %mul3A_98 = arith.muli %add3A, %mul3A_97 : i32
    %add3A_99 = arith.constant 256 : i32
    %add3A_100 = arith.addi %mul3A_98, %add3A_99 : i32
    %dma_start3A_101 = arith.constant 256 : i32
    %dma_start3A_102 = arith.constant 0 : i32
    %dma_start3A_103 = tpu.memref_slice %arg6[%dma_start3A_101, %dma_start3A_102] : memref<512x64xbf16, #tpu.memory_space<vmem>> -> memref<128x64xbf16, #tpu.memory_space<vmem>>
    %dma_start3A_104 = arith.constant 0 : i32
    %dma_start3A_105 = tpu.memref_slice %arg4[%add3A_100, %dma_start3A_104] : memref<16384x64xbf16, #tpu.memory_space<hbm>> -> memref<128x64xbf16, #tpu.memory_space<hbm>>
    %dma_start3A_106 = arith.constant 0 : i32
    %dma_start3A_107 = tpu.memref_slice %arg4[%add3A_100, %dma_start3A_106] : memref<16384x64xbf16, #tpu.memory_space<hbm>> -> memref<128x64xbf16, #tpu.memory_space<hbm>>
    %dma_start3A_108 = arith.constant 256 : i32
    %dma_start3A_109 = arith.constant 0 : i32
    %dma_start3A_110 = tpu.memref_slice %arg6[%dma_start3A_108, %dma_start3A_109] : memref<512x64xbf16, #tpu.memory_space<vmem>> -> memref<128x64xbf16, #tpu.memory_space<vmem>>
    tpu.enqueue_dma source(%dma_start3A_110 : memref<128x64xbf16, #tpu.memory_space<vmem>>) target(%dma_start3A_107 : memref<128x64xbf16, #tpu.memory_space<hbm>>) target_semaphore(%arg13 : memref<!tpu.dma_semaphore, #tpu.memory_space<semaphore_mem>>)
    %dma_wait3A_111 = arith.constant 3 : i32
    %dma_wait3A_112 = arith.constant 384 : i32
    %dma_wait3A_113 = arith.constant 0 : i32
    %dma_wait3A_114 = tpu.memref_slice %arg6[%dma_wait3A_112, %dma_wait3A_113] : memref<512x64xbf16, #tpu.memory_space<vmem>> -> memref<128x64xbf16, #tpu.memory_space<vmem>>
    %dma_wait3A_115 = arith.constant 0 : i32
    %dma_wait3A_116 = tpu.memref_slice %arg5[%dma_wait3A_111, %dma_wait3A_115] : memref<4x128xi32, #tpu.memory_space<vmem>> -> memref<1x128xi32, #tpu.memory_space<vmem>>
    %dma_wait3A_117 = tpu.memref_squeeze %dma_wait3A_116 : memref<1x128xi32, #tpu.memory_space<vmem>> -> memref<128xi32, #tpu.memory_space<vmem>>
    %dma_wait3A_118 = arith.constant 0 : i32
    %dma_wait3A_119 = arith.constant 0 : i32
    %dma_wait3A_120 = tpu.memref_slice %arg2[%dma_wait3A_118, %dma_wait3A_119] : memref<1024x64xbf16, #tpu.memory_space<hbm>> -> memref<1024x64xbf16, #tpu.memory_space<hbm>>
    tpu.wait_indirect_dma semaphore(%arg10 : memref<!tpu.dma_semaphore, #tpu.memory_space<semaphore_mem>>) src(%dma_wait3A_120 : memref<1024x64xbf16, #tpu.memory_space<hbm>>) dst(%dma_wait3A_114 : memref<128x64xbf16, #tpu.memory_space<vmem>>)
    %mul3A_121 = arith.constant 512 : i32
    %mul3A_122 = arith.muli %add3A, %mul3A_121 : i32
    %add3A_123 = arith.constant 384 : i32
    %add3A_124 = arith.addi %mul3A_122, %add3A_123 : i32
    %dma_start3A_125 = arith.constant 384 : i32
    %dma_start3A_126 = arith.constant 0 : i32
    %dma_start3A_127 = tpu.memref_slice %arg6[%dma_start3A_125, %dma_start3A_126] : memref<512x64xbf16, #tpu.memory_space<vmem>> -> memref<128x64xbf16, #tpu.memory_space<vmem>>
    %dma_start3A_128 = arith.constant 0 : i32
    %dma_start3A_129 = tpu.memref_slice %arg4[%add3A_124, %dma_start3A_128] : memref<16384x64xbf16, #tpu.memory_space<hbm>> -> memref<128x64xbf16, #tpu.memory_space<hbm>>
    %dma_start3A_130 = arith.constant 0 : i32
    %dma_start3A_131 = tpu.memref_slice %arg4[%add3A_124, %dma_start3A_130] : memref<16384x64xbf16, #tpu.memory_space<hbm>> -> memref<128x64xbf16, #tpu.memory_space<hbm>>
    %dma_start3A_132 = arith.constant 384 : i32
    %dma_start3A_133 = arith.constant 0 : i32
    %dma_start3A_134 = tpu.memref_slice %arg6[%dma_start3A_132, %dma_start3A_133] : memref<512x64xbf16, #tpu.memory_space<vmem>> -> memref<128x64xbf16, #tpu.memory_space<vmem>>
    tpu.enqueue_dma source(%dma_start3A_134 : memref<128x64xbf16, #tpu.memory_space<vmem>>) target(%dma_start3A_131 : memref<128x64xbf16, #tpu.memory_space<hbm>>) target_semaphore(%arg14 : memref<!tpu.dma_semaphore, #tpu.memory_space<semaphore_mem>>)
    %dma_wait3A_135 = arith.constant 0 : i32
    %dma_wait3A_136 = arith.constant 0 : i32
    %dma_wait3A_137 = tpu.memref_slice %arg6[%dma_wait3A_135, %dma_wait3A_136] : memref<512x64xbf16, #tpu.memory_space<vmem>> -> memref<128x64xbf16, #tpu.memory_space<vmem>>
    %dma_wait3A_138 = arith.constant 0 : i32
    %dma_wait3A_139 = tpu.memref_slice %arg4[%add3A_52, %dma_wait3A_138] : memref<16384x64xbf16, #tpu.memory_space<hbm>> -> memref<128x64xbf16, #tpu.memory_space<hbm>>
    %dma_wait3A_140 = arith.constant 0 : i32
    %dma_wait3A_141 = tpu.memref_slice %arg4[%add3A_52, %dma_wait3A_140] : memref<16384x64xbf16, #tpu.memory_space<hbm>> -> memref<128x64xbf16, #tpu.memory_space<hbm>>
    %dma_wait3A_142 = arith.constant 0 : i32
    %dma_wait3A_143 = arith.constant 0 : i32
    %dma_wait3A_144 = tpu.memref_slice %arg6[%dma_wait3A_142, %dma_wait3A_143] : memref<512x64xbf16, #tpu.memory_space<vmem>> -> memref<128x64xbf16, #tpu.memory_space<vmem>>
    tpu.wait_dma2 semaphore(%arg11 : memref<!tpu.dma_semaphore, #tpu.memory_space<semaphore_mem>>) src(%dma_wait3A_144 : memref<128x64xbf16, #tpu.memory_space<vmem>>) dst(%dma_wait3A_141 : memref<128x64xbf16, #tpu.memory_space<hbm>>)
    %dma_wait3A_145 = arith.constant 128 : i32
    %dma_wait3A_146 = arith.constant 0 : i32
    %dma_wait3A_147 = tpu.memref_slice %arg6[%dma_wait3A_145, %dma_wait3A_146] : memref<512x64xbf16, #tpu.memory_space<vmem>> -> memref<128x64xbf16, #tpu.memory_space<vmem>>
    %dma_wait3A_148 = arith.constant 0 : i32
    %dma_wait3A_149 = tpu.memref_slice %arg4[%add3A_76, %dma_wait3A_148] : memref<16384x64xbf16, #tpu.memory_space<hbm>> -> memref<128x64xbf16, #tpu.memory_space<hbm>>
    %dma_wait3A_150 = arith.constant 0 : i32
    %dma_wait3A_151 = tpu.memref_slice %arg4[%add3A_76, %dma_wait3A_150] : memref<16384x64xbf16, #tpu.memory_space<hbm>> -> memref<128x64xbf16, #tpu.memory_space<hbm>>
    %dma_wait3A_152 = arith.constant 128 : i32
    %dma_wait3A_153 = arith.constant 0 : i32
    %dma_wait3A_154 = tpu.memref_slice %arg6[%dma_wait3A_152, %dma_wait3A_153] : memref<512x64xbf16, #tpu.memory_space<vmem>> -> memref<128x64xbf16, #tpu.memory_space<vmem>>
    tpu.wait_dma2 semaphore(%arg12 : memref<!tpu.dma_semaphore, #tpu.memory_space<semaphore_mem>>) src(%dma_wait3A_154 : memref<128x64xbf16, #tpu.memory_space<vmem>>) dst(%dma_wait3A_151 : memref<128x64xbf16, #tpu.memory_space<hbm>>)
    %dma_wait3A_155 = arith.constant 256 : i32
    %dma_wait3A_156 = arith.constant 0 : i32
    %dma_wait3A_157 = tpu.memref_slice %arg6[%dma_wait3A_155, %dma_wait3A_156] : memref<512x64xbf16, #tpu.memory_space<vmem>> -> memref<128x64xbf16, #tpu.memory_space<vmem>>
    %dma_wait3A_158 = arith.constant 0 : i32
    %dma_wait3A_159 = tpu.memref_slice %arg4[%add3A_100, %dma_wait3A_158] : memref<16384x64xbf16, #tpu.memory_space<hbm>> -> memref<128x64xbf16, #tpu.memory_space<hbm>>
    %dma_wait3A_160 = arith.constant 0 : i32
    %dma_wait3A_161 = tpu.memref_slice %arg4[%add3A_100, %dma_wait3A_160] : memref<16384x64xbf16, #tpu.memory_space<hbm>> -> memref<128x64xbf16, #tpu.memory_space<hbm>>
    %dma_wait3A_162 = arith.constant 256 : i32
    %dma_wait3A_163 = arith.constant 0 : i32
    %dma_wait3A_164 = tpu.memref_slice %arg6[%dma_wait3A_162, %dma_wait3A_163] : memref<512x64xbf16, #tpu.memory_space<vmem>> -> memref<128x64xbf16, #tpu.memory_space<vmem>>
    tpu.wait_dma2 semaphore(%arg13 : memref<!tpu.dma_semaphore, #tpu.memory_space<semaphore_mem>>) src(%dma_wait3A_164 : memref<128x64xbf16, #tpu.memory_space<vmem>>) dst(%dma_wait3A_161 : memref<128x64xbf16, #tpu.memory_space<hbm>>)
    %dma_wait3A_165 = arith.constant 384 : i32
    %dma_wait3A_166 = arith.constant 0 : i32
    %dma_wait3A_167 = tpu.memref_slice %arg6[%dma_wait3A_165, %dma_wait3A_166] : memref<512x64xbf16, #tpu.memory_space<vmem>> -> memref<128x64xbf16, #tpu.memory_space<vmem>>
    %dma_wait3A_168 = arith.constant 0 : i32
    %dma_wait3A_169 = tpu.memref_slice %arg4[%add3A_124, %dma_wait3A_168] : memref<16384x64xbf16, #tpu.memory_space<hbm>> -> memref<128x64xbf16, #tpu.memory_space<hbm>>
    %dma_wait3A_170 = arith.constant 0 : i32
    %dma_wait3A_171 = tpu.memref_slice %arg4[%add3A_124, %dma_wait3A_170] : memref<16384x64xbf16, #tpu.memory_space<hbm>> -> memref<128x64xbf16, #tpu.memory_space<hbm>>
    %dma_wait3A_172 = arith.constant 384 : i32
    %dma_wait3A_173 = arith.constant 0 : i32
    %dma_wait3A_174 = tpu.memref_slice %arg6[%dma_wait3A_172, %dma_wait3A_173] : memref<512x64xbf16, #tpu.memory_space<vmem>> -> memref<128x64xbf16, #tpu.memory_space<vmem>>
    tpu.wait_dma2 semaphore(%arg14 : memref<!tpu.dma_semaphore, #tpu.memory_space<semaphore_mem>>) src(%dma_wait3A_174 : memref<128x64xbf16, #tpu.memory_space<vmem>>) dst(%dma_wait3A_171 : memref<128x64xbf16, #tpu.memory_space<hbm>>)
    return
  }
}

module attributes {stable_mosaic.version = 14 : i64} {
  func.func @_mlp_body_conv(%arg0: i32, %arg1: memref<2048x64xbf16, #tpu.memory_space<vmem>>, %arg2: memref<100x16x128xf32, #tpu.memory_space<vmem>>, %arg3: memref<128x100xbf16, #tpu.memory_space<vmem>>, %arg4: memref<100x100x128xf32, #tpu.memory_space<vmem>>, %arg5: memref<128x100xbf16, #tpu.memory_space<vmem>>, %arg6: memref<128x100xbf16, #tpu.memory_space<vmem>>, %arg7: memref<128x64xbf16, #tpu.memory_space<vmem>>, %arg8: memref<128x16x100xbf16, #tpu.memory_space<vmem>>, %arg9: memref<128x100x100xbf16, #tpu.memory_space<vmem>>) attributes {dimension_semantics = [#tpu.dimension_semantics<arbitrary>], iteration_bounds = array<i64: 8>, scalar_prefetch = 0 : i64, scratch_operands = 0 : i64, tpu.core_type = #tpu.core_type<tc>, window_params = [{transform_indices = @transform_0, window_bounds = array<i64: 2048, 64>}, {transform_indices = @transform_1, window_bounds = array<i64: 100, 16, 128>}, {transform_indices = @transform_2, window_bounds = array<i64: 128, 100>}, {transform_indices = @transform_3, window_bounds = array<i64: 100, 100, 128>}, {transform_indices = @transform_4, window_bounds = array<i64: 128, 100>}, {transform_indices = @transform_5, window_bounds = array<i64: 128, 100>}, {transform_indices = @transform_6, window_bounds = array<i64: 128, 64>}, {transform_indices = @transform_7, window_bounds = array<i64: 128, 16, 100>}, {transform_indices = @transform_8, window_bounds = array<i64: 128, 100, 100>}]} {
    %get3A = arith.constant 0 : index
    %get3A_0 = arith.constant 0 : index
    %get3A_1 = arith.constant 0 : index
    %get3A_2 = vector.load %arg2[%get3A, %get3A_0, %get3A_1] : memref<100x16x128xf32, #tpu.memory_space<vmem>>, vector<100x16x128xf32>
    %convert_element_type3A = arith.truncf %get3A_2 : vector<100x16x128xf32> to vector<100x16x128xbf16>
    %transpose3A = tpu.transpose %convert_element_type3A, [2, 1, 0] : vector<100x16x128xbf16> -> vector<128x16x100xbf16>
    %get3A_3 = arith.constant 0 : index
    %get3A_4 = arith.constant 0 : index
    %get3A_5 = arith.constant 0 : index
    %get3A_6 = vector.load %arg4[%get3A_3, %get3A_4, %get3A_5] : memref<100x100x128xf32, #tpu.memory_space<vmem>>, vector<100x100x128xf32>
    %convert_element_type3A_7 = arith.truncf %get3A_6 : vector<100x100x128xf32> to vector<100x100x128xbf16>
    %transpose3A_8 = tpu.transpose %convert_element_type3A_7, [2, 0, 1] : vector<100x100x128xbf16> -> vector<128x100x100xbf16>
    %swap3A = arith.constant 0 : index
    %swap3A_9 = arith.constant 0 : index
    %swap3A_10 = arith.constant 0 : index
    %swap3A_11 = vector.load %arg8[%swap3A, %swap3A_9, %swap3A_10] : memref<128x16x100xbf16, #tpu.memory_space<vmem>>, vector<128x16x100xbf16>
    tpu.vector_store %arg8[%swap3A, %swap3A_9, %swap3A_10], %transpose3A {strides = array<i32>} : memref<128x16x100xbf16, #tpu.memory_space<vmem>>, vector<128x16x100xbf16>,
    %swap3A_12 = arith.constant 0 : index
    %swap3A_13 = arith.constant 0 : index
    %swap3A_14 = arith.constant 0 : index
    %swap3A_15 = vector.load %arg9[%swap3A_12, %swap3A_13, %swap3A_14] : memref<128x100x100xbf16, #tpu.memory_space<vmem>>, vector<128x100x100xbf16>
    tpu.vector_store %arg9[%swap3A_12, %swap3A_13, %swap3A_14], %transpose3A_8 {strides = array<i32>} : memref<128x100x100xbf16, #tpu.memory_space<vmem>>, vector<128x100x100xbf16>,
    %get3A_16 = arith.constant 0 : index
    %get3A_17 = arith.constant 0 : index
    %get3A_18 = vector.load %arg1[%get3A_16, %get3A_17] : memref<2048x64xbf16, #tpu.memory_space<vmem>>, vector<2048x64xbf16>
    %reshape3A = vector.shape_cast %get3A_18 : vector<2048x64xbf16> to vector<128x16x64xbf16>
    %dot_general3A = arith.constant dense<0.000000e+00> : vector<128x64x100xf32>
    %dot_general3A_19 = tpu.matmul %reshape3A, %transpose3A, %dot_general3A {dimension_numbers = #tpu.dot_dimension_numbers<[1], [1], [2], [2], [0, 0, 0, 2, 1, 2], [0], [0]>, transpose_lhs_hint = false} : vector<128x16x64xbf16>, vector<128x16x100xbf16>, vector<128x64x100xf32> -> vector<128x64x100xf32>
    %get3A_20 = arith.constant 0 : index
    %get3A_21 = arith.constant 0 : index
    %get3A_22 = vector.load %arg3[%get3A_20, %get3A_21] : memref<128x100xbf16, #tpu.memory_space<vmem>>, vector<128x100xbf16>
    %convert_element_type3A_23 = arith.extf %get3A_22 : vector<128x100xbf16> to vector<128x100xf32>
    %broadcast_in_dim3A = vector.shape_cast %convert_element_type3A_23 : vector<128x100xf32> to vector<128x1x100xf32>
    %add3A = vector.broadcast %broadcast_in_dim3A : vector<128x1x100xf32> to vector<128x64x100xf32>
    %add3A_24 = arith.addf %dot_general3A_19, %add3A : vector<128x64x100xf32>
    %mul3A = arith.constant 0.00999999977 : f32
    %mul3A_25 = vector.broadcast %mul3A : f32 to vector<128x64x100xf32>
    %mul3A_26 = arith.mulf %mul3A_25, %add3A_24 : vector<128x64x100xf32>
    %max3A = arith.maximumf %add3A_24, %mul3A_26 : vector<128x64x100xf32>
    %convert_element_type3A_27 = arith.truncf %max3A : vector<128x64x100xf32> to vector<128x64x100xbf16>
    %dot_general3A_28 = arith.constant dense<0.000000e+00> : vector<128x64x100xf32>
    %dot_general3A_29 = tpu.matmul %convert_element_type3A_27, %transpose3A_8, %dot_general3A_28 {dimension_numbers = #tpu.dot_dimension_numbers<[2], [1], [1], [2], [0, 0, 0, 1, 1, 2], [0], [0]>, transpose_lhs_hint = false} : vector<128x64x100xbf16>, vector<128x100x100xbf16>, vector<128x64x100xf32> -> vector<128x64x100xf32>
    %get3A_30 = arith.constant 0 : index
    %get3A_31 = arith.constant 0 : index
    %get3A_32 = vector.load %arg5[%get3A_30, %get3A_31] : memref<128x100xbf16, #tpu.memory_space<vmem>>, vector<128x100xbf16>
    %convert_element_type3A_33 = arith.extf %get3A_32 : vector<128x100xbf16> to vector<128x100xf32>
    %broadcast_in_dim3A_34 = vector.shape_cast %convert_element_type3A_33 : vector<128x100xf32> to vector<128x1x100xf32>
    %add3A_35 = vector.broadcast %broadcast_in_dim3A_34 : vector<128x1x100xf32> to vector<128x64x100xf32>
    %add3A_36 = arith.addf %dot_general3A_29, %add3A_35 : vector<128x64x100xf32>
    %mul3A_37 = arith.constant 0.00999999977 : f32
    %mul3A_38 = vector.broadcast %mul3A_37 : f32 to vector<128x64x100xf32>
    %mul3A_39 = arith.mulf %mul3A_38, %add3A_36 : vector<128x64x100xf32>
    %max3A_40 = arith.maximumf %add3A_36, %mul3A_39 : vector<128x64x100xf32>
    %get3A_41 = arith.constant 0 : index
    %get3A_42 = arith.constant 0 : index
    %get3A_43 = vector.load %arg6[%get3A_41, %get3A_42] : memref<128x100xbf16, #tpu.memory_space<vmem>>, vector<128x100xbf16>
    %convert_element_type3A_44 = arith.extf %get3A_43 : vector<128x100xbf16> to vector<128x100xf32>
    %broadcast_in_dim3A_45 = vector.shape_cast %convert_element_type3A_44 : vector<128x100xf32> to vector<128x1x100xf32>
    %mul3A_46 = vector.broadcast %broadcast_in_dim3A_45 : vector<128x1x100xf32> to vector<128x64x100xf32>
    %mul3A_47 = arith.mulf %max3A_40, %mul3A_46 : vector<128x64x100xf32>
    %reduce_sum3A = arith.constant dense<0.000000e+00> : vector<128x64xf32>
    %reduce_sum3A_48 = vector.multi_reduction <add>, %mul3A_47, %reduce_sum3A [2] : vector<128x64x100xf32> to vector<128x64xf32>
    %mul3A_49 = arith.constant 0.00999999977 : f32
    %mul3A_50 = vector.broadcast %mul3A_49 : f32 to vector<128x64xf32>
    %mul3A_51 = arith.mulf %mul3A_50, %reduce_sum3A_48 : vector<128x64xf32>
    %max3A_52 = arith.maximumf %reduce_sum3A_48, %mul3A_51 : vector<128x64xf32>
    %convert_element_type3A_53 = arith.truncf %max3A_52 : vector<128x64xf32> to vector<128x64xbf16>
    %swap3A_54 = arith.constant 0 : index
    %swap3A_55 = arith.constant 0 : index
    %swap3A_56 = vector.load %arg7[%swap3A_54, %swap3A_55] : memref<128x64xbf16, #tpu.memory_space<vmem>>, vector<128x64xbf16>
    tpu.vector_store %arg7[%swap3A_54, %swap3A_55], %convert_element_type3A_53 {strides = array<i32>} : memref<128x64xbf16, #tpu.memory_space<vmem>>, vector<128x64xbf16>,
    return
  }
  func.func @transform_0(%arg0: i32) -> (i32, i32) {
    %c0_i32 = arith.constant 0 : i32
    %c0_i32_0 = arith.constant 0 : i32
    return %arg0, %c0_i32 : i32, i32
  }
  func.func @transform_1(%arg0: i32) -> (i32, i32, i32) {
    %c0_i32 = arith.constant 0 : i32
    %c0_i32_0 = arith.constant 0 : i32
    %c0_i32_1 = arith.constant 0 : i32
    return %c0_i32, %c0_i32_0, %arg0 : i32, i32, i32
  }
  func.func @transform_2(%arg0: i32) -> (i32, i32) {
    %c0_i32 = arith.constant 0 : i32
    %c0_i32_0 = arith.constant 0 : i32
    return %arg0, %c0_i32 : i32, i32
  }
  func.func @transform_3(%arg0: i32) -> (i32, i32, i32) {
    %c0_i32 = arith.constant 0 : i32
    %c0_i32_0 = arith.constant 0 : i32
    %c0_i32_1 = arith.constant 0 : i32
    return %c0_i32, %c0_i32_0, %arg0 : i32, i32, i32
  }
  func.func @transform_4(%arg0: i32) -> (i32, i32) {
    %c0_i32 = arith.constant 0 : i32
    %c0_i32_0 = arith.constant 0 : i32
    return %arg0, %c0_i32 : i32, i32
  }
  func.func @transform_5(%arg0: i32) -> (i32, i32) {
    %c0_i32 = arith.constant 0 : i32
    %c0_i32_0 = arith.constant 0 : i32
    return %arg0, %c0_i32 : i32, i32
  }
  func.func @transform_6(%arg0: i32) -> (i32, i32) {
    %c0_i32 = arith.constant 0 : i32
    %c0_i32_0 = arith.constant 0 : i32
    return %arg0, %c0_i32 : i32, i32
  }
  func.func @transform_7(%arg0: i32) -> (i32, i32, i32) {
    %c0_i32 = arith.constant 0 : i32
    %c0_i32_0 = arith.constant 0 : i32
    %c0_i32_1 = arith.constant 0 : i32
    return %arg0, %c0_i32, %c0_i32_0 : i32, i32, i32
  }
  func.func @transform_8(%arg0: i32) -> (i32, i32, i32) {
    %c0_i32 = arith.constant 0 : i32
    %c0_i32_0 = arith.constant 0 : i32
    %c0_i32_1 = arith.constant 0 : i32
    return %arg0, %c0_i32, %c0_i32_0 : i32, i32, i32
  }
}

module attributes {stable_mosaic.version = 14 : i64} {
  func.func @_mlp_body_bf(%arg0: i32, %arg1: memref<2048x64xbf16, #tpu.memory_space<vmem>>, %arg2: memref<128x16x100xbf16, #tpu.memory_space<vmem>>, %arg3: memref<128x100xbf16, #tpu.memory_space<vmem>>, %arg4: memref<128x100x100xbf16, #tpu.memory_space<vmem>>, %arg5: memref<128x100xbf16, #tpu.memory_space<vmem>>, %arg6: memref<128x100xbf16, #tpu.memory_space<vmem>>, %arg7: memref<128x64xbf16, #tpu.memory_space<vmem>>) attributes {dimension_semantics = [#tpu.dimension_semantics<arbitrary>], iteration_bounds = array<i64: 8>, scalar_prefetch = 0 : i64, scratch_operands = 0 : i64, tpu.core_type = #tpu.core_type<tc>, window_params = [{transform_indices = @transform_0, window_bounds = array<i64: 2048, 64>}, {transform_indices = @transform_1, window_bounds = array<i64: 128, 16, 100>}, {transform_indices = @transform_2, window_bounds = array<i64: 128, 100>}, {transform_indices = @transform_3, window_bounds = array<i64: 128, 100, 100>}, {transform_indices = @transform_4, window_bounds = array<i64: 128, 100>}, {transform_indices = @transform_5, window_bounds = array<i64: 128, 100>}, {transform_indices = @transform_6, window_bounds = array<i64: 128, 64>}]} {
    %get3A = arith.constant 0 : index
    %get3A_0 = arith.constant 0 : index
    %get3A_1 = vector.load %arg1[%get3A, %get3A_0] : memref<2048x64xbf16, #tpu.memory_space<vmem>>, vector<2048x64xbf16>
    %reshape3A = vector.shape_cast %get3A_1 : vector<2048x64xbf16> to vector<128x16x64xbf16>
    %get3A_2 = arith.constant 0 : index
    %get3A_3 = arith.constant 0 : index
    %get3A_4 = arith.constant 0 : index
    %get3A_5 = vector.load %arg2[%get3A_2, %get3A_3, %get3A_4] : memref<128x16x100xbf16, #tpu.memory_space<vmem>>, vector<128x16x100xbf16>
    %dot_general3A = arith.constant dense<0.000000e+00> : vector<128x64x100xf32>
    %dot_general3A_6 = tpu.matmul %reshape3A, %get3A_5, %dot_general3A {dimension_numbers = #tpu.dot_dimension_numbers<[1], [1], [2], [2], [0, 0, 0, 2, 1, 2], [0], [0]>, transpose_lhs_hint = false} : vector<128x16x64xbf16>, vector<128x16x100xbf16>, vector<128x64x100xf32> -> vector<128x64x100xf32>
    %get3A_7 = arith.constant 0 : index
    %get3A_8 = arith.constant 0 : index
    %get3A_9 = vector.load %arg3[%get3A_7, %get3A_8] : memref<128x100xbf16, #tpu.memory_space<vmem>>, vector<128x100xbf16>
    %convert_element_type3A = arith.extf %get3A_9 : vector<128x100xbf16> to vector<128x100xf32>
    %broadcast_in_dim3A = vector.shape_cast %convert_element_type3A : vector<128x100xf32> to vector<128x1x100xf32>
    %add3A = vector.broadcast %broadcast_in_dim3A : vector<128x1x100xf32> to vector<128x64x100xf32>
    %add3A_10 = arith.addf %dot_general3A_6, %add3A : vector<128x64x100xf32>
    %mul3A = arith.constant 0.00999999977 : f32
    %mul3A_11 = vector.broadcast %mul3A : f32 to vector<128x64x100xf32>
    %mul3A_12 = arith.mulf %mul3A_11, %add3A_10 : vector<128x64x100xf32>
    %max3A = arith.maximumf %add3A_10, %mul3A_12 : vector<128x64x100xf32>
    %convert_element_type3A_13 = arith.truncf %max3A : vector<128x64x100xf32> to vector<128x64x100xbf16>
    %get3A_14 = arith.constant 0 : index
    %get3A_15 = arith.constant 0 : index
    %get3A_16 = arith.constant 0 : index
    %get3A_17 = vector.load %arg4[%get3A_14, %get3A_15, %get3A_16] : memref<128x100x100xbf16, #tpu.memory_space<vmem>>, vector<128x100x100xbf16>
    %dot_general3A_18 = arith.constant dense<0.000000e+00> : vector<128x64x100xf32>
    %dot_general3A_19 = tpu.matmul %convert_element_type3A_13, %get3A_17, %dot_general3A_18 {dimension_numbers = #tpu.dot_dimension_numbers<[2], [1], [1], [2], [0, 0, 0, 1, 1, 2], [0], [0]>, transpose_lhs_hint = false} : vector<128x64x100xbf16>, vector<128x100x100xbf16>, vector<128x64x100xf32> -> vector<128x64x100xf32>
    %get3A_20 = arith.constant 0 : index
    %get3A_21 = arith.constant 0 : index
    %get3A_22 = vector.load %arg5[%get3A_20, %get3A_21] : memref<128x100xbf16, #tpu.memory_space<vmem>>, vector<128x100xbf16>
    %convert_element_type3A_23 = arith.extf %get3A_22 : vector<128x100xbf16> to vector<128x100xf32>
    %broadcast_in_dim3A_24 = vector.shape_cast %convert_element_type3A_23 : vector<128x100xf32> to vector<128x1x100xf32>
    %add3A_25 = vector.broadcast %broadcast_in_dim3A_24 : vector<128x1x100xf32> to vector<128x64x100xf32>
    %add3A_26 = arith.addf %dot_general3A_19, %add3A_25 : vector<128x64x100xf32>
    %mul3A_27 = arith.constant 0.00999999977 : f32
    %mul3A_28 = vector.broadcast %mul3A_27 : f32 to vector<128x64x100xf32>
    %mul3A_29 = arith.mulf %mul3A_28, %add3A_26 : vector<128x64x100xf32>
    %max3A_30 = arith.maximumf %add3A_26, %mul3A_29 : vector<128x64x100xf32>
    %get3A_31 = arith.constant 0 : index
    %get3A_32 = arith.constant 0 : index
    %get3A_33 = vector.load %arg6[%get3A_31, %get3A_32] : memref<128x100xbf16, #tpu.memory_space<vmem>>, vector<128x100xbf16>
    %convert_element_type3A_34 = arith.extf %get3A_33 : vector<128x100xbf16> to vector<128x100xf32>
    %broadcast_in_dim3A_35 = vector.shape_cast %convert_element_type3A_34 : vector<128x100xf32> to vector<128x1x100xf32>
    %mul3A_36 = vector.broadcast %broadcast_in_dim3A_35 : vector<128x1x100xf32> to vector<128x64x100xf32>
    %mul3A_37 = arith.mulf %max3A_30, %mul3A_36 : vector<128x64x100xf32>
    %reduce_sum3A = arith.constant dense<0.000000e+00> : vector<128x64xf32>
    %reduce_sum3A_38 = vector.multi_reduction <add>, %mul3A_37, %reduce_sum3A [2] : vector<128x64x100xf32> to vector<128x64xf32>
    %mul3A_39 = arith.constant 0.00999999977 : f32
    %mul3A_40 = vector.broadcast %mul3A_39 : f32 to vector<128x64xf32>
    %mul3A_41 = arith.mulf %mul3A_40, %reduce_sum3A_38 : vector<128x64xf32>
    %max3A_42 = arith.maximumf %reduce_sum3A_38, %mul3A_41 : vector<128x64xf32>
    %convert_element_type3A_43 = arith.truncf %max3A_42 : vector<128x64xf32> to vector<128x64xbf16>
    %swap3A = arith.constant 0 : index
    %swap3A_44 = arith.constant 0 : index
    %swap3A_45 = vector.load %arg7[%swap3A, %swap3A_44] : memref<128x64xbf16, #tpu.memory_space<vmem>>, vector<128x64xbf16>
    tpu.vector_store %arg7[%swap3A, %swap3A_44], %convert_element_type3A_43 {strides = array<i32>} : memref<128x64xbf16, #tpu.memory_space<vmem>>, vector<128x64xbf16>,
    return
  }
  func.func @transform_0(%arg0: i32) -> (i32, i32) {
    %c0_i32 = arith.constant 0 : i32
    %c0_i32_0 = arith.constant 0 : i32
    return %arg0, %c0_i32 : i32, i32
  }
  func.func @transform_1(%arg0: i32) -> (i32, i32, i32) {
    %c0_i32 = arith.constant 0 : i32
    %c0_i32_0 = arith.constant 0 : i32
    %c0_i32_1 = arith.constant 0 : i32
    return %arg0, %c0_i32, %c0_i32_0 : i32, i32, i32
  }
  func.func @transform_2(%arg0: i32) -> (i32, i32) {
    %c0_i32 = arith.constant 0 : i32
    %c0_i32_0 = arith.constant 0 : i32
    return %arg0, %c0_i32 : i32, i32
  }
  func.func @transform_3(%arg0: i32) -> (i32, i32, i32) {
    %c0_i32 = arith.constant 0 : i32
    %c0_i32_0 = arith.constant 0 : i32
    %c0_i32_1 = arith.constant 0 : i32
    return %arg0, %c0_i32, %c0_i32_0 : i32, i32, i32
  }
  func.func @transform_4(%arg0: i32) -> (i32, i32) {
    %c0_i32 = arith.constant 0 : i32
    %c0_i32_0 = arith.constant 0 : i32
    return %arg0, %c0_i32 : i32, i32
  }
  func.func @transform_5(%arg0: i32) -> (i32, i32) {
    %c0_i32 = arith.constant 0 : i32
    %c0_i32_0 = arith.constant 0 : i32
    return %arg0, %c0_i32 : i32, i32
  }
  func.func @transform_6(%arg0: i32) -> (i32, i32) {
    %c0_i32 = arith.constant 0 : i32
    %c0_i32_0 = arith.constant 0 : i32
    return %arg0, %c0_i32 : i32, i32
  }
}

module attributes {stable_mosaic.version = 14 : i64} {
  func.func @_mlp_body_last(%arg0: i32, %arg1: memref<4096x64xbf16, #tpu.memory_space<vmem>>, %arg2: memref<256x16x100xbf16, #tpu.memory_space<vmem>>, %arg3: memref<256x100xbf16, #tpu.memory_space<vmem>>, %arg4: memref<256x100x100xbf16, #tpu.memory_space<vmem>>, %arg5: memref<256x100xbf16, #tpu.memory_space<vmem>>, %arg6: memref<256x100xbf16, #tpu.memory_space<vmem>>, %arg7: memref<64x256xf32, #tpu.memory_space<vmem>>) attributes {dimension_semantics = [#tpu.dimension_semantics<arbitrary>], iteration_bounds = array<i64: 4>, scalar_prefetch = 0 : i64, scratch_operands = 0 : i64, tpu.core_type = #tpu.core_type<tc>, window_params = [{transform_indices = @transform_0, window_bounds = array<i64: 4096, 64>}, {transform_indices = @transform_1, window_bounds = array<i64: 256, 16, 100>}, {transform_indices = @transform_2, window_bounds = array<i64: 256, 100>}, {transform_indices = @transform_3, window_bounds = array<i64: 256, 100, 100>}, {transform_indices = @transform_4, window_bounds = array<i64: 256, 100>}, {transform_indices = @transform_5, window_bounds = array<i64: 256, 100>}, {transform_indices = @transform_6, window_bounds = array<i64: 64, 256>}]} {
    %get3A = arith.constant 0 : index
    %get3A_0 = arith.constant 0 : index
    %get3A_1 = vector.load %arg1[%get3A, %get3A_0] : memref<4096x64xbf16, #tpu.memory_space<vmem>>, vector<4096x64xbf16>
    %reshape3A = vector.shape_cast %get3A_1 : vector<4096x64xbf16> to vector<256x16x64xbf16>
    %get3A_2 = arith.constant 0 : index
    %get3A_3 = arith.constant 0 : index
    %get3A_4 = arith.constant 0 : index
    %get3A_5 = vector.load %arg2[%get3A_2, %get3A_3, %get3A_4] : memref<256x16x100xbf16, #tpu.memory_space<vmem>>, vector<256x16x100xbf16>
    %dot_general3A = arith.constant dense<0.000000e+00> : vector<256x64x100xf32>
    %dot_general3A_6 = tpu.matmul %reshape3A, %get3A_5, %dot_general3A {dimension_numbers = #tpu.dot_dimension_numbers<[1], [1], [2], [2], [0, 0, 0, 2, 1, 2], [0], [0]>, transpose_lhs_hint = false} : vector<256x16x64xbf16>, vector<256x16x100xbf16>, vector<256x64x100xf32> -> vector<256x64x100xf32>
    %get3A_7 = arith.constant 0 : index
    %get3A_8 = arith.constant 0 : index
    %get3A_9 = vector.load %arg3[%get3A_7, %get3A_8] : memref<256x100xbf16, #tpu.memory_space<vmem>>, vector<256x100xbf16>
    %convert_element_type3A = arith.extf %get3A_9 : vector<256x100xbf16> to vector<256x100xf32>
    %broadcast_in_dim3A = vector.shape_cast %convert_element_type3A : vector<256x100xf32> to vector<256x1x100xf32>
    %add3A = vector.broadcast %broadcast_in_dim3A : vector<256x1x100xf32> to vector<256x64x100xf32>
    %add3A_10 = arith.addf %dot_general3A_6, %add3A : vector<256x64x100xf32>
    %mul3A = arith.constant 0.00999999977 : f32
    %mul3A_11 = vector.broadcast %mul3A : f32 to vector<256x64x100xf32>
    %mul3A_12 = arith.mulf %mul3A_11, %add3A_10 : vector<256x64x100xf32>
    %max3A = arith.maximumf %add3A_10, %mul3A_12 : vector<256x64x100xf32>
    %convert_element_type3A_13 = arith.truncf %max3A : vector<256x64x100xf32> to vector<256x64x100xbf16>
    %get3A_14 = arith.constant 0 : index
    %get3A_15 = arith.constant 0 : index
    %get3A_16 = arith.constant 0 : index
    %get3A_17 = vector.load %arg4[%get3A_14, %get3A_15, %get3A_16] : memref<256x100x100xbf16, #tpu.memory_space<vmem>>, vector<256x100x100xbf16>
    %dot_general3A_18 = arith.constant dense<0.000000e+00> : vector<256x64x100xf32>
    %dot_general3A_19 = tpu.matmul %convert_element_type3A_13, %get3A_17, %dot_general3A_18 {dimension_numbers = #tpu.dot_dimension_numbers<[2], [1], [1], [2], [0, 0, 0, 1, 1, 2], [0], [0]>, transpose_lhs_hint = false} : vector<256x64x100xbf16>, vector<256x100x100xbf16>, vector<256x64x100xf32> -> vector<256x64x100xf32>
    %get3A_20 = arith.constant 0 : index
    %get3A_21 = arith.constant 0 : index
    %get3A_22 = vector.load %arg5[%get3A_20, %get3A_21] : memref<256x100xbf16, #tpu.memory_space<vmem>>, vector<256x100xbf16>
    %convert_element_type3A_23 = arith.extf %get3A_22 : vector<256x100xbf16> to vector<256x100xf32>
    %broadcast_in_dim3A_24 = vector.shape_cast %convert_element_type3A_23 : vector<256x100xf32> to vector<256x1x100xf32>
    %add3A_25 = vector.broadcast %broadcast_in_dim3A_24 : vector<256x1x100xf32> to vector<256x64x100xf32>
    %add3A_26 = arith.addf %dot_general3A_19, %add3A_25 : vector<256x64x100xf32>
    %mul3A_27 = arith.constant 0.00999999977 : f32
    %mul3A_28 = vector.broadcast %mul3A_27 : f32 to vector<256x64x100xf32>
    %mul3A_29 = arith.mulf %mul3A_28, %add3A_26 : vector<256x64x100xf32>
    %max3A_30 = arith.maximumf %add3A_26, %mul3A_29 : vector<256x64x100xf32>
    %get3A_31 = arith.constant 0 : index
    %get3A_32 = arith.constant 0 : index
    %get3A_33 = vector.load %arg6[%get3A_31, %get3A_32] : memref<256x100xbf16, #tpu.memory_space<vmem>>, vector<256x100xbf16>
    %convert_element_type3A_34 = arith.extf %get3A_33 : vector<256x100xbf16> to vector<256x100xf32>
    %broadcast_in_dim3A_35 = vector.shape_cast %convert_element_type3A_34 : vector<256x100xf32> to vector<256x1x100xf32>
    %mul3A_36 = vector.broadcast %broadcast_in_dim3A_35 : vector<256x1x100xf32> to vector<256x64x100xf32>
    %mul3A_37 = arith.mulf %max3A_30, %mul3A_36 : vector<256x64x100xf32>
    %reduce_sum3A = arith.constant dense<0.000000e+00> : vector<256x64xf32>
    %reduce_sum3A_38 = vector.multi_reduction <add>, %mul3A_37, %reduce_sum3A [2] : vector<256x64x100xf32> to vector<256x64xf32>
    %mul3A_39 = arith.constant 0.00999999977 : f32
    %mul3A_40 = vector.broadcast %mul3A_39 : f32 to vector<256x64xf32>
    %mul3A_41 = arith.mulf %mul3A_40, %reduce_sum3A_38 : vector<256x64xf32>
    %max3A_42 = arith.maximumf %reduce_sum3A_38, %mul3A_41 : vector<256x64xf32>
    %transpose3A = tpu.transpose %max3A_42, [1, 0] : vector<256x64xf32> -> vector<64x256xf32>
    %swap3A = arith.constant 0 : index
    %swap3A_43 = arith.constant 0 : index
    %swap3A_44 = vector.load %arg7[%swap3A, %swap3A_43] : memref<64x256xf32, #tpu.memory_space<vmem>>, vector<64x256xf32>
    tpu.vector_store %arg7[%swap3A, %swap3A_43], %transpose3A {strides = array<i32>} : memref<64x256xf32, #tpu.memory_space<vmem>>, vector<64x256xf32>,
    return
  }
  func.func @transform_0(%arg0: i32) -> (i32, i32) {
    %c0_i32 = arith.constant 0 : i32
    %c0_i32_0 = arith.constant 0 : i32
    return %arg0, %c0_i32 : i32, i32
  }
  func.func @transform_1(%arg0: i32) -> (i32, i32, i32) {
    %c0_i32 = arith.constant 0 : i32
    %c0_i32_0 = arith.constant 0 : i32
    %c0_i32_1 = arith.constant 0 : i32
    return %arg0, %c0_i32, %c0_i32_0 : i32, i32, i32
  }
  func.func @transform_2(%arg0: i32) -> (i32, i32) {
    %c0_i32 = arith.constant 0 : i32
    %c0_i32_0 = arith.constant 0 : i32
    return %arg0, %c0_i32 : i32, i32
  }
  func.func @transform_3(%arg0: i32) -> (i32, i32, i32) {
    %c0_i32 = arith.constant 0 : i32
    %c0_i32_0 = arith.constant 0 : i32
    %c0_i32_1 = arith.constant 0 : i32
    return %arg0, %c0_i32, %c0_i32_0 : i32, i32, i32
  }
  func.func @transform_4(%arg0: i32) -> (i32, i32) {
    %c0_i32 = arith.constant 0 : i32
    %c0_i32_0 = arith.constant 0 : i32
    return %arg0, %c0_i32 : i32, i32
  }
  func.func @transform_5(%arg0: i32) -> (i32, i32) {
    %c0_i32 = arith.constant 0 : i32
    %c0_i32_0 = arith.constant 0 : i32
    return %arg0, %c0_i32 : i32, i32
  }
  func.func @transform_6(%arg0: i32) -> (i32, i32) {
    %c0_i32 = arith.constant 0 : i32
    %c0_i32_0 = arith.constant 0 : i32
    return %c0_i32, %arg0 : i32, i32
  }
}

</mosaic_0001>

<sc_bundles>
// kernel: kernel.12.cloned.1.call-start
scs
__scs_entry_jumppad:
0x0: {  	(pc) =	sbr.rel $0x88, $3  }
0x1: {  	(tag) =	ssettag $0x0;
	lr =	simm.s32 $0x1  }
0x2: {  	[smem:$0x3F9A] =	sst lr;
	_ =	strace $0xD0000000  }
0x3: {  	_ = 	snop  }
0x4: {  	_ = 	snop  }
0x5: {  	_ = 	snop  }
0x6: {  	_ = 	snop  }
0x7: {  	_ = 	snop  }
__scs_overlays_trampoline_lowered:
0x8: {  	[smem:$0x3FA9] =	sst s0  }
0x9: {  	[smem:$0x3FAA] =	sst s1  }
0xa: {  	[smem:$0x3FAB] =	sst s2  }
0xb: {  	[smem:$0x3FAC] =	sst s3  }
0xc: {  	[smem:$0x3FAD] =	sst s4  }
0xd: {  	[smem:$0x3FAE] =	sst s5  }
0xe: {  	[smem:$0x3FAF] =	sst s6  }
0xf: {  	[smem:$0x3FB0] =	sst s7  }
0x10: {  	[smem:$0x3FB1] =	sst s8  }
0x11: {  	[smem:$0x3FB2] =	sst s9;
	s0 =	simm.s32 @!p0 $0x0  }
0x12: {  	s1 =	sld [smem:$0x3F98];
	s0 =	simm.s32 @p0 $0x1  }
0x13: {  	[smem:$0x3FB3] =	sst s0;
	s0 =	simm.s32 @!p1 $0x0  }
0x14: {  	s2 =	sld [smem:$0x3F97];
	s0 =	simm.s32 @p1 $0x1  }
0x15: {  	[smem:$0x3FB4] =	sst s0;
	s0 =	simm.s32 @!p2 $0x0  }
0x16: {  	s3 =	sld [smem:$0x3FDB];
	s0 =	simm.s32 @p2 $0x1  }
0x17: {  	s4 =	simm.s32 $0x1BF5;
	[smem:$0x3FB6] =	sst s0  }
0x18: {  	s0 =	sld [smem:$0x3F99];
	_ =	swait.ge [sflag:s4], $0x0  }
0x19: {  	s7 =	sld [smem:$0x3F9A]  }
0x1a: {  	s8 =	sadd.s32 $0xFFFFE003, lr  }
0x1b: {  	s9 =	sadd.s32 $0xFFFFFEF7, lr;
	s5 =	simm.s32 $0xFFFFFFFF;
	p2 =	slt.u32 s8, $0xFFFFF086  }
0x1c: {  	p1 =	slt.u32 s9, $0xF7A;
	s5 =	simm.s32 @!p2 $0x0  }
0x1d: {  	s5 =	simm.s32 @p1 $0x1;
	p0 =	seq.s32 s7, s2  }
0x1e: {  	s7 =	smul.u32 @!p0 $0xF7A, s2;
	p2 =	seq.s32 @!p0 s5, $0x0  }
0x1f: {  	s9 =	smul.u32 $0xF7A, s1;
	s8 =	simm.s32 @!p0 $0x1BF5;
	p2 =	por !p2, p0  }
0x20: {  	[sflag:s8] =	ssyncset.s32 @!p0 $0xFFFFF086;
	s6 =	sadd.s32 @!p0 s3, s7;
	s7 =	simm.s32 @!p0 $0x108  }
0x21: {  	s3 =	sadd.s32 s3, s9;
	s6 =	sadd.s32 @!p0 $0x88, s6;
	s7 =	simm.s32 @p2 $0x1082  }
0x22: {  	[simem:s7], [sflag:s8] =	dma.local @!p0 [hbm:s6], $0xF7A  }
0x23: {  	s9 =	sor.u32 $0xD0000000, s2;
	s6 =	simm.s32 $0x108;
	_ =	swait.ge @!p0 [sflag:s8], $0x0  }
0x24: {  	s3 =	sadd.s32 $0x88, s3;
	s6 =	simm.s32 @!p1 $0x1082;
	[sflag:s4] =	ssyncset.s32 $0xFFFFF086  }
0x25: {  	[simem:s6], [sflag:s4] =	dma.local [hbm:s3], $0xF7A  }
0x26: {  	[smem:$0x3F9A] =	sst s1;
	(tag) =	ssettag s2;
	_ =	strace s9  }
0x27: {  	s1 =	sld [smem:$0x3FAA]  }
0x28: {  	s2 =	sld [smem:$0x3FAB]  }
0x29: {  	s4 =	sld [smem:$0x3FAD]  }
0x2a: {  	p0 =	seq.s32 s5, $0x0;
	s5 =	sld [smem:$0x3FAE]  }
0x2b: {  	s6 =	sld [smem:$0x3FAF]  }
0x2c: {  	s7 =	sld [smem:$0x3FB0]  }
0x2d: {  	s3 =	simm.s32 $0x108;
	s8 =	sld [smem:$0x3FB1]  }
0x2e: {  	s3 =	simm.s32 @!p0 $0x1082;
	s9 =	sld [smem:$0x3FB2]  }
0x2f: {  	lr =	sadd.s32 s0, s3;
	s0 =	sld [smem:$0x3FA9]  }
0x30: {  	s3 =	sld [smem:$0x3FAC]  }
0x31: {  	[smem:$0x3FB5] =	sst s10  }
0x32: {  	s10 =	sld [smem:$0x3FB3];
	_ =	sdelay $0x3  }
0x33: {  	p0 =	seq.s32 s10, $0x1;
	s10 =	sld [smem:$0x3FB5];
	_ =	sdelay $0x3  }
0x34: {  	[smem:$0x3FB5] =	sst s10  }
0x35: {  	s10 =	sld [smem:$0x3FB4];
	_ =	sdelay $0x3  }
0x36: {  	p1 =	seq.s32 s10, $0x1;
	s10 =	sld [smem:$0x3FB5];
	_ =	sdelay $0x3  }
0x37: {  	[smem:$0x3FB5] =	sst s10  }
0x38: {  	s10 =	sld [smem:$0x3FB6]  }
0x39: {  	_ = 	snop;
	(pc) =	sbr.ind lr, $3  }
0x3a: {  	_ = 	snop  }
0x3b: {  	_ = 	snop  }
0x3c: {  	p2 =	seq.s32 s10, $0x1;
	s10 =	sld [smem:$0x3FB5]  }
0x3d: {  	_ =	shalt  }
0x3e: {  	_ =	shalt  }
0x3f: {  	_ =	shalt  }
0x40: {  	_ =	shalt  }
0x41: {  	_ =	shalt  }
0x42: {  	_ =	shalt  }
0x43: {  	_ =	shalt  }
0x44: {  	_ =	shalt  }
0x45: {  	_ =	shalt  }
0x46: {  	_ =	shalt  }
0x47: {  	_ =	shalt  }
0x48: {  	_ =	shalt  }
0x49: {  	_ =	shalt  }
0x4a: {  	_ =	shalt  }
0x4b: {  	_ =	shalt  }
0x4c: {  	_ =	shalt  }
0x4d: {  	_ =	shalt  }
0x4e: {  	_ =	shalt  }
0x4f: {  	_ =	shalt  }
0x50: {  	_ =	shalt  }
0x51: {  	_ =	shalt  }
0x52: {  	_ =	shalt  }
0x53: {  	_ =	shalt  }
0x54: {  	_ =	shalt  }
0x55: {  	_ =	shalt  }
0x56: {  	_ =	shalt  }
0x57: {  	_ =	shalt  }
0x58: {  	_ =	shalt  }
0x59: {  	_ =	shalt  }
0x5a: {  	_ =	shalt  }
0x5b: {  	_ =	shalt  }
0x5c: {  	_ =	shalt  }
0x5d: {  	_ =	shalt  }
0x5e: {  	_ =	shalt  }
0x5f: {  	_ =	shalt  }
0x60: {  	_ =	shalt  }
0x61: {  	_ =	shalt  }
0x62: {  	_ =	shalt  }
0x63: {  	_ =	shalt  }
0x64: {  	_ =	shalt  }
0x65: {  	_ =	shalt  }
0x66: {  	_ =	shalt  }
0x67: {  	_ =	shalt  }
0x68: {  	_ =	shalt  }
0x69: {  	_ =	shalt  }
0x6a: {  	_ =	shalt  }
0x6b: {  	_ =	shalt  }
0x6c: {  	_ =	shalt  }
0x6d: {  	_ =	shalt  }
0x6e: {  	_ =	shalt  }
0x6f: {  	_ =	shalt  }
0x70: {  	_ =	shalt  }
0x71: {  	_ =	shalt  }
0x72: {  	_ =	shalt  }
0x73: {  	_ =	shalt  }
0x74: {  	_ =	shalt  }
0x75: {  	_ =	shalt  }
0x76: {  	_ =	shalt  }
0x77: {  	_ =	shalt  }
0x78: {  	_ =	shalt  }
0x79: {  	_ =	shalt  }
0x7a: {  	_ =	shalt  }
0x7b: {  	_ =	shalt  }
0x7c: {  	_ =	shalt  }
0x7d: {  	_ =	shalt  }
0x7e: {  	_ =	shalt  }
0x7f: {  	_ =	shalt  }
0x80: {  	_ =	shalt  }
0x81: {  	_ =	shalt  }
0x82: {  	_ =	shalt  }
0x83: {  	_ =	shalt  }
0x84: {  	_ =	shalt  }
0x85: {  	_ =	shalt  }
0x86: {  	_ =	shalt  }
0x87: {  	_ =	shalt  }
.Lfunc_end0:
.L_simem_size_0:
called_computation_lowered:
.L_overlay_start_0:
0x88: {  	s2 =	sld [smem:$0x3FD9]  }
0x89: {  	s3 =	sld [smem:$0x3FFE];
	_ =	sdelay $0x1  }
0x8a: {  	s1 =	srdreg.scid  }
0x8b: {  	s0 =	sand.u32 $0x1, s1  }
0x8c: {  	s17 =	sshll.u32 s0, $0xA;
	s2 =	sadd.s32 s3, s2  }
0x8d: {  	s2 =	sadd.s32 s2, s17  }
0x8e: {  	[smem:$0x3FC1] =	sst s2  }
0x8f: {  	_ = 	snop  }
0x90: {  	s2 =	sld [smem:$0x3FD0];
	(tm) =	ssettm $0x1  }
0x91: {  	s18 =	sld [smem:$0x3FFB];
	_ =	sdelay $0x3  }
0x92: {  	_ =	strace s18  }
0x93: {  	s3 =	sld [smem:$0x3FFC];
	_ =	sdelay $0x3  }
0x94: {  	_ =	strace s3  }
0x95: {  	s3 =	sld [smem:$0x3FFD];
	_ =	sdelay $0x3  }
0x96: {  	_ =	strace s3  }
0x97: {  	_ =	strace $0x8FFFFFFF  }
0x98: {  	s19 =	sld [smem:$0x3FDB];
	_ =	sdelay $0x1  }
0x99: {  	s4 =	simm.s32 $_scs_section_size  }
0x9a: {  	s5 =	simm.s32 $_size__tile_overlayer_lowered;
	s6 =	simm.s32 $_tile_overlayer_lowered  }
0x9b: {  	s22 =	simm.s32 $0x1BFF;
	s21 =	sshll.u32 s6, $0x1;
	s3 =	sadd.s32 s4, s19  }
0x9c: {  	s7 =	simm.s32 $0x0;
	s20 =	sshll.u32 s5, $0x1;
	s5 =	sadd.s32 s21, s3  }
0x9d: {  	[timem:s7], [sflag:s22] =	dma.local [hbm:s5], s20  }
0x9e: {  	_ =	swait.ge [sflag:s22], s20  }
0x9f: {  	s4 =	ssub.s32 $0x0, s20;
	[sflag:s22] =	ssyncset.done $0x0  }
0xa0: {  	[sflag:s22] =	ssyncadd.s32 s4;
	_ =	sdelay $0x1  }
0xa1: {  	s23 =	simm.s32 $0x1B8B  }
0xa2: {  	_ =	swait.ge [sflag:s23], $0x1  }
0xa3: {  	[sflag:s23] =	ssyncset.done $0x0  }
0xa4: {  	s25 =	simm.s32 $0x1B8E;
	s24 =	sld [smem:$0x3FFE];
	[sflag:s23] =	ssyncadd.s32 $0xFFFFFFFF  }
0xa5: {  	s26 =	simm.s32 $execute0_lowered;
	[smem:$0x3FD2] =	sst s25  }
0xa6: {  	s5 =	sshll.u32 s26, $0x1;
	_ =	strace $0x80000046;
	[dreg:$0x1] =	wrdreg $0xFFFFFFFF  }
0xa7: {  	s28 =	simm.s32 $_size_execute0_lowered;
	s3 =	sadd.s32 s3, s5;
	[dreg:$0x0] =	wrdreg $0x0  }
0xa8: {  	s5 =	sshll.u32 s28, $0x1;
	[dreg:$0x2] =	wrdreg s3  }
0xa9: {  	[dreg:$0x3] =	wrdreg s5  }
0xaa: {  	[dreg:$0x4] =	wrdreg $0xC0  }
0xab: {  	_ =	task [dreg:s7], $0x5FFFF  }
0xac: {  	[dreg:$0x1] =	wrdreg $0xFFFFFFFF  }
0xad: {  	[dreg:$0x0] =	wrdreg $0x60  }
0xae: {  	[dreg:$0x2] =	wrdreg s2  }
0xaf: {  	[dreg:$0x3] =	wrdreg s24  }
0xb0: {  	[dreg:$0x4] =	wrdreg $0x9  }
0xb1: {  	_ =	task.clear_ibuf [dreg:s7], $0x5FFFF;
	_ =	strace $0x90000046  }
0xb2: {  	s29 =	simm.s32 $0x9;
	_ =	strace $0x80000048  }
0xb3: {  	_ =	swait.ge [sflag:s29], $0x1  }
0xb4: {  	[sflag:s29] =	ssyncadd.s32 $0xFFFFFFFF  }
0xb5: {  	_ =	strace $0x90000048  }
0xb6: {  	_ =	sfence  }
0xb7: {  	s30 =	sld [smem:$0x0];
	_ =	sdelay $0x2  }
0xb8: {  	s31 =	sshll.u32 s1, $0xD;
	s1 =	sshrl.u32 s1, $0x2  }
0xb9: {  	s3 =	sand.u32 $0x4000, s31;
	s1 =	sadd.s32 s1, s30  }
0xba: {  	s0 =	sor.u32 s3, s0;
	s1 =	sshll.u32 s1, $0x11  }
0xbb: {  	s0 =	sor.u32 s1, s0  }
0xbc: {  	s0 =	sadd.s32 $0x8F2B, s0  }
0xbd: {  	[sflag:s0] =	ssyncadd.remote.s32 $0x1  }
0xbe: {  	_ =	sfence.sel $0xFFFF  }
0xbf: {  	[dreg:$0x0] =	wrdreg $0xFFFFFFFF;
	(pc) =	sbr.abs _section_cstart, $3  }
0xc0: {  	[dreg:$0x1] =	wrdreg $0xFFFFFFFF  }
0xc1: {  	_ =	task.clear_ibuf [dreg:s7], $0x2FFFF;
	_ =	strace $0x9FFFFFFF  }
0xc2: {  	(tm) =	ssettm $0x7FFFFFFF  }
0xc3: {  	_ =	shalt  }
tec
execute0_lowered:
.L_overlay_start_1:
0x0: {  	(tag) =	ssettag $0x1  }
0x1: {  	s1 =	srdreg.scid  }
0x2: {  	s0 =	stileid.u32;
	s23 =	sand.u32 $0x1, s1  }
0x3: {  	s31 =	sshll.u32 s0, $0xA;
	s3 =	sshll.u32 s23, $0x9  }
0x4: {  	s2 =	rddreg [dreg:$0x0];
	s15 =	sor.u32 s3, s31  }
0x5: {  	s14 =	rddreg [dreg:$0x1];
	s3 =	simm.s32 $0x0;
	s4 =	sshrl.u32 s15, $0x3  }
0x6: {  	s5 =	simm.s32 $0x9;
	[smem:$0x7FF] =	sst s3;
	s4 =	sadd.s32 s4, s14  }
0x7: {  	s1 =	rddreg [dreg:$0x2];
	_ =	strace $0x80000047;
	s4 =	sadd.s32 $0x2400, s4  }
0x8: {  	[tilespmem:s3], [sflag:$0x9] =	stream.linear.gather [hbm4b:s4+s3], $0x200, $0x38;
	[tilespmem:$0x4200] =	vst v63  }
0x9: {  	_ =	swait.ge [sflag:s5], $0x200  }
0xa: {  	[sflag:s5] =	ssyncset.done $0x0  }
0xb: {  	s6 =	simm.s32 $0x80;
	s7 =	simm.s32 $0x200;
	[sflag:s5] =	ssyncadd.s32 $0xFFFFFE00  }
0xc: {  	[tilespmem:s7], [sflag:$0x1] =	stream.indirect.gather [hbm4b:s2+s6], $0x20, s3, s6, $0xb8;
	[tilespmem:$0x4200] =	vst v63  }
0xd: {  	s8 =	simm.s32 $0x1200  }
0xe: {  	[tilespmem:s8], [sflag:$0x2] =	stream.indirect.gather [hbm4b:s2+s6], $0x20, s6, s6, $0xb8;
	[tilespmem:$0x4200] =	vst v63  }
0xf: {  	s9 =	simm.s32 $0x100;
	s10 =	simm.s32 $0x2200  }
0x10: {  	[tilespmem:s10], [sflag:$0x3] =	stream.indirect.gather [hbm4b:s2+s6], $0x20, s9, s6, $0xb8;
	[tilespmem:$0x4200] =	vst v63  }
0x11: {  	s11 =	simm.s32 $0x180;
	s12 =	simm.s32 $0x3200;
	s13 =	simm.s32 $0x1  }
0x12: {  	[tilespmem:s12], [sflag:$0x4] =	stream.indirect.gather [hbm4b:s2+s6], $0x20, s11, s6, $0xb8;
	[tilespmem:$0x4200] =	vst v63  }
0x13: {  	s15 =	sshll.u32 s15, $0x2;
	_ =	swait.ge [sflag:s13], $0x1000  }
0x14: {  	s20 =	sadd.s32 s15, s14;
	[sflag:s13] =	ssyncset.done $0x0  }
0x15: {  	s15 =	simm.s32 $0x2;
	s14 =	sadd.s32 $0x2C00, s20;
	[sflag:s13] =	ssyncadd.s32 $0xFFFFF000  }
0x16: {  	[hbm4b:s14+s3] =	stream.linear.scatter [tilespmem:s7], [sflag:$0x5], $0x1000, $0x38;
	[tilespmem:$0x4200] =	vst v63  }
0x17: {  	_ =	swait.ge [sflag:s15], $0x1000  }
0x18: {  	[sflag:s15] =	ssyncset.done $0x0  }
0x19: {  	s17 =	simm.s32 $0x3;
	s16 =	sadd.s32 $0x2E00, s20;
	[sflag:s15] =	ssyncadd.s32 $0xFFFFF000  }
0x1a: {  	[hbm4b:s16+s3] =	stream.linear.scatter [tilespmem:s8], [sflag:$0x6], $0x1000, $0x38;
	[tilespmem:$0x4200] =	vst v63  }
0x1b: {  	_ =	swait.ge [sflag:s17], $0x1000  }
0x1c: {  	[sflag:s17] =	ssyncset.done $0x0  }
0x1d: {  	s19 =	simm.s32 $0x4;
	s18 =	sadd.s32 $0x3000, s20;
	[sflag:s17] =	ssyncadd.s32 $0xFFFFF000  }
0x1e: {  	[hbm4b:s18+s3] =	stream.linear.scatter [tilespmem:s10], [sflag:$0x7], $0x1000, $0x38;
	[tilespmem:$0x4200] =	vst v63  }
0x1f: {  	_ =	swait.ge [sflag:s19], $0x1000  }
0x20: {  	[sflag:s19] =	ssyncset.done $0x0  }
0x21: {  	s21 =	simm.s32 $0x5;
	s20 =	sadd.s32 $0x3200, s20;
	[sflag:s19] =	ssyncadd.s32 $0xFFFFF000  }
0x22: {  	[hbm4b:s20+s3] =	stream.linear.scatter [tilespmem:s12], [sflag:$0x8], $0x1000, $0x38;
	[tilespmem:$0x4200] =	vst v63  }
0x23: {  	_ =	swait.ge [sflag:s21], $0x1000  }
0x24: {  	s24 =	ssub.s32 $0x2, s23;
	[sflag:s21] =	ssyncset.done $0x0  }
0x25: {  	s22 =	simm.s32 $0x6;
	s25 =	sshrl.u32 s24, $0x1;
	[sflag:s21] =	ssyncadd.s32 $0xFFFFF000  }
0x26: {  	s24 =	ssub.s32 s24, s25;
	_ =	swait.ge [sflag:s22], $0x1000  }
0x27: {  	s25 =	smax.u32 s24, $0x1;
	[sflag:s22] =	ssyncset.done $0x0  }
0x28: {  	s23 =	simm.s32 $0x7;
	p0 =	sne.s32 s25, $0x1;
	[sflag:s22] =	ssyncadd.s32 $0xFFFFF000  }
.Ltmp0:
0x29: {  	_ =	swait.ge [sflag:s23], $0x1000;
	(pc) =	sbr.rel @!p0 .LBB2_2-.Ltmp0, $4  }
0x2a: {  	[sflag:s23] =	ssyncset.done $0x0  }
0x2b: {  	s24 =	simm.s32 $0x8;
	[sflag:s23] =	ssyncadd.s32 $0xFFFFF000  }
0x2c: {  	_ =	swait.ge [sflag:s24], $0x1000  }
0x2d: {  	s25 =	sadd.s32 $0xFFFFFFFF, s25;
	[sflag:s24] =	ssyncset.done $0x0  }
.LBB2_1:
0x2e: {  	p0 =	sne.s32 s25, $0x1;
	s25 =	sadd.s32 $0xFFFFFFFF, s25;
	[sflag:s24] =	ssyncadd.s32 $0xFFFFF000  }
0x2f: {  	[tilespmem:s3], [sflag:$0x9] =	stream.linear.gather [hbm4b:s4+s3], $0x200, $0x38;
	[tilespmem:$0x4200] =	vst v63  }
0x30: {  	_ =	swait.ge [sflag:s5], $0x200  }
0x31: {  	[sflag:s5] =	ssyncset.done $0x0  }
0x32: {  	[sflag:s5] =	ssyncadd.s32 $0xFFFFFE00  }
0x33: {  	[tilespmem:s7], [sflag:$0x1] =	stream.indirect.gather [hbm4b:s2+s6], $0x20, s3, s6, $0xb8;
	[tilespmem:$0x4200] =	vst v63  }
0x34: {  	_ = 	snop  }
0x35: {  	[tilespmem:s8], [sflag:$0x2] =	stream.indirect.gather [hbm4b:s2+s6], $0x20, s6, s6, $0xb8;
	[tilespmem:$0x4200] =	vst v63  }
0x36: {  	_ = 	snop  }
0x37: {  	[tilespmem:s10], [sflag:$0x3] =	stream.indirect.gather [hbm4b:s2+s6], $0x20, s9, s6, $0xb8;
	[tilespmem:$0x4200] =	vst v63  }
0x38: {  	_ = 	snop  }
0x39: {  	[tilespmem:s12], [sflag:$0x4] =	stream.indirect.gather [hbm4b:s2+s6], $0x20, s11, s6, $0xb8;
	[tilespmem:$0x4200] =	vst v63  }
0x3a: {  	_ =	swait.ge [sflag:s13], $0x1000  }
0x3b: {  	[sflag:s13] =	ssyncset.done $0x0  }
0x3c: {  	[sflag:s13] =	ssyncadd.s32 $0xFFFFF000  }
0x3d: {  	[hbm4b:s14+s3] =	stream.linear.scatter [tilespmem:s7], [sflag:$0x5], $0x1000, $0x38;
	[tilespmem:$0x4200] =	vst v63  }
0x3e: {  	_ =	swait.ge [sflag:s15], $0x1000  }
0x3f: {  	[sflag:s15] =	ssyncset.done $0x0  }
0x40: {  	[sflag:s15] =	ssyncadd.s32 $0xFFFFF000  }
0x41: {  	[hbm4b:s16+s3] =	stream.linear.scatter [tilespmem:s8], [sflag:$0x6], $0x1000, $0x38;
	[tilespmem:$0x4200] =	vst v63  }
0x42: {  	_ =	swait.ge [sflag:s17], $0x1000  }
0x43: {  	[sflag:s17] =	ssyncset.done $0x0  }
0x44: {  	[sflag:s17] =	ssyncadd.s32 $0xFFFFF000  }
0x45: {  	[hbm4b:s18+s3] =	stream.linear.scatter [tilespmem:s10], [sflag:$0x7], $0x1000, $0x38;
	[tilespmem:$0x4200] =	vst v63  }
0x46: {  	_ =	swait.ge [sflag:s19], $0x1000  }
0x47: {  	[sflag:s19] =	ssyncset.done $0x0  }
0x48: {  	[sflag:s19] =	ssyncadd.s32 $0xFFFFF000  }
0x49: {  	[hbm4b:s20+s3] =	stream.linear.scatter [tilespmem:s12], [sflag:$0x8], $0x1000, $0x38;
	[tilespmem:$0x4200] =	vst v63  }
0x4a: {  	_ =	swait.ge [sflag:s21], $0x1000  }
0x4b: {  	[sflag:s21] =	ssyncset.done $0x0  }
0x4c: {  	[sflag:s21] =	ssyncadd.s32 $0xFFFFF000  }
0x4d: {  	_ =	swait.ge [sflag:s22], $0x1000  }
0x4e: {  	[sflag:s22] =	ssyncset.done $0x0  }
0x4f: {  	[sflag:s22] =	ssyncadd.s32 $0xFFFFF000  }
.Ltmp1:
0x50: {  	_ =	swait.ge [sflag:s23], $0x1000;
	(pc) =	sbr.rel @p0 .LBB2_1-.Ltmp1, $4  }
0x51: {  	[sflag:s23] =	ssyncset.done $0x0  }
0x52: {  	[sflag:s23] =	ssyncadd.s32 $0xFFFFF000  }
0x53: {  	_ =	swait.ge [sflag:s24], $0x1000  }
0x54: {  	[sflag:s24] =	ssyncset.done $0x0  }
.LBB2_2:
0x55: {  	[sflag:s24] =	ssyncadd.s32 $0xFFFFF000  }
0x56: {  	_ =	sfence.sel $0x180000  }
0x57: {  	[bflag:$0x0] =	sbarrier.arrive $0xFFFF  }
0x58: {  	p0 =	sne.s32 s0, $0x0;
	_ =	strace $0x90000047  }
0x59: {  	s0 =	sadd.s32 @!p0 $0x100000, s1;
	[bflag:$0x2] =	sbarrier.arrive $0xFFFF  }
0x5a: {  	[sflag:s0] =	ssyncadd.tile.s32 @!p0 $0x1;
	_ =	shalt  }
.Lfunc_end2:
_tile_overlayer_lowered:
.L_overlay_start_2:
0x5b: {  	(tag) =	ssettag $0x2  }
0x5c: {  	s0 =	rddreg [dreg:$0x0];
	s2 =	stileid.u32  }
0x5d: {  	s1 =	rddreg [dreg:$0x1];
	p0 =	sne.s32 s2, $0x0  }
0x5e: {  	s3 =	rddreg [dreg:$0x2];
	[bflag:$0x3] =	sbarrier.arrive $0xFFFF;
	s2 =	simm.s32 @!p0 $0x1C09  }
0x5f: {  	[timem:s3], [sflag:s2] =	dma.local @!p0 [hbm:s0], s1  }
0x60: {  	s0 =	simm.s32 @!p0 $0x9  }
0x61: {  	_ =	swait.ge @!p0 [sflag:s0], s1  }
0x62: {  	s1 =	ssub.s32 @!p0 $0x0, s1;
	[sflag:s0] =	ssyncset.done @!p0 $0x0  }
0x63: {  	[sflag:s0] =	ssyncadd.s32 @!p0 s1  }
0x64: {  	[bflag:$0x3] =	sbarrier.arrive $0xFFFF  }
0x65: {  	_ =	shalt  }

// kernel: kernel.15.cloned.1.call-start
scs
__scs_entry_jumppad:
0x0: {  	(pc) =	sbr.rel $0x88, $3  }
0x1: {  	(tag) =	ssettag $0x0;
	lr =	simm.s32 $0x1  }
0x2: {  	[smem:$0x3F9A] =	sst lr;
	_ =	strace $0xD0000000  }
0x3: {  	_ = 	snop  }
0x4: {  	_ = 	snop  }
0x5: {  	_ = 	snop  }
0x6: {  	_ = 	snop  }
0x7: {  	_ = 	snop  }
__scs_overlays_trampoline_lowered:
0x8: {  	[smem:$0x3FA9] =	sst s0  }
0x9: {  	[smem:$0x3FAA] =	sst s1  }
0xa: {  	[smem:$0x3FAB] =	sst s2  }
0xb: {  	[smem:$0x3FAC] =	sst s3  }
0xc: {  	[smem:$0x3FAD] =	sst s4  }
0xd: {  	[smem:$0x3FAE] =	sst s5  }
0xe: {  	[smem:$0x3FAF] =	sst s6  }
0xf: {  	[smem:$0x3FB0] =	sst s7  }
0x10: {  	[smem:$0x3FB1] =	sst s8  }
0x11: {  	[smem:$0x3FB2] =	sst s9;
	s0 =	simm.s32 @!p0 $0x0  }
0x12: {  	s1 =	sld [smem:$0x3F98];
	s0 =	simm.s32 @p0 $0x1  }
0x13: {  	[smem:$0x3FB3] =	sst s0;
	s0 =	simm.s32 @!p1 $0x0  }
0x14: {  	s2 =	sld [smem:$0x3F97];
	s0 =	simm.s32 @p1 $0x1  }
0x15: {  	[smem:$0x3FB4] =	sst s0;
	s0 =	simm.s32 @!p2 $0x0  }
0x16: {  	s3 =	sld [smem:$0x3FDB];
	s0 =	simm.s32 @p2 $0x1  }
0x17: {  	s4 =	simm.s32 $0x1BF5;
	[smem:$0x3FB6] =	sst s0  }
0x18: {  	s0 =	sld [smem:$0x3F99];
	_ =	swait.ge [sflag:s4], $0x0  }
0x19: {  	s7 =	sld [smem:$0x3F9A]  }
0x1a: {  	s8 =	sadd.s32 $0xFFFFE003, lr  }
0x1b: {  	s9 =	sadd.s32 $0xFFFFFEF7, lr;
	s5 =	simm.s32 $0xFFFFFFFF;
	p2 =	slt.u32 s8, $0xFFFFF086  }
0x1c: {  	p1 =	slt.u32 s9, $0xF7A;
	s5 =	simm.s32 @!p2 $0x0  }
0x1d: {  	s5 =	simm.s32 @p1 $0x1;
	p0 =	seq.s32 s7, s2  }
0x1e: {  	s7 =	smul.u32 @!p0 $0xF7A, s2;
	p2 =	seq.s32 @!p0 s5, $0x0  }
0x1f: {  	s9 =	smul.u32 $0xF7A, s1;
	s8 =	simm.s32 @!p0 $0x1BF5;
	p2 =	por !p2, p0  }
0x20: {  	[sflag:s8] =	ssyncset.s32 @!p0 $0xFFFFF086;
	s6 =	sadd.s32 @!p0 s3, s7;
	s7 =	simm.s32 @!p0 $0x108  }
0x21: {  	s3 =	sadd.s32 s3, s9;
	s6 =	sadd.s32 @!p0 $0x88, s6;
	s7 =	simm.s32 @p2 $0x1082  }
0x22: {  	[simem:s7], [sflag:s8] =	dma.local @!p0 [hbm:s6], $0xF7A  }
0x23: {  	s9 =	sor.u32 $0xD0000000, s2;
	s6 =	simm.s32 $0x108;
	_ =	swait.ge @!p0 [sflag:s8], $0x0  }
0x24: {  	s3 =	sadd.s32 $0x88, s3;
	s6 =	simm.s32 @!p1 $0x1082;
	[sflag:s4] =	ssyncset.s32 $0xFFFFF086  }
0x25: {  	[simem:s6], [sflag:s4] =	dma.local [hbm:s3], $0xF7A  }
0x26: {  	[smem:$0x3F9A] =	sst s1;
	(tag) =	ssettag s2;
	_ =	strace s9  }
0x27: {  	s1 =	sld [smem:$0x3FAA]  }
0x28: {  	s2 =	sld [smem:$0x3FAB]  }
0x29: {  	s4 =	sld [smem:$0x3FAD]  }
0x2a: {  	p0 =	seq.s32 s5, $0x0;
	s5 =	sld [smem:$0x3FAE]  }
0x2b: {  	s6 =	sld [smem:$0x3FAF]  }
0x2c: {  	s7 =	sld [smem:$0x3FB0]  }
0x2d: {  	s3 =	simm.s32 $0x108;
	s8 =	sld [smem:$0x3FB1]  }
0x2e: {  	s3 =	simm.s32 @!p0 $0x1082;
	s9 =	sld [smem:$0x3FB2]  }
0x2f: {  	lr =	sadd.s32 s0, s3;
	s0 =	sld [smem:$0x3FA9]  }
0x30: {  	s3 =	sld [smem:$0x3FAC]  }
0x31: {  	[smem:$0x3FB5] =	sst s10  }
0x32: {  	s10 =	sld [smem:$0x3FB3];
	_ =	sdelay $0x3  }
0x33: {  	p0 =	seq.s32 s10, $0x1;
	s10 =	sld [smem:$0x3FB5];
	_ =	sdelay $0x3  }
0x34: {  	[smem:$0x3FB5] =	sst s10  }
0x35: {  	s10 =	sld [smem:$0x3FB4];
	_ =	sdelay $0x3  }
0x36: {  	p1 =	seq.s32 s10, $0x1;
	s10 =	sld [smem:$0x3FB5];
	_ =	sdelay $0x3  }
0x37: {  	[smem:$0x3FB5] =	sst s10  }
0x38: {  	s10 =	sld [smem:$0x3FB6]  }
0x39: {  	_ = 	snop;
	(pc) =	sbr.ind lr, $3  }
0x3a: {  	_ = 	snop  }
0x3b: {  	_ = 	snop  }
0x3c: {  	p2 =	seq.s32 s10, $0x1;
	s10 =	sld [smem:$0x3FB5]  }
0x3d: {  	_ =	shalt  }
0x3e: {  	_ =	shalt  }
0x3f: {  	_ =	shalt  }
0x40: {  	_ =	shalt  }
0x41: {  	_ =	shalt  }
0x42: {  	_ =	shalt  }
0x43: {  	_ =	shalt  }
0x44: {  	_ =	shalt  }
0x45: {  	_ =	shalt  }
0x46: {  	_ =	shalt  }
0x47: {  	_ =	shalt  }
0x48: {  	_ =	shalt  }
0x49: {  	_ =	shalt  }
0x4a: {  	_ =	shalt  }
0x4b: {  	_ =	shalt  }
0x4c: {  	_ =	shalt  }
0x4d: {  	_ =	shalt  }
0x4e: {  	_ =	shalt  }
0x4f: {  	_ =	shalt  }
0x50: {  	_ =	shalt  }
0x51: {  	_ =	shalt  }
0x52: {  	_ =	shalt  }
0x53: {  	_ =	shalt  }
0x54: {  	_ =	shalt  }
0x55: {  	_ =	shalt  }
0x56: {  	_ =	shalt  }
0x57: {  	_ =	shalt  }
0x58: {  	_ =	shalt  }
0x59: {  	_ =	shalt  }
0x5a: {  	_ =	shalt  }
0x5b: {  	_ =	shalt  }
0x5c: {  	_ =	shalt  }
0x5d: {  	_ =	shalt  }
0x5e: {  	_ =	shalt  }
0x5f: {  	_ =	shalt  }
0x60: {  	_ =	shalt  }
0x61: {  	_ =	shalt  }
0x62: {  	_ =	shalt  }
0x63: {  	_ =	shalt  }
0x64: {  	_ =	shalt  }
0x65: {  	_ =	shalt  }
0x66: {  	_ =	shalt  }
0x67: {  	_ =	shalt  }
0x68: {  	_ =	shalt  }
0x69: {  	_ =	shalt  }
0x6a: {  	_ =	shalt  }
0x6b: {  	_ =	shalt  }
0x6c: {  	_ =	shalt  }
0x6d: {  	_ =	shalt  }
0x6e: {  	_ =	shalt  }
0x6f: {  	_ =	shalt  }
0x70: {  	_ =	shalt  }
0x71: {  	_ =	shalt  }
0x72: {  	_ =	shalt  }
0x73: {  	_ =	shalt  }
0x74: {  	_ =	shalt  }
0x75: {  	_ =	shalt  }
0x76: {  	_ =	shalt  }
0x77: {  	_ =	shalt  }
0x78: {  	_ =	shalt  }
0x79: {  	_ =	shalt  }
0x7a: {  	_ =	shalt  }
0x7b: {  	_ =	shalt  }
0x7c: {  	_ =	shalt  }
0x7d: {  	_ =	shalt  }
0x7e: {  	_ =	shalt  }
0x7f: {  	_ =	shalt  }
0x80: {  	_ =	shalt  }
0x81: {  	_ =	shalt  }
0x82: {  	_ =	shalt  }
0x83: {  	_ =	shalt  }
0x84: {  	_ =	shalt  }
0x85: {  	_ =	shalt  }
0x86: {  	_ =	shalt  }
0x87: {  	_ =	shalt  }
.Lfunc_end0:
.L_simem_size_0:
called_computation.1_lowered:
.L_overlay_start_0:
0x88: {  	s2 =	sld [smem:$0x3FD9]  }
0x89: {  	s3 =	sld [smem:$0x3FFE];
	_ =	sdelay $0x1  }
0x8a: {  	s1 =	srdreg.scid  }
0x8b: {  	s0 =	sand.u32 $0x1, s1  }
0x8c: {  	s17 =	sshll.u32 s0, $0xA;
	s2 =	sadd.s32 s3, s2  }
0x8d: {  	s2 =	sadd.s32 s2, s17  }
0x8e: {  	[smem:$0x3FC1] =	sst s2  }
0x8f: {  	_ = 	snop  }
0x90: {  	s2 =	sld [smem:$0x3FD0];
	(tm) =	ssettm $0x1  }
0x91: {  	s18 =	sld [smem:$0x3FFB];
	_ =	sdelay $0x3  }
0x92: {  	_ =	strace s18  }
0x93: {  	s3 =	sld [smem:$0x3FFC];
	_ =	sdelay $0x3  }
0x94: {  	_ =	strace s3  }
0x95: {  	s3 =	sld [smem:$0x3FFD];
	_ =	sdelay $0x3  }
0x96: {  	_ =	strace s3  }
0x97: {  	_ =	strace $0x8FFFFFFF  }
0x98: {  	s19 =	sld [smem:$0x3FDB];
	_ =	sdelay $0x1  }
0x99: {  	s4 =	simm.s32 $_scs_section_size  }
0x9a: {  	s5 =	simm.s32 $_size__tile_overlayer_lowered;
	s6 =	simm.s32 $_tile_overlayer_lowered  }
0x9b: {  	s22 =	simm.s32 $0x1BFF;
	s21 =	sshll.u32 s6, $0x1;
	s3 =	sadd.s32 s4, s19  }
0x9c: {  	s7 =	simm.s32 $0x0;
	s20 =	sshll.u32 s5, $0x1;
	s5 =	sadd.s32 s21, s3  }
0x9d: {  	[timem:s7], [sflag:s22] =	dma.local [hbm:s5], s20  }
0x9e: {  	_ =	swait.ge [sflag:s22], s20  }
0x9f: {  	s4 =	ssub.s32 $0x0, s20;
	[sflag:s22] =	ssyncset.done $0x0  }
0xa0: {  	[sflag:s22] =	ssyncadd.s32 s4;
	_ =	sdelay $0x1  }
0xa1: {  	s23 =	simm.s32 $0x1B8B  }
0xa2: {  	_ =	swait.ge [sflag:s23], $0x1  }
0xa3: {  	[sflag:s23] =	ssyncset.done $0x0  }
0xa4: {  	s25 =	simm.s32 $0x1B8E;
	s24 =	sld [smem:$0x3FFE];
	[sflag:s23] =	ssyncadd.s32 $0xFFFFFFFF  }
0xa5: {  	s26 =	simm.s32 $execute0_lowered;
	[smem:$0x3FD2] =	sst s25  }
0xa6: {  	s5 =	sshll.u32 s26, $0x1;
	_ =	strace $0x80000049;
	[dreg:$0x1] =	wrdreg $0xFFFFFFFF  }
0xa7: {  	s28 =	simm.s32 $_size_execute0_lowered;
	s3 =	sadd.s32 s3, s5;
	[dreg:$0x0] =	wrdreg $0x0  }
0xa8: {  	s5 =	sshll.u32 s28, $0x1;
	[dreg:$0x2] =	wrdreg s3  }
0xa9: {  	[dreg:$0x3] =	wrdreg s5  }
0xaa: {  	[dreg:$0x4] =	wrdreg $0xC0  }
0xab: {  	_ =	task [dreg:s7], $0x5FFFF  }
0xac: {  	[dreg:$0x1] =	wrdreg $0xFFFFFFFF  }
0xad: {  	[dreg:$0x0] =	wrdreg $0x60  }
0xae: {  	[dreg:$0x2] =	wrdreg s2  }
0xaf: {  	[dreg:$0x3] =	wrdreg s24  }
0xb0: {  	[dreg:$0x4] =	wrdreg $0x9  }
0xb1: {  	_ =	task.clear_ibuf [dreg:s7], $0x5FFFF;
	_ =	strace $0x90000049  }
0xb2: {  	s29 =	simm.s32 $0x9;
	_ =	strace $0x8000004B  }
0xb3: {  	_ =	swait.ge [sflag:s29], $0x1  }
0xb4: {  	[sflag:s29] =	ssyncadd.s32 $0xFFFFFFFF  }
0xb5: {  	_ =	strace $0x9000004B  }
0xb6: {  	_ =	sfence  }
0xb7: {  	s30 =	sld [smem:$0x0];
	_ =	sdelay $0x2  }
0xb8: {  	s31 =	sshll.u32 s1, $0xD;
	s1 =	sshrl.u32 s1, $0x2  }
0xb9: {  	s3 =	sand.u32 $0x4000, s31;
	s1 =	sadd.s32 s1, s30  }
0xba: {  	s0 =	sor.u32 s3, s0;
	s1 =	sshll.u32 s1, $0x11  }
0xbb: {  	s0 =	sor.u32 s1, s0  }
0xbc: {  	s0 =	sadd.s32 $0x8F2B, s0  }
0xbd: {  	[sflag:s0] =	ssyncadd.remote.s32 $0x1  }
0xbe: {  	_ =	sfence.sel $0xFFFF  }
0xbf: {  	[dreg:$0x0] =	wrdreg $0xFFFFFFFF;
	(pc) =	sbr.abs _section_cstart, $3  }
0xc0: {  	[dreg:$0x1] =	wrdreg $0xFFFFFFFF  }
0xc1: {  	_ =	task.clear_ibuf [dreg:s7], $0x2FFFF;
	_ =	strace $0x9FFFFFFF  }
0xc2: {  	(tm) =	ssettm $0x7FFFFFFF  }
0xc3: {  	_ =	shalt  }
tec
execute0_lowered:
.L_overlay_start_1:
0x0: {  	(tag) =	ssettag $0x1  }
0x1: {  	s1 =	srdreg.scid  }
0x2: {  	s0 =	stileid.u32;
	s23 =	sand.u32 $0x1, s1  }
0x3: {  	s31 =	sshll.u32 s0, $0xA;
	s3 =	sshll.u32 s23, $0x9  }
0x4: {  	s2 =	rddreg [dreg:$0x0];
	s15 =	sor.u32 s3, s31  }
0x5: {  	s14 =	rddreg [dreg:$0x1];
	s3 =	simm.s32 $0x0;
	s4 =	sshrl.u32 s15, $0x3  }
0x6: {  	s5 =	simm.s32 $0x9;
	[smem:$0x7FF] =	sst s3;
	s4 =	sadd.s32 s4, s14  }
0x7: {  	s1 =	rddreg [dreg:$0x2];
	_ =	strace $0x8000004A;
	s4 =	sadd.s32 $0x2400, s4  }
0x8: {  	[tilespmem:s3], [sflag:$0x9] =	stream.linear.gather [hbm4b:s4+s3], $0x200, $0x38;
	[tilespmem:$0x4200] =	vst v63  }
0x9: {  	_ =	swait.ge [sflag:s5], $0x200  }
0xa: {  	[sflag:s5] =	ssyncset.done $0x0  }
0xb: {  	s6 =	simm.s32 $0x80;
	s7 =	simm.s32 $0x200;
	[sflag:s5] =	ssyncadd.s32 $0xFFFFFE00  }
0xc: {  	[tilespmem:s7], [sflag:$0x1] =	stream.indirect.gather [hbm4b:s2+s6], $0x20, s3, s6, $0xb8;
	[tilespmem:$0x4200] =	vst v63  }
0xd: {  	s8 =	simm.s32 $0x1200  }
0xe: {  	[tilespmem:s8], [sflag:$0x2] =	stream.indirect.gather [hbm4b:s2+s6], $0x20, s6, s6, $0xb8;
	[tilespmem:$0x4200] =	vst v63  }
0xf: {  	s9 =	simm.s32 $0x100;
	s10 =	simm.s32 $0x2200  }
0x10: {  	[tilespmem:s10], [sflag:$0x3] =	stream.indirect.gather [hbm4b:s2+s6], $0x20, s9, s6, $0xb8;
	[tilespmem:$0x4200] =	vst v63  }
0x11: {  	s11 =	simm.s32 $0x180;
	s12 =	simm.s32 $0x3200;
	s13 =	simm.s32 $0x1  }
0x12: {  	[tilespmem:s12], [sflag:$0x4] =	stream.indirect.gather [hbm4b:s2+s6], $0x20, s11, s6, $0xb8;
	[tilespmem:$0x4200] =	vst v63  }
0x13: {  	s15 =	sshll.u32 s15, $0x2;
	_ =	swait.ge [sflag:s13], $0x1000  }
0x14: {  	s20 =	sadd.s32 s15, s14;
	[sflag:s13] =	ssyncset.done $0x0  }
0x15: {  	s15 =	simm.s32 $0x2;
	s14 =	sadd.s32 $0xD2C00, s20;
	[sflag:s13] =	ssyncadd.s32 $0xFFFFF000  }
0x16: {  	[hbm4b:s14+s3] =	stream.linear.scatter [tilespmem:s7], [sflag:$0x5], $0x1000, $0x38;
	[tilespmem:$0x4200] =	vst v63  }
0x17: {  	_ =	swait.ge [sflag:s15], $0x1000  }
0x18: {  	[sflag:s15] =	ssyncset.done $0x0  }
0x19: {  	s17 =	simm.s32 $0x3;
	s16 =	sadd.s32 $0xD2E00, s20;
	[sflag:s15] =	ssyncadd.s32 $0xFFFFF000  }
0x1a: {  	[hbm4b:s16+s3] =	stream.linear.scatter [tilespmem:s8], [sflag:$0x6], $0x1000, $0x38;
	[tilespmem:$0x4200] =	vst v63  }
0x1b: {  	_ =	swait.ge [sflag:s17], $0x1000  }
0x1c: {  	[sflag:s17] =	ssyncset.done $0x0  }
0x1d: {  	s19 =	simm.s32 $0x4;
	s18 =	sadd.s32 $0xD3000, s20;
	[sflag:s17] =	ssyncadd.s32 $0xFFFFF000  }
0x1e: {  	[hbm4b:s18+s3] =	stream.linear.scatter [tilespmem:s10], [sflag:$0x7], $0x1000, $0x38;
	[tilespmem:$0x4200] =	vst v63  }
0x1f: {  	_ =	swait.ge [sflag:s19], $0x1000  }
0x20: {  	[sflag:s19] =	ssyncset.done $0x0  }
0x21: {  	s21 =	simm.s32 $0x5;
	s20 =	sadd.s32 $0xD3200, s20;
	[sflag:s19] =	ssyncadd.s32 $0xFFFFF000  }
0x22: {  	[hbm4b:s20+s3] =	stream.linear.scatter [tilespmem:s12], [sflag:$0x8], $0x1000, $0x38;
	[tilespmem:$0x4200] =	vst v63  }
0x23: {  	_ =	swait.ge [sflag:s21], $0x1000  }
0x24: {  	s24 =	ssub.s32 $0x2, s23;
	[sflag:s21] =	ssyncset.done $0x0  }
0x25: {  	s22 =	simm.s32 $0x6;
	s25 =	sshrl.u32 s24, $0x1;
	[sflag:s21] =	ssyncadd.s32 $0xFFFFF000  }
0x26: {  	s24 =	ssub.s32 s24, s25;
	_ =	swait.ge [sflag:s22], $0x1000  }
0x27: {  	s25 =	smax.u32 s24, $0x1;
	[sflag:s22] =	ssyncset.done $0x0  }
0x28: {  	s23 =	simm.s32 $0x7;
	p0 =	sne.s32 s25, $0x1;
	[sflag:s22] =	ssyncadd.s32 $0xFFFFF000  }
.Ltmp0:
0x29: {  	_ =	swait.ge [sflag:s23], $0x1000;
	(pc) =	sbr.rel @!p0 .LBB2_2-.Ltmp0, $4  }
0x2a: {  	[sflag:s23] =	ssyncset.done $0x0  }
0x2b: {  	s24 =	simm.s32 $0x8;
	[sflag:s23] =	ssyncadd.s32 $0xFFFFF000  }
0x2c: {  	_ =	swait.ge [sflag:s24], $0x1000  }
0x2d: {  	s25 =	sadd.s32 $0xFFFFFFFF, s25;
	[sflag:s24] =	ssyncset.done $0x0  }
.LBB2_1:
0x2e: {  	p0 =	sne.s32 s25, $0x1;
	s25 =	sadd.s32 $0xFFFFFFFF, s25;
	[sflag:s24] =	ssyncadd.s32 $0xFFFFF000  }
0x2f: {  	[tilespmem:s3], [sflag:$0x9] =	stream.linear.gather [hbm4b:s4+s3], $0x200, $0x38;
	[tilespmem:$0x4200] =	vst v63  }
0x30: {  	_ =	swait.ge [sflag:s5], $0x200  }
0x31: {  	[sflag:s5] =	ssyncset.done $0x0  }
0x32: {  	[sflag:s5] =	ssyncadd.s32 $0xFFFFFE00  }
0x33: {  	[tilespmem:s7], [sflag:$0x1] =	stream.indirect.gather [hbm4b:s2+s6], $0x20, s3, s6, $0xb8;
	[tilespmem:$0x4200] =	vst v63  }
0x34: {  	_ = 	snop  }
0x35: {  	[tilespmem:s8], [sflag:$0x2] =	stream.indirect.gather [hbm4b:s2+s6], $0x20, s6, s6, $0xb8;
	[tilespmem:$0x4200] =	vst v63  }
0x36: {  	_ = 	snop  }
0x37: {  	[tilespmem:s10], [sflag:$0x3] =	stream.indirect.gather [hbm4b:s2+s6], $0x20, s9, s6, $0xb8;
	[tilespmem:$0x4200] =	vst v63  }
0x38: {  	_ = 	snop  }
0x39: {  	[tilespmem:s12], [sflag:$0x4] =	stream.indirect.gather [hbm4b:s2+s6], $0x20, s11, s6, $0xb8;
	[tilespmem:$0x4200] =	vst v63  }
0x3a: {  	_ =	swait.ge [sflag:s13], $0x1000  }
0x3b: {  	[sflag:s13] =	ssyncset.done $0x0  }
0x3c: {  	[sflag:s13] =	ssyncadd.s32 $0xFFFFF000  }
0x3d: {  	[hbm4b:s14+s3] =	stream.linear.scatter [tilespmem:s7], [sflag:$0x5], $0x1000, $0x38;
	[tilespmem:$0x4200] =	vst v63  }
0x3e: {  	_ =	swait.ge [sflag:s15], $0x1000  }
0x3f: {  	[sflag:s15] =	ssyncset.done $0x0  }
0x40: {  	[sflag:s15] =	ssyncadd.s32 $0xFFFFF000  }
0x41: {  	[hbm4b:s16+s3] =	stream.linear.scatter [tilespmem:s8], [sflag:$0x6], $0x1000, $0x38;
	[tilespmem:$0x4200] =	vst v63  }
0x42: {  	_ =	swait.ge [sflag:s17], $0x1000  }
0x43: {  	[sflag:s17] =	ssyncset.done $0x0  }
0x44: {  	[sflag:s17] =	ssyncadd.s32 $0xFFFFF000  }
0x45: {  	[hbm4b:s18+s3] =	stream.linear.scatter [tilespmem:s10], [sflag:$0x7], $0x1000, $0x38;
	[tilespmem:$0x4200] =	vst v63  }
0x46: {  	_ =	swait.ge [sflag:s19], $0x1000  }
0x47: {  	[sflag:s19] =	ssyncset.done $0x0  }
0x48: {  	[sflag:s19] =	ssyncadd.s32 $0xFFFFF000  }
0x49: {  	[hbm4b:s20+s3] =	stream.linear.scatter [tilespmem:s12], [sflag:$0x8], $0x1000, $0x38;
	[tilespmem:$0x4200] =	vst v63  }
0x4a: {  	_ =	swait.ge [sflag:s21], $0x1000  }
0x4b: {  	[sflag:s21] =	ssyncset.done $0x0  }
0x4c: {  	[sflag:s21] =	ssyncadd.s32 $0xFFFFF000  }
0x4d: {  	_ =	swait.ge [sflag:s22], $0x1000  }
0x4e: {  	[sflag:s22] =	ssyncset.done $0x0  }
0x4f: {  	[sflag:s22] =	ssyncadd.s32 $0xFFFFF000  }
.Ltmp1:
0x50: {  	_ =	swait.ge [sflag:s23], $0x1000;
	(pc) =	sbr.rel @p0 .LBB2_1-.Ltmp1, $4  }
0x51: {  	[sflag:s23] =	ssyncset.done $0x0  }
0x52: {  	[sflag:s23] =	ssyncadd.s32 $0xFFFFF000  }
0x53: {  	_ =	swait.ge [sflag:s24], $0x1000  }
0x54: {  	[sflag:s24] =	ssyncset.done $0x0  }
.LBB2_2:
0x55: {  	[sflag:s24] =	ssyncadd.s32 $0xFFFFF000  }
0x56: {  	_ =	sfence.sel $0x180000  }
0x57: {  	[bflag:$0x0] =	sbarrier.arrive $0xFFFF  }
0x58: {  	p0 =	sne.s32 s0, $0x0;
	_ =	strace $0x9000004A  }
0x59: {  	s0 =	sadd.s32 @!p0 $0x100000, s1;
	[bflag:$0x2] =	sbarrier.arrive $0xFFFF  }
0x5a: {  	[sflag:s0] =	ssyncadd.tile.s32 @!p0 $0x1;
	_ =	shalt  }
.Lfunc_end2:
_tile_overlayer_lowered:
.L_overlay_start_2:
0x5b: {  	(tag) =	ssettag $0x2  }
0x5c: {  	s0 =	rddreg [dreg:$0x0];
	s2 =	stileid.u32  }
0x5d: {  	s1 =	rddreg [dreg:$0x1];
	p0 =	sne.s32 s2, $0x0  }
0x5e: {  	s3 =	rddreg [dreg:$0x2];
	[bflag:$0x3] =	sbarrier.arrive $0xFFFF;
	s2 =	simm.s32 @!p0 $0x1C09  }
0x5f: {  	[timem:s3], [sflag:s2] =	dma.local @!p0 [hbm:s0], s1  }
0x60: {  	s0 =	simm.s32 @!p0 $0x9  }
0x61: {  	_ =	swait.ge @!p0 [sflag:s0], s1  }
0x62: {  	s1 =	ssub.s32 @!p0 $0x0, s1;
	[sflag:s0] =	ssyncset.done @!p0 $0x0  }
0x63: {  	[sflag:s0] =	ssyncadd.s32 @!p0 s1  }
0x64: {  	[bflag:$0x3] =	sbarrier.arrive $0xFFFF  }
0x65: {  	_ =	shalt  }

// kernel: kernel.18.cloned.1.call-start
scs
__scs_entry_jumppad:
0x0: {  	(pc) =	sbr.rel $0x88, $3  }
0x1: {  	(tag) =	ssettag $0x0;
	lr =	simm.s32 $0x1  }
0x2: {  	[smem:$0x3F9A] =	sst lr;
	_ =	strace $0xD0000000  }
0x3: {  	_ = 	snop  }
0x4: {  	_ = 	snop  }
0x5: {  	_ = 	snop  }
0x6: {  	_ = 	snop  }
0x7: {  	_ = 	snop  }
__scs_overlays_trampoline_lowered:
0x8: {  	[smem:$0x3FA9] =	sst s0  }
0x9: {  	[smem:$0x3FAA] =	sst s1  }
0xa: {  	[smem:$0x3FAB] =	sst s2  }
0xb: {  	[smem:$0x3FAC] =	sst s3  }
0xc: {  	[smem:$0x3FAD] =	sst s4  }
0xd: {  	[smem:$0x3FAE] =	sst s5  }
0xe: {  	[smem:$0x3FAF] =	sst s6  }
0xf: {  	[smem:$0x3FB0] =	sst s7  }
0x10: {  	[smem:$0x3FB1] =	sst s8  }
0x11: {  	[smem:$0x3FB2] =	sst s9;
	s0 =	simm.s32 @!p0 $0x0  }
0x12: {  	s1 =	sld [smem:$0x3F98];
	s0 =	simm.s32 @p0 $0x1  }
0x13: {  	[smem:$0x3FB3] =	sst s0;
	s0 =	simm.s32 @!p1 $0x0  }
0x14: {  	s2 =	sld [smem:$0x3F97];
	s0 =	simm.s32 @p1 $0x1  }
0x15: {  	[smem:$0x3FB4] =	sst s0;
	s0 =	simm.s32 @!p2 $0x0  }
0x16: {  	s3 =	sld [smem:$0x3FDB];
	s0 =	simm.s32 @p2 $0x1  }
0x17: {  	s4 =	simm.s32 $0x1BF5;
	[smem:$0x3FB6] =	sst s0  }
0x18: {  	s0 =	sld [smem:$0x3F99];
	_ =	swait.ge [sflag:s4], $0x0  }
0x19: {  	s7 =	sld [smem:$0x3F9A]  }
0x1a: {  	s8 =	sadd.s32 $0xFFFFE003, lr  }
0x1b: {  	s9 =	sadd.s32 $0xFFFFFEF7, lr;
	s5 =	simm.s32 $0xFFFFFFFF;
	p2 =	slt.u32 s8, $0xFFFFF086  }
0x1c: {  	p1 =	slt.u32 s9, $0xF7A;
	s5 =	simm.s32 @!p2 $0x0  }
0x1d: {  	s5 =	simm.s32 @p1 $0x1;
	p0 =	seq.s32 s7, s2  }
0x1e: {  	s7 =	smul.u32 @!p0 $0xF7A, s2;
	p2 =	seq.s32 @!p0 s5, $0x0  }
0x1f: {  	s9 =	smul.u32 $0xF7A, s1;
	s8 =	simm.s32 @!p0 $0x1BF5;
	p2 =	por !p2, p0  }
0x20: {  	[sflag:s8] =	ssyncset.s32 @!p0 $0xFFFFF086;
	s6 =	sadd.s32 @!p0 s3, s7;
	s7 =	simm.s32 @!p0 $0x108  }
0x21: {  	s3 =	sadd.s32 s3, s9;
	s6 =	sadd.s32 @!p0 $0x88, s6;
	s7 =	simm.s32 @p2 $0x1082  }
0x22: {  	[simem:s7], [sflag:s8] =	dma.local @!p0 [hbm:s6], $0xF7A  }
0x23: {  	s9 =	sor.u32 $0xD0000000, s2;
	s6 =	simm.s32 $0x108;
	_ =	swait.ge @!p0 [sflag:s8], $0x0  }
0x24: {  	s3 =	sadd.s32 $0x88, s3;
	s6 =	simm.s32 @!p1 $0x1082;
	[sflag:s4] =	ssyncset.s32 $0xFFFFF086  }
0x25: {  	[simem:s6], [sflag:s4] =	dma.local [hbm:s3], $0xF7A  }
0x26: {  	[smem:$0x3F9A] =	sst s1;
	(tag) =	ssettag s2;
	_ =	strace s9  }
0x27: {  	s1 =	sld [smem:$0x3FAA]  }
0x28: {  	s2 =	sld [smem:$0x3FAB]  }
0x29: {  	s4 =	sld [smem:$0x3FAD]  }
0x2a: {  	p0 =	seq.s32 s5, $0x0;
	s5 =	sld [smem:$0x3FAE]  }
0x2b: {  	s6 =	sld [smem:$0x3FAF]  }
0x2c: {  	s7 =	sld [smem:$0x3FB0]  }
0x2d: {  	s3 =	simm.s32 $0x108;
	s8 =	sld [smem:$0x3FB1]  }
0x2e: {  	s3 =	simm.s32 @!p0 $0x1082;
	s9 =	sld [smem:$0x3FB2]  }
0x2f: {  	lr =	sadd.s32 s0, s3;
	s0 =	sld [smem:$0x3FA9]  }
0x30: {  	s3 =	sld [smem:$0x3FAC]  }
0x31: {  	[smem:$0x3FB5] =	sst s10  }
0x32: {  	s10 =	sld [smem:$0x3FB3];
	_ =	sdelay $0x3  }
0x33: {  	p0 =	seq.s32 s10, $0x1;
	s10 =	sld [smem:$0x3FB5];
	_ =	sdelay $0x3  }
0x34: {  	[smem:$0x3FB5] =	sst s10  }
0x35: {  	s10 =	sld [smem:$0x3FB4];
	_ =	sdelay $0x3  }
0x36: {  	p1 =	seq.s32 s10, $0x1;
	s10 =	sld [smem:$0x3FB5];
	_ =	sdelay $0x3  }
0x37: {  	[smem:$0x3FB5] =	sst s10  }
0x38: {  	s10 =	sld [smem:$0x3FB6]  }
0x39: {  	_ = 	snop;
	(pc) =	sbr.ind lr, $3  }
0x3a: {  	_ = 	snop  }
0x3b: {  	_ = 	snop  }
0x3c: {  	p2 =	seq.s32 s10, $0x1;
	s10 =	sld [smem:$0x3FB5]  }
0x3d: {  	_ =	shalt  }
0x3e: {  	_ =	shalt  }
0x3f: {  	_ =	shalt  }
0x40: {  	_ =	shalt  }
0x41: {  	_ =	shalt  }
0x42: {  	_ =	shalt  }
0x43: {  	_ =	shalt  }
0x44: {  	_ =	shalt  }
0x45: {  	_ =	shalt  }
0x46: {  	_ =	shalt  }
0x47: {  	_ =	shalt  }
0x48: {  	_ =	shalt  }
0x49: {  	_ =	shalt  }
0x4a: {  	_ =	shalt  }
0x4b: {  	_ =	shalt  }
0x4c: {  	_ =	shalt  }
0x4d: {  	_ =	shalt  }
0x4e: {  	_ =	shalt  }
0x4f: {  	_ =	shalt  }
0x50: {  	_ =	shalt  }
0x51: {  	_ =	shalt  }
0x52: {  	_ =	shalt  }
0x53: {  	_ =	shalt  }
0x54: {  	_ =	shalt  }
0x55: {  	_ =	shalt  }
0x56: {  	_ =	shalt  }
0x57: {  	_ =	shalt  }
0x58: {  	_ =	shalt  }
0x59: {  	_ =	shalt  }
0x5a: {  	_ =	shalt  }
0x5b: {  	_ =	shalt  }
0x5c: {  	_ =	shalt  }
0x5d: {  	_ =	shalt  }
0x5e: {  	_ =	shalt  }
0x5f: {  	_ =	shalt  }
0x60: {  	_ =	shalt  }
0x61: {  	_ =	shalt  }
0x62: {  	_ =	shalt  }
0x63: {  	_ =	shalt  }
0x64: {  	_ =	shalt  }
0x65: {  	_ =	shalt  }
0x66: {  	_ =	shalt  }
0x67: {  	_ =	shalt  }
0x68: {  	_ =	shalt  }
0x69: {  	_ =	shalt  }
0x6a: {  	_ =	shalt  }
0x6b: {  	_ =	shalt  }
0x6c: {  	_ =	shalt  }
0x6d: {  	_ =	shalt  }
0x6e: {  	_ =	shalt  }
0x6f: {  	_ =	shalt  }
0x70: {  	_ =	shalt  }
0x71: {  	_ =	shalt  }
0x72: {  	_ =	shalt  }
0x73: {  	_ =	shalt  }
0x74: {  	_ =	shalt  }
0x75: {  	_ =	shalt  }
0x76: {  	_ =	shalt  }
0x77: {  	_ =	shalt  }
0x78: {  	_ =	shalt  }
0x79: {  	_ =	shalt  }
0x7a: {  	_ =	shalt  }
0x7b: {  	_ =	shalt  }
0x7c: {  	_ =	shalt  }
0x7d: {  	_ =	shalt  }
0x7e: {  	_ =	shalt  }
0x7f: {  	_ =	shalt  }
0x80: {  	_ =	shalt  }
0x81: {  	_ =	shalt  }
0x82: {  	_ =	shalt  }
0x83: {  	_ =	shalt  }
0x84: {  	_ =	shalt  }
0x85: {  	_ =	shalt  }
0x86: {  	_ =	shalt  }
0x87: {  	_ =	shalt  }
.Lfunc_end0:
.L_simem_size_0:
called_computation.2_lowered:
.L_overlay_start_0:
0x88: {  	s2 =	sld [smem:$0x3FD9]  }
0x89: {  	s3 =	sld [smem:$0x3FFE];
	_ =	sdelay $0x1  }
0x8a: {  	s1 =	srdreg.scid  }
0x8b: {  	s0 =	sand.u32 $0x1, s1  }
0x8c: {  	s17 =	sshll.u32 s0, $0xA;
	s2 =	sadd.s32 s3, s2  }
0x8d: {  	s2 =	sadd.s32 s2, s17  }
0x8e: {  	[smem:$0x3FC1] =	sst s2  }
0x8f: {  	_ = 	snop  }
0x90: {  	s2 =	sld [smem:$0x3FD0];
	(tm) =	ssettm $0x1  }
0x91: {  	s18 =	sld [smem:$0x3FFB];
	_ =	sdelay $0x3  }
0x92: {  	_ =	strace s18  }
0x93: {  	s3 =	sld [smem:$0x3FFC];
	_ =	sdelay $0x3  }
0x94: {  	_ =	strace s3  }
0x95: {  	s3 =	sld [smem:$0x3FFD];
	_ =	sdelay $0x3  }
0x96: {  	_ =	strace s3  }
0x97: {  	_ =	strace $0x8FFFFFFF  }
0x98: {  	s19 =	sld [smem:$0x3FDB];
	_ =	sdelay $0x1  }
0x99: {  	s4 =	simm.s32 $_scs_section_size  }
0x9a: {  	s5 =	simm.s32 $_size__tile_overlayer_lowered;
	s6 =	simm.s32 $_tile_overlayer_lowered  }
0x9b: {  	s22 =	simm.s32 $0x1BFF;
	s21 =	sshll.u32 s6, $0x1;
	s3 =	sadd.s32 s4, s19  }
0x9c: {  	s7 =	simm.s32 $0x0;
	s20 =	sshll.u32 s5, $0x1;
	s5 =	sadd.s32 s21, s3  }
0x9d: {  	[timem:s7], [sflag:s22] =	dma.local [hbm:s5], s20  }
0x9e: {  	_ =	swait.ge [sflag:s22], s20  }
0x9f: {  	s4 =	ssub.s32 $0x0, s20;
	[sflag:s22] =	ssyncset.done $0x0  }
0xa0: {  	[sflag:s22] =	ssyncadd.s32 s4;
	_ =	sdelay $0x1  }
0xa1: {  	s23 =	simm.s32 $0x1B8B  }
0xa2: {  	_ =	swait.ge [sflag:s23], $0x1  }
0xa3: {  	[sflag:s23] =	ssyncset.done $0x0  }
0xa4: {  	s25 =	simm.s32 $0x1B8E;
	s24 =	sld [smem:$0x3FFE];
	[sflag:s23] =	ssyncadd.s32 $0xFFFFFFFF  }
0xa5: {  	s26 =	simm.s32 $execute0_lowered;
	[smem:$0x3FD2] =	sst s25  }
0xa6: {  	s5 =	sshll.u32 s26, $0x1;
	_ =	strace $0x8000004C;
	[dreg:$0x1] =	wrdreg $0xFFFFFFFF  }
0xa7: {  	s28 =	simm.s32 $_size_execute0_lowered;
	s3 =	sadd.s32 s3, s5;
	[dreg:$0x0] =	wrdreg $0x0  }
0xa8: {  	s5 =	sshll.u32 s28, $0x1;
	[dreg:$0x2] =	wrdreg s3  }
0xa9: {  	[dreg:$0x3] =	wrdreg s5  }
0xaa: {  	[dreg:$0x4] =	wrdreg $0xC0  }
0xab: {  	_ =	task [dreg:s7], $0x5FFFF  }
0xac: {  	[dreg:$0x1] =	wrdreg $0xFFFFFFFF  }
0xad: {  	[dreg:$0x0] =	wrdreg $0x60  }
0xae: {  	[dreg:$0x2] =	wrdreg s2  }
0xaf: {  	[dreg:$0x3] =	wrdreg s24  }
0xb0: {  	[dreg:$0x4] =	wrdreg $0x9  }
0xb1: {  	_ =	task.clear_ibuf [dreg:s7], $0x5FFFF;
	_ =	strace $0x9000004C  }
0xb2: {  	s29 =	simm.s32 $0x9;
	_ =	strace $0x8000004E  }
0xb3: {  	_ =	swait.ge [sflag:s29], $0x1  }
0xb4: {  	[sflag:s29] =	ssyncadd.s32 $0xFFFFFFFF  }
0xb5: {  	_ =	strace $0x9000004E  }
0xb6: {  	_ =	sfence  }
0xb7: {  	s30 =	sld [smem:$0x0];
	_ =	sdelay $0x2  }
0xb8: {  	s31 =	sshll.u32 s1, $0xD;
	s1 =	sshrl.u32 s1, $0x2  }
0xb9: {  	s3 =	sand.u32 $0x4000, s31;
	s1 =	sadd.s32 s1, s30  }
0xba: {  	s0 =	sor.u32 s3, s0;
	s1 =	sshll.u32 s1, $0x11  }
0xbb: {  	s0 =	sor.u32 s1, s0  }
0xbc: {  	s0 =	sadd.s32 $0x8F2B, s0  }
0xbd: {  	[sflag:s0] =	ssyncadd.remote.s32 $0x1  }
0xbe: {  	_ =	sfence.sel $0xFFFF  }
0xbf: {  	[dreg:$0x0] =	wrdreg $0xFFFFFFFF;
	(pc) =	sbr.abs _section_cstart, $3  }
0xc0: {  	[dreg:$0x1] =	wrdreg $0xFFFFFFFF  }
0xc1: {  	_ =	task.clear_ibuf [dreg:s7], $0x2FFFF;
	_ =	strace $0x9FFFFFFF  }
0xc2: {  	(tm) =	ssettm $0x7FFFFFFF  }
0xc3: {  	_ =	shalt  }
tec
execute0_lowered:
.L_overlay_start_1:
0x0: {  	(tag) =	ssettag $0x1  }
0x1: {  	s1 =	srdreg.scid  }
0x2: {  	s0 =	stileid.u32;
	s23 =	sand.u32 $0x1, s1  }
0x3: {  	s31 =	sshll.u32 s0, $0xA;
	s3 =	sshll.u32 s23, $0x9  }
0x4: {  	s2 =	rddreg [dreg:$0x0];
	s15 =	sor.u32 s3, s31  }
0x5: {  	s14 =	rddreg [dreg:$0x1];
	s3 =	simm.s32 $0x0;
	s4 =	sshrl.u32 s15, $0x3  }
0x6: {  	s5 =	simm.s32 $0x9;
	[smem:$0x7FF] =	sst s3;
	s4 =	sadd.s32 s4, s14  }
0x7: {  	s1 =	rddreg [dreg:$0x2];
	_ =	strace $0x8000004D;
	s4 =	sadd.s32 $0x2400, s4  }
0x8: {  	[tilespmem:s3], [sflag:$0x9] =	stream.linear.gather [hbm4b:s4+s3], $0x200, $0x38;
	[tilespmem:$0x4200] =	vst v63  }
0x9: {  	_ =	swait.ge [sflag:s5], $0x200  }
0xa: {  	[sflag:s5] =	ssyncset.done $0x0  }
0xb: {  	s6 =	simm.s32 $0x80;
	s7 =	simm.s32 $0x200;
	[sflag:s5] =	ssyncadd.s32 $0xFFFFFE00  }
0xc: {  	[tilespmem:s7], [sflag:$0x1] =	stream.indirect.gather [hbm4b:s2+s6], $0x20, s3, s6, $0xb8;
	[tilespmem:$0x4200] =	vst v63  }
0xd: {  	s8 =	simm.s32 $0x1200  }
0xe: {  	[tilespmem:s8], [sflag:$0x2] =	stream.indirect.gather [hbm4b:s2+s6], $0x20, s6, s6, $0xb8;
	[tilespmem:$0x4200] =	vst v63  }
0xf: {  	s9 =	simm.s32 $0x100;
	s10 =	simm.s32 $0x2200  }
0x10: {  	[tilespmem:s10], [sflag:$0x3] =	stream.indirect.gather [hbm4b:s2+s6], $0x20, s9, s6, $0xb8;
	[tilespmem:$0x4200] =	vst v63  }
0x11: {  	s11 =	simm.s32 $0x180;
	s12 =	simm.s32 $0x3200;
	s13 =	simm.s32 $0x1  }
0x12: {  	[tilespmem:s12], [sflag:$0x4] =	stream.indirect.gather [hbm4b:s2+s6], $0x20, s11, s6, $0xb8;
	[tilespmem:$0x4200] =	vst v63  }
0x13: {  	s15 =	sshll.u32 s15, $0x2;
	_ =	swait.ge [sflag:s13], $0x1000  }
0x14: {  	s20 =	sadd.s32 s15, s14;
	[sflag:s13] =	ssyncset.done $0x0  }
0x15: {  	s15 =	simm.s32 $0x2;
	s14 =	sadd.s32 $0xD2C00, s20;
	[sflag:s13] =	ssyncadd.s32 $0xFFFFF000  }
0x16: {  	[hbm4b:s14+s3] =	stream.linear.scatter [tilespmem:s7], [sflag:$0x5], $0x1000, $0x38;
	[tilespmem:$0x4200] =	vst v63  }
0x17: {  	_ =	swait.ge [sflag:s15], $0x1000  }
0x18: {  	[sflag:s15] =	ssyncset.done $0x0  }
0x19: {  	s17 =	simm.s32 $0x3;
	s16 =	sadd.s32 $0xD2E00, s20;
	[sflag:s15] =	ssyncadd.s32 $0xFFFFF000  }
0x1a: {  	[hbm4b:s16+s3] =	stream.linear.scatter [tilespmem:s8], [sflag:$0x6], $0x1000, $0x38;
	[tilespmem:$0x4200] =	vst v63  }
0x1b: {  	_ =	swait.ge [sflag:s17], $0x1000  }
0x1c: {  	[sflag:s17] =	ssyncset.done $0x0  }
0x1d: {  	s19 =	simm.s32 $0x4;
	s18 =	sadd.s32 $0xD3000, s20;
	[sflag:s17] =	ssyncadd.s32 $0xFFFFF000  }
0x1e: {  	[hbm4b:s18+s3] =	stream.linear.scatter [tilespmem:s10], [sflag:$0x7], $0x1000, $0x38;
	[tilespmem:$0x4200] =	vst v63  }
0x1f: {  	_ =	swait.ge [sflag:s19], $0x1000  }
0x20: {  	[sflag:s19] =	ssyncset.done $0x0  }
0x21: {  	s21 =	simm.s32 $0x5;
	s20 =	sadd.s32 $0xD3200, s20;
	[sflag:s19] =	ssyncadd.s32 $0xFFFFF000  }
0x22: {  	[hbm4b:s20+s3] =	stream.linear.scatter [tilespmem:s12], [sflag:$0x8], $0x1000, $0x38;
	[tilespmem:$0x4200] =	vst v63  }
0x23: {  	_ =	swait.ge [sflag:s21], $0x1000  }
0x24: {  	s24 =	ssub.s32 $0x2, s23;
	[sflag:s21] =	ssyncset.done $0x0  }
0x25: {  	s22 =	simm.s32 $0x6;
	s25 =	sshrl.u32 s24, $0x1;
	[sflag:s21] =	ssyncadd.s32 $0xFFFFF000  }
0x26: {  	s24 =	ssub.s32 s24, s25;
	_ =	swait.ge [sflag:s22], $0x1000  }
0x27: {  	s25 =	smax.u32 s24, $0x1;
	[sflag:s22] =	ssyncset.done $0x0  }
0x28: {  	s23 =	simm.s32 $0x7;
	p0 =	sne.s32 s25, $0x1;
	[sflag:s22] =	ssyncadd.s32 $0xFFFFF000  }
.Ltmp0:
0x29: {  	_ =	swait.ge [sflag:s23], $0x1000;
	(pc) =	sbr.rel @!p0 .LBB2_2-.Ltmp0, $4  }
0x2a: {  	[sflag:s23] =	ssyncset.done $0x0  }
0x2b: {  	s24 =	simm.s32 $0x8;
	[sflag:s23] =	ssyncadd.s32 $0xFFFFF000  }
0x2c: {  	_ =	swait.ge [sflag:s24], $0x1000  }
0x2d: {  	s25 =	sadd.s32 $0xFFFFFFFF, s25;
	[sflag:s24] =	ssyncset.done $0x0  }
.LBB2_1:
0x2e: {  	p0 =	sne.s32 s25, $0x1;
	s25 =	sadd.s32 $0xFFFFFFFF, s25;
	[sflag:s24] =	ssyncadd.s32 $0xFFFFF000  }
0x2f: {  	[tilespmem:s3], [sflag:$0x9] =	stream.linear.gather [hbm4b:s4+s3], $0x200, $0x38;
	[tilespmem:$0x4200] =	vst v63  }
0x30: {  	_ =	swait.ge [sflag:s5], $0x200  }
0x31: {  	[sflag:s5] =	ssyncset.done $0x0  }
0x32: {  	[sflag:s5] =	ssyncadd.s32 $0xFFFFFE00  }
0x33: {  	[tilespmem:s7], [sflag:$0x1] =	stream.indirect.gather [hbm4b:s2+s6], $0x20, s3, s6, $0xb8;
	[tilespmem:$0x4200] =	vst v63  }
0x34: {  	_ = 	snop  }
0x35: {  	[tilespmem:s8], [sflag:$0x2] =	stream.indirect.gather [hbm4b:s2+s6], $0x20, s6, s6, $0xb8;
	[tilespmem:$0x4200] =	vst v63  }
0x36: {  	_ = 	snop  }
0x37: {  	[tilespmem:s10], [sflag:$0x3] =	stream.indirect.gather [hbm4b:s2+s6], $0x20, s9, s6, $0xb8;
	[tilespmem:$0x4200] =	vst v63  }
0x38: {  	_ = 	snop  }
0x39: {  	[tilespmem:s12], [sflag:$0x4] =	stream.indirect.gather [hbm4b:s2+s6], $0x20, s11, s6, $0xb8;
	[tilespmem:$0x4200] =	vst v63  }
0x3a: {  	_ =	swait.ge [sflag:s13], $0x1000  }
0x3b: {  	[sflag:s13] =	ssyncset.done $0x0  }
0x3c: {  	[sflag:s13] =	ssyncadd.s32 $0xFFFFF000  }
0x3d: {  	[hbm4b:s14+s3] =	stream.linear.scatter [tilespmem:s7], [sflag:$0x5], $0x1000, $0x38;
	[tilespmem:$0x4200] =	vst v63  }
0x3e: {  	_ =	swait.ge [sflag:s15], $0x1000  }
0x3f: {  	[sflag:s15] =	ssyncset.done $0x0  }
0x40: {  	[sflag:s15] =	ssyncadd.s32 $0xFFFFF000  }
0x41: {  	[hbm4b:s16+s3] =	stream.linear.scatter [tilespmem:s8], [sflag:$0x6], $0x1000, $0x38;
	[tilespmem:$0x4200] =	vst v63  }
0x42: {  	_ =	swait.ge [sflag:s17], $0x1000  }
0x43: {  	[sflag:s17] =	ssyncset.done $0x0  }
0x44: {  	[sflag:s17] =	ssyncadd.s32 $0xFFFFF000  }
0x45: {  	[hbm4b:s18+s3] =	stream.linear.scatter [tilespmem:s10], [sflag:$0x7], $0x1000, $0x38;
	[tilespmem:$0x4200] =	vst v63  }
0x46: {  	_ =	swait.ge [sflag:s19], $0x1000  }
0x47: {  	[sflag:s19] =	ssyncset.done $0x0  }
0x48: {  	[sflag:s19] =	ssyncadd.s32 $0xFFFFF000  }
0x49: {  	[hbm4b:s20+s3] =	stream.linear.scatter [tilespmem:s12], [sflag:$0x8], $0x1000, $0x38;
	[tilespmem:$0x4200] =	vst v63  }
0x4a: {  	_ =	swait.ge [sflag:s21], $0x1000  }
0x4b: {  	[sflag:s21] =	ssyncset.done $0x0  }
0x4c: {  	[sflag:s21] =	ssyncadd.s32 $0xFFFFF000  }
0x4d: {  	_ =	swait.ge [sflag:s22], $0x1000  }
0x4e: {  	[sflag:s22] =	ssyncset.done $0x0  }
0x4f: {  	[sflag:s22] =	ssyncadd.s32 $0xFFFFF000  }
.Ltmp1:
0x50: {  	_ =	swait.ge [sflag:s23], $0x1000;
	(pc) =	sbr.rel @p0 .LBB2_1-.Ltmp1, $4  }
0x51: {  	[sflag:s23] =	ssyncset.done $0x0  }
0x52: {  	[sflag:s23] =	ssyncadd.s32 $0xFFFFF000  }
0x53: {  	_ =	swait.ge [sflag:s24], $0x1000  }
0x54: {  	[sflag:s24] =	ssyncset.done $0x0  }
.LBB2_2:
0x55: {  	[sflag:s24] =	ssyncadd.s32 $0xFFFFF000  }
0x56: {  	_ =	sfence.sel $0x180000  }
0x57: {  	[bflag:$0x0] =	sbarrier.arrive $0xFFFF  }
0x58: {  	p0 =	sne.s32 s0, $0x0;
	_ =	strace $0x9000004D  }
0x59: {  	s0 =	sadd.s32 @!p0 $0x100000, s1;
	[bflag:$0x2] =	sbarrier.arrive $0xFFFF  }
0x5a: {  	[sflag:s0] =	ssyncadd.tile.s32 @!p0 $0x1;
	_ =	shalt  }
.Lfunc_end2:
_tile_overlayer_lowered:
.L_overlay_start_2:
0x5b: {  	(tag) =	ssettag $0x2  }
0x5c: {  	s0 =	rddreg [dreg:$0x0];
	s2 =	stileid.u32  }
0x5d: {  	s1 =	rddreg [dreg:$0x1];
	p0 =	sne.s32 s2, $0x0  }
0x5e: {  	s3 =	rddreg [dreg:$0x2];
	[bflag:$0x3] =	sbarrier.arrive $0xFFFF;
	s2 =	simm.s32 @!p0 $0x1C09  }
0x5f: {  	[timem:s3], [sflag:s2] =	dma.local @!p0 [hbm:s0], s1  }
0x60: {  	s0 =	simm.s32 @!p0 $0x9  }
0x61: {  	_ =	swait.ge @!p0 [sflag:s0], s1  }
0x62: {  	s1 =	ssub.s32 @!p0 $0x0, s1;
	[sflag:s0] =	ssyncset.done @!p0 $0x0  }
0x63: {  	[sflag:s0] =	ssyncadd.s32 @!p0 s1  }
0x64: {  	[bflag:$0x3] =	sbarrier.arrive $0xFFFF  }
0x65: {  	_ =	shalt  }

// kernel: kernel.21.cloned.1.call-start
scs
__scs_entry_jumppad:
0x0: {  	(pc) =	sbr.rel $0x88, $3  }
0x1: {  	(tag) =	ssettag $0x0;
	lr =	simm.s32 $0x1  }
0x2: {  	[smem:$0x3F9A] =	sst lr;
	_ =	strace $0xD0000000  }
0x3: {  	_ = 	snop  }
0x4: {  	_ = 	snop  }
0x5: {  	_ = 	snop  }
0x6: {  	_ = 	snop  }
0x7: {  	_ = 	snop  }
__scs_overlays_trampoline_lowered:
0x8: {  	[smem:$0x3FA9] =	sst s0  }
0x9: {  	[smem:$0x3FAA] =	sst s1  }
0xa: {  	[smem:$0x3FAB] =	sst s2  }
0xb: {  	[smem:$0x3FAC] =	sst s3  }
0xc: {  	[smem:$0x3FAD] =	sst s4  }
0xd: {  	[smem:$0x3FAE] =	sst s5  }
0xe: {  	[smem:$0x3FAF] =	sst s6  }
0xf: {  	[smem:$0x3FB0] =	sst s7  }
0x10: {  	[smem:$0x3FB1] =	sst s8  }
0x11: {  	[smem:$0x3FB2] =	sst s9;
	s0 =	simm.s32 @!p0 $0x0  }
0x12: {  	s1 =	sld [smem:$0x3F98];
	s0 =	simm.s32 @p0 $0x1  }
0x13: {  	[smem:$0x3FB3] =	sst s0;
	s0 =	simm.s32 @!p1 $0x0  }
0x14: {  	s2 =	sld [smem:$0x3F97];
	s0 =	simm.s32 @p1 $0x1  }
0x15: {  	[smem:$0x3FB4] =	sst s0;
	s0 =	simm.s32 @!p2 $0x0  }
0x16: {  	s3 =	sld [smem:$0x3FDB];
	s0 =	simm.s32 @p2 $0x1  }
0x17: {  	s4 =	simm.s32 $0x1BF5;
	[smem:$0x3FB6] =	sst s0  }
0x18: {  	s0 =	sld [smem:$0x3F99];
	_ =	swait.ge [sflag:s4], $0x0  }
0x19: {  	s7 =	sld [smem:$0x3F9A]  }
0x1a: {  	s8 =	sadd.s32 $0xFFFFE003, lr  }
0x1b: {  	s9 =	sadd.s32 $0xFFFFFEF7, lr;
	s5 =	simm.s32 $0xFFFFFFFF;
	p2 =	slt.u32 s8, $0xFFFFF086  }
0x1c: {  	p1 =	slt.u32 s9, $0xF7A;
	s5 =	simm.s32 @!p2 $0x0  }
0x1d: {  	s5 =	simm.s32 @p1 $0x1;
	p0 =	seq.s32 s7, s2  }
0x1e: {  	s7 =	smul.u32 @!p0 $0xF7A, s2;
	p2 =	seq.s32 @!p0 s5, $0x0  }
0x1f: {  	s9 =	smul.u32 $0xF7A, s1;
	s8 =	simm.s32 @!p0 $0x1BF5;
	p2 =	por !p2, p0  }
0x20: {  	[sflag:s8] =	ssyncset.s32 @!p0 $0xFFFFF086;
	s6 =	sadd.s32 @!p0 s3, s7;
	s7 =	simm.s32 @!p0 $0x108  }
0x21: {  	s3 =	sadd.s32 s3, s9;
	s6 =	sadd.s32 @!p0 $0x88, s6;
	s7 =	simm.s32 @p2 $0x1082  }
0x22: {  	[simem:s7], [sflag:s8] =	dma.local @!p0 [hbm:s6], $0xF7A  }
0x23: {  	s9 =	sor.u32 $0xD0000000, s2;
	s6 =	simm.s32 $0x108;
	_ =	swait.ge @!p0 [sflag:s8], $0x0  }
0x24: {  	s3 =	sadd.s32 $0x88, s3;
	s6 =	simm.s32 @!p1 $0x1082;
	[sflag:s4] =	ssyncset.s32 $0xFFFFF086  }
0x25: {  	[simem:s6], [sflag:s4] =	dma.local [hbm:s3], $0xF7A  }
0x26: {  	[smem:$0x3F9A] =	sst s1;
	(tag) =	ssettag s2;
	_ =	strace s9  }
0x27: {  	s1 =	sld [smem:$0x3FAA]  }
0x28: {  	s2 =	sld [smem:$0x3FAB]  }
0x29: {  	s4 =	sld [smem:$0x3FAD]  }
0x2a: {  	p0 =	seq.s32 s5, $0x0;
	s5 =	sld [smem:$0x3FAE]  }
0x2b: {  	s6 =	sld [smem:$0x3FAF]  }
0x2c: {  	s7 =	sld [smem:$0x3FB0]  }
0x2d: {  	s3 =	simm.s32 $0x108;
	s8 =	sld [smem:$0x3FB1]  }
0x2e: {  	s3 =	simm.s32 @!p0 $0x1082;
	s9 =	sld [smem:$0x3FB2]  }
0x2f: {  	lr =	sadd.s32 s0, s3;
	s0 =	sld [smem:$0x3FA9]  }
0x30: {  	s3 =	sld [smem:$0x3FAC]  }
0x31: {  	[smem:$0x3FB5] =	sst s10  }
0x32: {  	s10 =	sld [smem:$0x3FB3];
	_ =	sdelay $0x3  }
0x33: {  	p0 =	seq.s32 s10, $0x1;
	s10 =	sld [smem:$0x3FB5];
	_ =	sdelay $0x3  }
0x34: {  	[smem:$0x3FB5] =	sst s10  }
0x35: {  	s10 =	sld [smem:$0x3FB4];
	_ =	sdelay $0x3  }
0x36: {  	p1 =	seq.s32 s10, $0x1;
	s10 =	sld [smem:$0x3FB5];
	_ =	sdelay $0x3  }
0x37: {  	[smem:$0x3FB5] =	sst s10  }
0x38: {  	s10 =	sld [smem:$0x3FB6]  }
0x39: {  	_ = 	snop;
	(pc) =	sbr.ind lr, $3  }
0x3a: {  	_ = 	snop  }
0x3b: {  	_ = 	snop  }
0x3c: {  	p2 =	seq.s32 s10, $0x1;
	s10 =	sld [smem:$0x3FB5]  }
0x3d: {  	_ =	shalt  }
0x3e: {  	_ =	shalt  }
0x3f: {  	_ =	shalt  }
0x40: {  	_ =	shalt  }
0x41: {  	_ =	shalt  }
0x42: {  	_ =	shalt  }
0x43: {  	_ =	shalt  }
0x44: {  	_ =	shalt  }
0x45: {  	_ =	shalt  }
0x46: {  	_ =	shalt  }
0x47: {  	_ =	shalt  }
0x48: {  	_ =	shalt  }
0x49: {  	_ =	shalt  }
0x4a: {  	_ =	shalt  }
0x4b: {  	_ =	shalt  }
0x4c: {  	_ =	shalt  }
0x4d: {  	_ =	shalt  }
0x4e: {  	_ =	shalt  }
0x4f: {  	_ =	shalt  }
0x50: {  	_ =	shalt  }
0x51: {  	_ =	shalt  }
0x52: {  	_ =	shalt  }
0x53: {  	_ =	shalt  }
0x54: {  	_ =	shalt  }
0x55: {  	_ =	shalt  }
0x56: {  	_ =	shalt  }
0x57: {  	_ =	shalt  }
0x58: {  	_ =	shalt  }
0x59: {  	_ =	shalt  }
0x5a: {  	_ =	shalt  }
0x5b: {  	_ =	shalt  }
0x5c: {  	_ =	shalt  }
0x5d: {  	_ =	shalt  }
0x5e: {  	_ =	shalt  }
0x5f: {  	_ =	shalt  }
0x60: {  	_ =	shalt  }
0x61: {  	_ =	shalt  }
0x62: {  	_ =	shalt  }
0x63: {  	_ =	shalt  }
0x64: {  	_ =	shalt  }
0x65: {  	_ =	shalt  }
0x66: {  	_ =	shalt  }
0x67: {  	_ =	shalt  }
0x68: {  	_ =	shalt  }
0x69: {  	_ =	shalt  }
0x6a: {  	_ =	shalt  }
0x6b: {  	_ =	shalt  }
0x6c: {  	_ =	shalt  }
0x6d: {  	_ =	shalt  }
0x6e: {  	_ =	shalt  }
0x6f: {  	_ =	shalt  }
0x70: {  	_ =	shalt  }
0x71: {  	_ =	shalt  }
0x72: {  	_ =	shalt  }
0x73: {  	_ =	shalt  }
0x74: {  	_ =	shalt  }
0x75: {  	_ =	shalt  }
0x76: {  	_ =	shalt  }
0x77: {  	_ =	shalt  }
0x78: {  	_ =	shalt  }
0x79: {  	_ =	shalt  }
0x7a: {  	_ =	shalt  }
0x7b: {  	_ =	shalt  }
0x7c: {  	_ =	shalt  }
0x7d: {  	_ =	shalt  }
0x7e: {  	_ =	shalt  }
0x7f: {  	_ =	shalt  }
0x80: {  	_ =	shalt  }
0x81: {  	_ =	shalt  }
0x82: {  	_ =	shalt  }
0x83: {  	_ =	shalt  }
0x84: {  	_ =	shalt  }
0x85: {  	_ =	shalt  }
0x86: {  	_ =	shalt  }
0x87: {  	_ =	shalt  }
.Lfunc_end0:
.L_simem_size_0:
called_computation.3_lowered:
.L_overlay_start_0:
0x88: {  	s2 =	sld [smem:$0x3FD9]  }
0x89: {  	s3 =	sld [smem:$0x3FFE];
	_ =	sdelay $0x1  }
0x8a: {  	s1 =	srdreg.scid  }
0x8b: {  	s0 =	sand.u32 $0x1, s1  }
0x8c: {  	s17 =	sshll.u32 s0, $0xA;
	s2 =	sadd.s32 s3, s2  }
0x8d: {  	s2 =	sadd.s32 s2, s17  }
0x8e: {  	[smem:$0x3FC1] =	sst s2  }
0x8f: {  	_ = 	snop  }
0x90: {  	s2 =	sld [smem:$0x3FD0];
	(tm) =	ssettm $0x1  }
0x91: {  	s18 =	sld [smem:$0x3FFB];
	_ =	sdelay $0x3  }
0x92: {  	_ =	strace s18  }
0x93: {  	s3 =	sld [smem:$0x3FFC];
	_ =	sdelay $0x3  }
0x94: {  	_ =	strace s3  }
0x95: {  	s3 =	sld [smem:$0x3FFD];
	_ =	sdelay $0x3  }
0x96: {  	_ =	strace s3  }
0x97: {  	_ =	strace $0x8FFFFFFF  }
0x98: {  	s19 =	sld [smem:$0x3FDB];
	_ =	sdelay $0x1  }
0x99: {  	s4 =	simm.s32 $_scs_section_size  }
0x9a: {  	s5 =	simm.s32 $_size__tile_overlayer_lowered;
	s6 =	simm.s32 $_tile_overlayer_lowered  }
0x9b: {  	s22 =	simm.s32 $0x1BFF;
	s21 =	sshll.u32 s6, $0x1;
	s3 =	sadd.s32 s4, s19  }
0x9c: {  	s7 =	simm.s32 $0x0;
	s20 =	sshll.u32 s5, $0x1;
	s5 =	sadd.s32 s21, s3  }
0x9d: {  	[timem:s7], [sflag:s22] =	dma.local [hbm:s5], s20  }
0x9e: {  	_ =	swait.ge [sflag:s22], s20  }
0x9f: {  	s4 =	ssub.s32 $0x0, s20;
	[sflag:s22] =	ssyncset.done $0x0  }
0xa0: {  	[sflag:s22] =	ssyncadd.s32 s4;
	_ =	sdelay $0x1  }
0xa1: {  	s23 =	simm.s32 $0x1B8B  }
0xa2: {  	_ =	swait.ge [sflag:s23], $0x1  }
0xa3: {  	[sflag:s23] =	ssyncset.done $0x0  }
0xa4: {  	s25 =	simm.s32 $0x1B8E;
	s24 =	sld [smem:$0x3FFE];
	[sflag:s23] =	ssyncadd.s32 $0xFFFFFFFF  }
0xa5: {  	s26 =	simm.s32 $execute0_lowered;
	[smem:$0x3FD2] =	sst s25  }
0xa6: {  	s5 =	sshll.u32 s26, $0x1;
	_ =	strace $0x8000004F;
	[dreg:$0x1] =	wrdreg $0xFFFFFFFF  }
0xa7: {  	s28 =	simm.s32 $_size_execute0_lowered;
	s3 =	sadd.s32 s3, s5;
	[dreg:$0x0] =	wrdreg $0x0  }
0xa8: {  	s5 =	sshll.u32 s28, $0x1;
	[dreg:$0x2] =	wrdreg s3  }
0xa9: {  	[dreg:$0x3] =	wrdreg s5  }
0xaa: {  	[dreg:$0x4] =	wrdreg $0xC0  }
0xab: {  	_ =	task [dreg:s7], $0x5FFFF  }
0xac: {  	[dreg:$0x1] =	wrdreg $0xFFFFFFFF  }
0xad: {  	[dreg:$0x0] =	wrdreg $0x60  }
0xae: {  	[dreg:$0x2] =	wrdreg s2  }
0xaf: {  	[dreg:$0x3] =	wrdreg s24  }
0xb0: {  	[dreg:$0x4] =	wrdreg $0x9  }
0xb1: {  	_ =	task.clear_ibuf [dreg:s7], $0x5FFFF;
	_ =	strace $0x9000004F  }
0xb2: {  	s29 =	simm.s32 $0x9;
	_ =	strace $0x80000051  }
0xb3: {  	_ =	swait.ge [sflag:s29], $0x1  }
0xb4: {  	[sflag:s29] =	ssyncadd.s32 $0xFFFFFFFF  }
0xb5: {  	_ =	strace $0x90000051  }
0xb6: {  	_ =	sfence  }
0xb7: {  	s30 =	sld [smem:$0x0];
	_ =	sdelay $0x2  }
0xb8: {  	s31 =	sshll.u32 s1, $0xD;
	s1 =	sshrl.u32 s1, $0x2  }
0xb9: {  	s3 =	sand.u32 $0x4000, s31;
	s1 =	sadd.s32 s1, s30  }
0xba: {  	s0 =	sor.u32 s3, s0;
	s1 =	sshll.u32 s1, $0x11  }
0xbb: {  	s0 =	sor.u32 s1, s0  }
0xbc: {  	s0 =	sadd.s32 $0x8F2B, s0  }
0xbd: {  	[sflag:s0] =	ssyncadd.remote.s32 $0x1  }
0xbe: {  	_ =	sfence.sel $0xFFFF  }
0xbf: {  	[dreg:$0x0] =	wrdreg $0xFFFFFFFF;
	(pc) =	sbr.abs _section_cstart, $3  }
0xc0: {  	[dreg:$0x1] =	wrdreg $0xFFFFFFFF  }
0xc1: {  	_ =	task.clear_ibuf [dreg:s7], $0x2FFFF;
	_ =	strace $0x9FFFFFFF  }
0xc2: {  	(tm) =	ssettm $0x7FFFFFFF  }
0xc3: {  	_ =	shalt  }
tec
execute0_lowered:
.L_overlay_start_1:
0x0: {  	(tag) =	ssettag $0x1  }
0x1: {  	s1 =	srdreg.scid  }
0x2: {  	s0 =	stileid.u32;
	s23 =	sand.u32 $0x1, s1  }
0x3: {  	s31 =	sshll.u32 s0, $0xA;
	s3 =	sshll.u32 s23, $0x9  }
0x4: {  	s2 =	rddreg [dreg:$0x0];
	s15 =	sor.u32 s3, s31  }
0x5: {  	s14 =	rddreg [dreg:$0x1];
	s3 =	simm.s32 $0x0;
	s4 =	sshrl.u32 s15, $0x3  }
0x6: {  	s5 =	simm.s32 $0x9;
	[smem:$0x7FF] =	sst s3;
	s4 =	sadd.s32 s4, s14  }
0x7: {  	s1 =	rddreg [dreg:$0x2];
	_ =	strace $0x80000050;
	s4 =	sadd.s32 $0x2400, s4  }
0x8: {  	[tilespmem:s3], [sflag:$0x9] =	stream.linear.gather [hbm4b:s4+s3], $0x200, $0x38;
	[tilespmem:$0x4200] =	vst v63  }
0x9: {  	_ =	swait.ge [sflag:s5], $0x200  }
0xa: {  	[sflag:s5] =	ssyncset.done $0x0  }
0xb: {  	s6 =	simm.s32 $0x80;
	s7 =	simm.s32 $0x200;
	[sflag:s5] =	ssyncadd.s32 $0xFFFFFE00  }
0xc: {  	[tilespmem:s7], [sflag:$0x1] =	stream.indirect.gather [hbm4b:s2+s6], $0x20, s3, s6, $0xb8;
	[tilespmem:$0x4200] =	vst v63  }
0xd: {  	s8 =	simm.s32 $0x1200  }
0xe: {  	[tilespmem:s8], [sflag:$0x2] =	stream.indirect.gather [hbm4b:s2+s6], $0x20, s6, s6, $0xb8;
	[tilespmem:$0x4200] =	vst v63  }
0xf: {  	s9 =	simm.s32 $0x100;
	s10 =	simm.s32 $0x2200  }
0x10: {  	[tilespmem:s10], [sflag:$0x3] =	stream.indirect.gather [hbm4b:s2+s6], $0x20, s9, s6, $0xb8;
	[tilespmem:$0x4200] =	vst v63  }
0x11: {  	s11 =	simm.s32 $0x180;
	s12 =	simm.s32 $0x3200;
	s13 =	simm.s32 $0x1  }
0x12: {  	[tilespmem:s12], [sflag:$0x4] =	stream.indirect.gather [hbm4b:s2+s6], $0x20, s11, s6, $0xb8;
	[tilespmem:$0x4200] =	vst v63  }
0x13: {  	s15 =	sshll.u32 s15, $0x2;
	_ =	swait.ge [sflag:s13], $0x1000  }
0x14: {  	s20 =	sadd.s32 s15, s14;
	[sflag:s13] =	ssyncset.done $0x0  }
0x15: {  	s15 =	simm.s32 $0x2;
	s14 =	sadd.s32 $0xD2C00, s20;
	[sflag:s13] =	ssyncadd.s32 $0xFFFFF000  }
0x16: {  	[hbm4b:s14+s3] =	stream.linear.scatter [tilespmem:s7], [sflag:$0x5], $0x1000, $0x38;
	[tilespmem:$0x4200] =	vst v63  }
0x17: {  	_ =	swait.ge [sflag:s15], $0x1000  }
0x18: {  	[sflag:s15] =	ssyncset.done $0x0  }
0x19: {  	s17 =	simm.s32 $0x3;
	s16 =	sadd.s32 $0xD2E00, s20;
	[sflag:s15] =	ssyncadd.s32 $0xFFFFF000  }
0x1a: {  	[hbm4b:s16+s3] =	stream.linear.scatter [tilespmem:s8], [sflag:$0x6], $0x1000, $0x38;
	[tilespmem:$0x4200] =	vst v63  }
0x1b: {  	_ =	swait.ge [sflag:s17], $0x1000  }
0x1c: {  	[sflag:s17] =	ssyncset.done $0x0  }
0x1d: {  	s19 =	simm.s32 $0x4;
	s18 =	sadd.s32 $0xD3000, s20;
	[sflag:s17] =	ssyncadd.s32 $0xFFFFF000  }
0x1e: {  	[hbm4b:s18+s3] =	stream.linear.scatter [tilespmem:s10], [sflag:$0x7], $0x1000, $0x38;
	[tilespmem:$0x4200] =	vst v63  }
0x1f: {  	_ =	swait.ge [sflag:s19], $0x1000  }
0x20: {  	[sflag:s19] =	ssyncset.done $0x0  }
0x21: {  	s21 =	simm.s32 $0x5;
	s20 =	sadd.s32 $0xD3200, s20;
	[sflag:s19] =	ssyncadd.s32 $0xFFFFF000  }
0x22: {  	[hbm4b:s20+s3] =	stream.linear.scatter [tilespmem:s12], [sflag:$0x8], $0x1000, $0x38;
	[tilespmem:$0x4200] =	vst v63  }
0x23: {  	_ =	swait.ge [sflag:s21], $0x1000  }
0x24: {  	s24 =	ssub.s32 $0x2, s23;
	[sflag:s21] =	ssyncset.done $0x0  }
0x25: {  	s22 =	simm.s32 $0x6;
	s25 =	sshrl.u32 s24, $0x1;
	[sflag:s21] =	ssyncadd.s32 $0xFFFFF000  }
0x26: {  	s24 =	ssub.s32 s24, s25;
	_ =	swait.ge [sflag:s22], $0x1000  }
0x27: {  	s25 =	smax.u32 s24, $0x1;
	[sflag:s22] =	ssyncset.done $0x0  }
0x28: {  	s23 =	simm.s32 $0x7;
	p0 =	sne.s32 s25, $0x1;
	[sflag:s22] =	ssyncadd.s32 $0xFFFFF000  }
.Ltmp0:
0x29: {  	_ =	swait.ge [sflag:s23], $0x1000;
	(pc) =	sbr.rel @!p0 .LBB2_2-.Ltmp0, $4  }
0x2a: {  	[sflag:s23] =	ssyncset.done $0x0  }
0x2b: {  	s24 =	simm.s32 $0x8;
	[sflag:s23] =	ssyncadd.s32 $0xFFFFF000  }
0x2c: {  	_ =	swait.ge [sflag:s24], $0x1000  }
0x2d: {  	s25 =	sadd.s32 $0xFFFFFFFF, s25;
	[sflag:s24] =	ssyncset.done $0x0  }
.LBB2_1:
0x2e: {  	p0 =	sne.s32 s25, $0x1;
	s25 =	sadd.s32 $0xFFFFFFFF, s25;
	[sflag:s24] =	ssyncadd.s32 $0xFFFFF000  }
0x2f: {  	[tilespmem:s3], [sflag:$0x9] =	stream.linear.gather [hbm4b:s4+s3], $0x200, $0x38;
	[tilespmem:$0x4200] =	vst v63  }
0x30: {  	_ =	swait.ge [sflag:s5], $0x200  }
0x31: {  	[sflag:s5] =	ssyncset.done $0x0  }
0x32: {  	[sflag:s5] =	ssyncadd.s32 $0xFFFFFE00  }
0x33: {  	[tilespmem:s7], [sflag:$0x1] =	stream.indirect.gather [hbm4b:s2+s6], $0x20, s3, s6, $0xb8;
	[tilespmem:$0x4200] =	vst v63  }
0x34: {  	_ = 	snop  }
0x35: {  	[tilespmem:s8], [sflag:$0x2] =	stream.indirect.gather [hbm4b:s2+s6], $0x20, s6, s6, $0xb8;
	[tilespmem:$0x4200] =	vst v63  }
0x36: {  	_ = 	snop  }
0x37: {  	[tilespmem:s10], [sflag:$0x3] =	stream.indirect.gather [hbm4b:s2+s6], $0x20, s9, s6, $0xb8;
	[tilespmem:$0x4200] =	vst v63  }
0x38: {  	_ = 	snop  }
0x39: {  	[tilespmem:s12], [sflag:$0x4] =	stream.indirect.gather [hbm4b:s2+s6], $0x20, s11, s6, $0xb8;
	[tilespmem:$0x4200] =	vst v63  }
0x3a: {  	_ =	swait.ge [sflag:s13], $0x1000  }
0x3b: {  	[sflag:s13] =	ssyncset.done $0x0  }
0x3c: {  	[sflag:s13] =	ssyncadd.s32 $0xFFFFF000  }
0x3d: {  	[hbm4b:s14+s3] =	stream.linear.scatter [tilespmem:s7], [sflag:$0x5], $0x1000, $0x38;
	[tilespmem:$0x4200] =	vst v63  }
0x3e: {  	_ =	swait.ge [sflag:s15], $0x1000  }
0x3f: {  	[sflag:s15] =	ssyncset.done $0x0  }
0x40: {  	[sflag:s15] =	ssyncadd.s32 $0xFFFFF000  }
0x41: {  	[hbm4b:s16+s3] =	stream.linear.scatter [tilespmem:s8], [sflag:$0x6], $0x1000, $0x38;
	[tilespmem:$0x4200] =	vst v63  }
0x42: {  	_ =	swait.ge [sflag:s17], $0x1000  }
0x43: {  	[sflag:s17] =	ssyncset.done $0x0  }
0x44: {  	[sflag:s17] =	ssyncadd.s32 $0xFFFFF000  }
0x45: {  	[hbm4b:s18+s3] =	stream.linear.scatter [tilespmem:s10], [sflag:$0x7], $0x1000, $0x38;
	[tilespmem:$0x4200] =	vst v63  }
0x46: {  	_ =	swait.ge [sflag:s19], $0x1000  }
0x47: {  	[sflag:s19] =	ssyncset.done $0x0  }
0x48: {  	[sflag:s19] =	ssyncadd.s32 $0xFFFFF000  }
0x49: {  	[hbm4b:s20+s3] =	stream.linear.scatter [tilespmem:s12], [sflag:$0x8], $0x1000, $0x38;
	[tilespmem:$0x4200] =	vst v63  }
0x4a: {  	_ =	swait.ge [sflag:s21], $0x1000  }
0x4b: {  	[sflag:s21] =	ssyncset.done $0x0  }
0x4c: {  	[sflag:s21] =	ssyncadd.s32 $0xFFFFF000  }
0x4d: {  	_ =	swait.ge [sflag:s22], $0x1000  }
0x4e: {  	[sflag:s22] =	ssyncset.done $0x0  }
0x4f: {  	[sflag:s22] =	ssyncadd.s32 $0xFFFFF000  }
.Ltmp1:
0x50: {  	_ =	swait.ge [sflag:s23], $0x1000;
	(pc) =	sbr.rel @p0 .LBB2_1-.Ltmp1, $4  }
0x51: {  	[sflag:s23] =	ssyncset.done $0x0  }
0x52: {  	[sflag:s23] =	ssyncadd.s32 $0xFFFFF000  }
0x53: {  	_ =	swait.ge [sflag:s24], $0x1000  }
0x54: {  	[sflag:s24] =	ssyncset.done $0x0  }
.LBB2_2:
0x55: {  	[sflag:s24] =	ssyncadd.s32 $0xFFFFF000  }
0x56: {  	_ =	sfence.sel $0x180000  }
0x57: {  	[bflag:$0x0] =	sbarrier.arrive $0xFFFF  }
0x58: {  	p0 =	sne.s32 s0, $0x0;
	_ =	strace $0x90000050  }
0x59: {  	s0 =	sadd.s32 @!p0 $0x100000, s1;
	[bflag:$0x2] =	sbarrier.arrive $0xFFFF  }
0x5a: {  	[sflag:s0] =	ssyncadd.tile.s32 @!p0 $0x1;
	_ =	shalt  }
.Lfunc_end2:
_tile_overlayer_lowered:
.L_overlay_start_2:
0x5b: {  	(tag) =	ssettag $0x2  }
0x5c: {  	s0 =	rddreg [dreg:$0x0];
	s2 =	stileid.u32  }
0x5d: {  	s1 =	rddreg [dreg:$0x1];
	p0 =	sne.s32 s2, $0x0  }
0x5e: {  	s3 =	rddreg [dreg:$0x2];
	[bflag:$0x3] =	sbarrier.arrive $0xFFFF;
	s2 =	simm.s32 @!p0 $0x1C09  }
0x5f: {  	[timem:s3], [sflag:s2] =	dma.local @!p0 [hbm:s0], s1  }
0x60: {  	s0 =	simm.s32 @!p0 $0x9  }
0x61: {  	_ =	swait.ge @!p0 [sflag:s0], s1  }
0x62: {  	s1 =	ssub.s32 @!p0 $0x0, s1;
	[sflag:s0] =	ssyncset.done @!p0 $0x0  }
0x63: {  	[sflag:s0] =	ssyncadd.s32 @!p0 s1  }
0x64: {  	[bflag:$0x3] =	sbarrier.arrive $0xFFFF  }
0x65: {  	_ =	shalt  }

// kernel: kernel.24.cloned.1.call-start
scs
__scs_entry_jumppad:
0x0: {  	(pc) =	sbr.rel $0x88, $3  }
0x1: {  	(tag) =	ssettag $0x0;
	lr =	simm.s32 $0x1  }
0x2: {  	[smem:$0x3F9A] =	sst lr;
	_ =	strace $0xD0000000  }
0x3: {  	_ = 	snop  }
0x4: {  	_ = 	snop  }
0x5: {  	_ = 	snop  }
0x6: {  	_ = 	snop  }
0x7: {  	_ = 	snop  }
__scs_overlays_trampoline_lowered:
0x8: {  	[smem:$0x3FA9] =	sst s0  }
0x9: {  	[smem:$0x3FAA] =	sst s1  }
0xa: {  	[smem:$0x3FAB] =	sst s2  }
0xb: {  	[smem:$0x3FAC] =	sst s3  }
0xc: {  	[smem:$0x3FAD] =	sst s4  }
0xd: {  	[smem:$0x3FAE] =	sst s5  }
0xe: {  	[smem:$0x3FAF] =	sst s6  }
0xf: {  	[smem:$0x3FB0] =	sst s7  }
0x10: {  	[smem:$0x3FB1] =	sst s8  }
0x11: {  	[smem:$0x3FB2] =	sst s9;
	s0 =	simm.s32 @!p0 $0x0  }
0x12: {  	s1 =	sld [smem:$0x3F98];
	s0 =	simm.s32 @p0 $0x1  }
0x13: {  	[smem:$0x3FB3] =	sst s0;
	s0 =	simm.s32 @!p1 $0x0  }
0x14: {  	s2 =	sld [smem:$0x3F97];
	s0 =	simm.s32 @p1 $0x1  }
0x15: {  	[smem:$0x3FB4] =	sst s0;
	s0 =	simm.s32 @!p2 $0x0  }
0x16: {  	s3 =	sld [smem:$0x3FDB];
	s0 =	simm.s32 @p2 $0x1  }
0x17: {  	s4 =	simm.s32 $0x1BF5;
	[smem:$0x3FB6] =	sst s0  }
0x18: {  	s0 =	sld [smem:$0x3F99];
	_ =	swait.ge [sflag:s4], $0x0  }
0x19: {  	s7 =	sld [smem:$0x3F9A]  }
0x1a: {  	s8 =	sadd.s32 $0xFFFFE003, lr  }
0x1b: {  	s9 =	sadd.s32 $0xFFFFFEF7, lr;
	s5 =	simm.s32 $0xFFFFFFFF;
	p2 =	slt.u32 s8, $0xFFFFF086  }
0x1c: {  	p1 =	slt.u32 s9, $0xF7A;
	s5 =	simm.s32 @!p2 $0x0  }
0x1d: {  	s5 =	simm.s32 @p1 $0x1;
	p0 =	seq.s32 s7, s2  }
0x1e: {  	s7 =	smul.u32 @!p0 $0xF7A, s2;
	p2 =	seq.s32 @!p0 s5, $0x0  }
0x1f: {  	s9 =	smul.u32 $0xF7A, s1;
	s8 =	simm.s32 @!p0 $0x1BF5;
	p2 =	por !p2, p0  }
0x20: {  	[sflag:s8] =	ssyncset.s32 @!p0 $0xFFFFF086;
	s6 =	sadd.s32 @!p0 s3, s7;
	s7 =	simm.s32 @!p0 $0x108  }
0x21: {  	s3 =	sadd.s32 s3, s9;
	s6 =	sadd.s32 @!p0 $0x88, s6;
	s7 =	simm.s32 @p2 $0x1082  }
0x22: {  	[simem:s7], [sflag:s8] =	dma.local @!p0 [hbm:s6], $0xF7A  }
0x23: {  	s9 =	sor.u32 $0xD0000000, s2;
	s6 =	simm.s32 $0x108;
	_ =	swait.ge @!p0 [sflag:s8], $0x0  }
0x24: {  	s3 =	sadd.s32 $0x88, s3;
	s6 =	simm.s32 @!p1 $0x1082;
	[sflag:s4] =	ssyncset.s32 $0xFFFFF086  }
0x25: {  	[simem:s6], [sflag:s4] =	dma.local [hbm:s3], $0xF7A  }
0x26: {  	[smem:$0x3F9A] =	sst s1;
	(tag) =	ssettag s2;
	_ =	strace s9  }
0x27: {  	s1 =	sld [smem:$0x3FAA]  }
0x28: {  	s2 =	sld [smem:$0x3FAB]  }
0x29: {  	s4 =	sld [smem:$0x3FAD]  }
0x2a: {  	p0 =	seq.s32 s5, $0x0;
	s5 =	sld [smem:$0x3FAE]  }
0x2b: {  	s6 =	sld [smem:$0x3FAF]  }
0x2c: {  	s7 =	sld [smem:$0x3FB0]  }
0x2d: {  	s3 =	simm.s32 $0x108;
	s8 =	sld [smem:$0x3FB1]  }
0x2e: {  	s3 =	simm.s32 @!p0 $0x1082;
	s9 =	sld [smem:$0x3FB2]  }
0x2f: {  	lr =	sadd.s32 s0, s3;
	s0 =	sld [smem:$0x3FA9]  }
0x30: {  	s3 =	sld [smem:$0x3FAC]  }
0x31: {  	[smem:$0x3FB5] =	sst s10  }
0x32: {  	s10 =	sld [smem:$0x3FB3];
	_ =	sdelay $0x3  }
0x33: {  	p0 =	seq.s32 s10, $0x1;
	s10 =	sld [smem:$0x3FB5];
	_ =	sdelay $0x3  }
0x34: {  	[smem:$0x3FB5] =	sst s10  }
0x35: {  	s10 =	sld [smem:$0x3FB4];
	_ =	sdelay $0x3  }
0x36: {  	p1 =	seq.s32 s10, $0x1;
	s10 =	sld [smem:$0x3FB5];
	_ =	sdelay $0x3  }
0x37: {  	[smem:$0x3FB5] =	sst s10  }
0x38: {  	s10 =	sld [smem:$0x3FB6]  }
0x39: {  	_ = 	snop;
	(pc) =	sbr.ind lr, $3  }
0x3a: {  	_ = 	snop  }
0x3b: {  	_ = 	snop  }
0x3c: {  	p2 =	seq.s32 s10, $0x1;
	s10 =	sld [smem:$0x3FB5]  }
0x3d: {  	_ =	shalt  }
0x3e: {  	_ =	shalt  }
0x3f: {  	_ =	shalt  }
0x40: {  	_ =	shalt  }
0x41: {  	_ =	shalt  }
0x42: {  	_ =	shalt  }
0x43: {  	_ =	shalt  }
0x44: {  	_ =	shalt  }
0x45: {  	_ =	shalt  }
0x46: {  	_ =	shalt  }
0x47: {  	_ =	shalt  }
0x48: {  	_ =	shalt  }
0x49: {  	_ =	shalt  }
0x4a: {  	_ =	shalt  }
0x4b: {  	_ =	shalt  }
0x4c: {  	_ =	shalt  }
0x4d: {  	_ =	shalt  }
0x4e: {  	_ =	shalt  }
0x4f: {  	_ =	shalt  }
0x50: {  	_ =	shalt  }
0x51: {  	_ =	shalt  }
0x52: {  	_ =	shalt  }
0x53: {  	_ =	shalt  }
0x54: {  	_ =	shalt  }
0x55: {  	_ =	shalt  }
0x56: {  	_ =	shalt  }
0x57: {  	_ =	shalt  }
0x58: {  	_ =	shalt  }
0x59: {  	_ =	shalt  }
0x5a: {  	_ =	shalt  }
0x5b: {  	_ =	shalt  }
0x5c: {  	_ =	shalt  }
0x5d: {  	_ =	shalt  }
0x5e: {  	_ =	shalt  }
0x5f: {  	_ =	shalt  }
0x60: {  	_ =	shalt  }
0x61: {  	_ =	shalt  }
0x62: {  	_ =	shalt  }
0x63: {  	_ =	shalt  }
0x64: {  	_ =	shalt  }
0x65: {  	_ =	shalt  }
0x66: {  	_ =	shalt  }
0x67: {  	_ =	shalt  }
0x68: {  	_ =	shalt  }
0x69: {  	_ =	shalt  }
0x6a: {  	_ =	shalt  }
0x6b: {  	_ =	shalt  }
0x6c: {  	_ =	shalt  }
0x6d: {  	_ =	shalt  }
0x6e: {  	_ =	shalt  }
0x6f: {  	_ =	shalt  }
0x70: {  	_ =	shalt  }
0x71: {  	_ =	shalt  }
0x72: {  	_ =	shalt  }
0x73: {  	_ =	shalt  }
0x74: {  	_ =	shalt  }
0x75: {  	_ =	shalt  }
0x76: {  	_ =	shalt  }
0x77: {  	_ =	shalt  }
0x78: {  	_ =	shalt  }
0x79: {  	_ =	shalt  }
0x7a: {  	_ =	shalt  }
0x7b: {  	_ =	shalt  }
0x7c: {  	_ =	shalt  }
0x7d: {  	_ =	shalt  }
0x7e: {  	_ =	shalt  }
0x7f: {  	_ =	shalt  }
0x80: {  	_ =	shalt  }
0x81: {  	_ =	shalt  }
0x82: {  	_ =	shalt  }
0x83: {  	_ =	shalt  }
0x84: {  	_ =	shalt  }
0x85: {  	_ =	shalt  }
0x86: {  	_ =	shalt  }
0x87: {  	_ =	shalt  }
.Lfunc_end0:
.L_simem_size_0:
called_computation.4_lowered:
.L_overlay_start_0:
0x88: {  	s2 =	sld [smem:$0x3FD9]  }
0x89: {  	s3 =	sld [smem:$0x3FFE];
	_ =	sdelay $0x1  }
0x8a: {  	s1 =	srdreg.scid  }
0x8b: {  	s0 =	sand.u32 $0x1, s1  }
0x8c: {  	s17 =	sshll.u32 s0, $0xA;
	s2 =	sadd.s32 s3, s2  }
0x8d: {  	s2 =	sadd.s32 s2, s17  }
0x8e: {  	[smem:$0x3FC1] =	sst s2  }
0x8f: {  	_ = 	snop  }
0x90: {  	s2 =	sld [smem:$0x3FD0];
	(tm) =	ssettm $0x1  }
0x91: {  	s18 =	sld [smem:$0x3FFB];
	_ =	sdelay $0x3  }
0x92: {  	_ =	strace s18  }
0x93: {  	s3 =	sld [smem:$0x3FFC];
	_ =	sdelay $0x3  }
0x94: {  	_ =	strace s3  }
0x95: {  	s3 =	sld [smem:$0x3FFD];
	_ =	sdelay $0x3  }
0x96: {  	_ =	strace s3  }
0x97: {  	_ =	strace $0x8FFFFFFF  }
0x98: {  	s19 =	sld [smem:$0x3FDB];
	_ =	sdelay $0x1  }
0x99: {  	s4 =	simm.s32 $_scs_section_size  }
0x9a: {  	s5 =	simm.s32 $_size__tile_overlayer_lowered;
	s6 =	simm.s32 $_tile_overlayer_lowered  }
0x9b: {  	s22 =	simm.s32 $0x1BFF;
	s21 =	sshll.u32 s6, $0x1;
	s3 =	sadd.s32 s4, s19  }
0x9c: {  	s7 =	simm.s32 $0x0;
	s20 =	sshll.u32 s5, $0x1;
	s5 =	sadd.s32 s21, s3  }
0x9d: {  	[timem:s7], [sflag:s22] =	dma.local [hbm:s5], s20  }
0x9e: {  	_ =	swait.ge [sflag:s22], s20  }
0x9f: {  	s4 =	ssub.s32 $0x0, s20;
	[sflag:s22] =	ssyncset.done $0x0  }
0xa0: {  	[sflag:s22] =	ssyncadd.s32 s4;
	_ =	sdelay $0x1  }
0xa1: {  	s23 =	simm.s32 $0x1B8B  }
0xa2: {  	_ =	swait.ge [sflag:s23], $0x1  }
0xa3: {  	[sflag:s23] =	ssyncset.done $0x0  }
0xa4: {  	s25 =	simm.s32 $0x1B8E;
	s24 =	sld [smem:$0x3FFE];
	[sflag:s23] =	ssyncadd.s32 $0xFFFFFFFF  }
0xa5: {  	s26 =	simm.s32 $execute0_lowered;
	[smem:$0x3FD2] =	sst s25  }
0xa6: {  	s5 =	sshll.u32 s26, $0x1;
	_ =	strace $0x80000052;
	[dreg:$0x1] =	wrdreg $0xFFFFFFFF  }
0xa7: {  	s28 =	simm.s32 $_size_execute0_lowered;
	s3 =	sadd.s32 s3, s5;
	[dreg:$0x0] =	wrdreg $0x0  }
0xa8: {  	s5 =	sshll.u32 s28, $0x1;
	[dreg:$0x2] =	wrdreg s3  }
0xa9: {  	[dreg:$0x3] =	wrdreg s5  }
0xaa: {  	[dreg:$0x4] =	wrdreg $0xC0  }
0xab: {  	_ =	task [dreg:s7], $0x5FFFF  }
0xac: {  	[dreg:$0x1] =	wrdreg $0xFFFFFFFF  }
0xad: {  	[dreg:$0x0] =	wrdreg $0x60  }
0xae: {  	[dreg:$0x2] =	wrdreg s2  }
0xaf: {  	[dreg:$0x3] =	wrdreg s24  }
0xb0: {  	[dreg:$0x4] =	wrdreg $0x9  }
0xb1: {  	_ =	task.clear_ibuf [dreg:s7], $0x5FFFF;
	_ =	strace $0x90000052  }
0xb2: {  	s29 =	simm.s32 $0x9;
	_ =	strace $0x80000054  }
0xb3: {  	_ =	swait.ge [sflag:s29], $0x1  }
0xb4: {  	[sflag:s29] =	ssyncadd.s32 $0xFFFFFFFF  }
0xb5: {  	_ =	strace $0x90000054  }
0xb6: {  	_ =	sfence  }
0xb7: {  	s30 =	sld [smem:$0x0];
	_ =	sdelay $0x2  }
0xb8: {  	s31 =	sshll.u32 s1, $0xD;
	s1 =	sshrl.u32 s1, $0x2  }
0xb9: {  	s3 =	sand.u32 $0x4000, s31;
	s1 =	sadd.s32 s1, s30  }
0xba: {  	s0 =	sor.u32 s3, s0;
	s1 =	sshll.u32 s1, $0x11  }
0xbb: {  	s0 =	sor.u32 s1, s0  }
0xbc: {  	s0 =	sadd.s32 $0x8F2B, s0  }
0xbd: {  	[sflag:s0] =	ssyncadd.remote.s32 $0x1  }
0xbe: {  	_ =	sfence.sel $0xFFFF  }
0xbf: {  	[dreg:$0x0] =	wrdreg $0xFFFFFFFF;
	(pc) =	sbr.abs _section_cstart, $3  }
0xc0: {  	[dreg:$0x1] =	wrdreg $0xFFFFFFFF  }
0xc1: {  	_ =	task.clear_ibuf [dreg:s7], $0x2FFFF;
	_ =	strace $0x9FFFFFFF  }
0xc2: {  	(tm) =	ssettm $0x7FFFFFFF  }
0xc3: {  	_ =	shalt  }
tec
execute0_lowered:
.L_overlay_start_1:
0x0: {  	(tag) =	ssettag $0x1  }
0x1: {  	s1 =	srdreg.scid  }
0x2: {  	s0 =	stileid.u32;
	s23 =	sand.u32 $0x1, s1  }
0x3: {  	s31 =	sshll.u32 s0, $0xA;
	s3 =	sshll.u32 s23, $0x9  }
0x4: {  	s2 =	rddreg [dreg:$0x0];
	s15 =	sor.u32 s3, s31  }
0x5: {  	s14 =	rddreg [dreg:$0x1];
	s3 =	simm.s32 $0x0;
	s4 =	sshrl.u32 s15, $0x3  }
0x6: {  	s5 =	simm.s32 $0x9;
	[smem:$0x7FF] =	sst s3;
	s4 =	sadd.s32 s4, s14  }
0x7: {  	s1 =	rddreg [dreg:$0x2];
	_ =	strace $0x80000053;
	s4 =	sadd.s32 $0x2400, s4  }
0x8: {  	[tilespmem:s3], [sflag:$0x9] =	stream.linear.gather [hbm4b:s4+s3], $0x200, $0x38;
	[tilespmem:$0x4200] =	vst v63  }
0x9: {  	_ =	swait.ge [sflag:s5], $0x200  }
0xa: {  	[sflag:s5] =	ssyncset.done $0x0  }
0xb: {  	s6 =	simm.s32 $0x80;
	s7 =	simm.s32 $0x200;
	[sflag:s5] =	ssyncadd.s32 $0xFFFFFE00  }
0xc: {  	[tilespmem:s7], [sflag:$0x1] =	stream.indirect.gather [hbm4b:s2+s6], $0x20, s3, s6, $0xb8;
	[tilespmem:$0x4200] =	vst v63  }
0xd: {  	s8 =	simm.s32 $0x1200  }
0xe: {  	[tilespmem:s8], [sflag:$0x2] =	stream.indirect.gather [hbm4b:s2+s6], $0x20, s6, s6, $0xb8;
	[tilespmem:$0x4200] =	vst v63  }
0xf: {  	s9 =	simm.s32 $0x100;
	s10 =	simm.s32 $0x2200  }
0x10: {  	[tilespmem:s10], [sflag:$0x3] =	stream.indirect.gather [hbm4b:s2+s6], $0x20, s9, s6, $0xb8;
	[tilespmem:$0x4200] =	vst v63  }
0x11: {  	s11 =	simm.s32 $0x180;
	s12 =	simm.s32 $0x3200;
	s13 =	simm.s32 $0x1  }
0x12: {  	[tilespmem:s12], [sflag:$0x4] =	stream.indirect.gather [hbm4b:s2+s6], $0x20, s11, s6, $0xb8;
	[tilespmem:$0x4200] =	vst v63  }
0x13: {  	s15 =	sshll.u32 s15, $0x2;
	_ =	swait.ge [sflag:s13], $0x1000  }
0x14: {  	s20 =	sadd.s32 s15, s14;
	[sflag:s13] =	ssyncset.done $0x0  }
0x15: {  	s15 =	simm.s32 $0x2;
	s14 =	sadd.s32 $0xD2C00, s20;
	[sflag:s13] =	ssyncadd.s32 $0xFFFFF000  }
0x16: {  	[hbm4b:s14+s3] =	stream.linear.scatter [tilespmem:s7], [sflag:$0x5], $0x1000, $0x38;
	[tilespmem:$0x4200] =	vst v63  }
0x17: {  	_ =	swait.ge [sflag:s15], $0x1000  }
0x18: {  	[sflag:s15] =	ssyncset.done $0x0  }
0x19: {  	s17 =	simm.s32 $0x3;
	s16 =	sadd.s32 $0xD2E00, s20;
	[sflag:s15] =	ssyncadd.s32 $0xFFFFF000  }
0x1a: {  	[hbm4b:s16+s3] =	stream.linear.scatter [tilespmem:s8], [sflag:$0x6], $0x1000, $0x38;
	[tilespmem:$0x4200] =	vst v63  }
0x1b: {  	_ =	swait.ge [sflag:s17], $0x1000  }
0x1c: {  	[sflag:s17] =	ssyncset.done $0x0  }
0x1d: {  	s19 =	simm.s32 $0x4;
	s18 =	sadd.s32 $0xD3000, s20;
	[sflag:s17] =	ssyncadd.s32 $0xFFFFF000  }
0x1e: {  	[hbm4b:s18+s3] =	stream.linear.scatter [tilespmem:s10], [sflag:$0x7], $0x1000, $0x38;
	[tilespmem:$0x4200] =	vst v63  }
0x1f: {  	_ =	swait.ge [sflag:s19], $0x1000  }
0x20: {  	[sflag:s19] =	ssyncset.done $0x0  }
0x21: {  	s21 =	simm.s32 $0x5;
	s20 =	sadd.s32 $0xD3200, s20;
	[sflag:s19] =	ssyncadd.s32 $0xFFFFF000  }
0x22: {  	[hbm4b:s20+s3] =	stream.linear.scatter [tilespmem:s12], [sflag:$0x8], $0x1000, $0x38;
	[tilespmem:$0x4200] =	vst v63  }
0x23: {  	_ =	swait.ge [sflag:s21], $0x1000  }
0x24: {  	s24 =	ssub.s32 $0x2, s23;
	[sflag:s21] =	ssyncset.done $0x0  }
0x25: {  	s22 =	simm.s32 $0x6;
	s25 =	sshrl.u32 s24, $0x1;
	[sflag:s21] =	ssyncadd.s32 $0xFFFFF000  }
0x26: {  	s24 =	ssub.s32 s24, s25;
	_ =	swait.ge [sflag:s22], $0x1000  }
0x27: {  	s25 =	smax.u32 s24, $0x1;
	[sflag:s22] =	ssyncset.done $0x0  }
0x28: {  	s23 =	simm.s32 $0x7;
	p0 =	sne.s32 s25, $0x1;
	[sflag:s22] =	ssyncadd.s32 $0xFFFFF000  }
.Ltmp0:
0x29: {  	_ =	swait.ge [sflag:s23], $0x1000;
	(pc) =	sbr.rel @!p0 .LBB2_2-.Ltmp0, $4  }
0x2a: {  	[sflag:s23] =	ssyncset.done $0x0  }
0x2b: {  	s24 =	simm.s32 $0x8;
	[sflag:s23] =	ssyncadd.s32 $0xFFFFF000  }
0x2c: {  	_ =	swait.ge [sflag:s24], $0x1000  }
0x2d: {  	s25 =	sadd.s32 $0xFFFFFFFF, s25;
	[sflag:s24] =	ssyncset.done $0x0  }
.LBB2_1:
0x2e: {  	p0 =	sne.s32 s25, $0x1;
	s25 =	sadd.s32 $0xFFFFFFFF, s25;
	[sflag:s24] =	ssyncadd.s32 $0xFFFFF000  }
0x2f: {  	[tilespmem:s3], [sflag:$0x9] =	stream.linear.gather [hbm4b:s4+s3], $0x200, $0x38;
	[tilespmem:$0x4200] =	vst v63  }
0x30: {  	_ =	swait.ge [sflag:s5], $0x200  }
0x31: {  	[sflag:s5] =	ssyncset.done $0x0  }
0x32: {  	[sflag:s5] =	ssyncadd.s32 $0xFFFFFE00  }
0x33: {  	[tilespmem:s7], [sflag:$0x1] =	stream.indirect.gather [hbm4b:s2+s6], $0x20, s3, s6, $0xb8;
	[tilespmem:$0x4200] =	vst v63  }
0x34: {  	_ = 	snop  }
0x35: {  	[tilespmem:s8], [sflag:$0x2] =	stream.indirect.gather [hbm4b:s2+s6], $0x20, s6, s6, $0xb8;
	[tilespmem:$0x4200] =	vst v63  }
0x36: {  	_ = 	snop  }
0x37: {  	[tilespmem:s10], [sflag:$0x3] =	stream.indirect.gather [hbm4b:s2+s6], $0x20, s9, s6, $0xb8;
	[tilespmem:$0x4200] =	vst v63  }
0x38: {  	_ = 	snop  }
0x39: {  	[tilespmem:s12], [sflag:$0x4] =	stream.indirect.gather [hbm4b:s2+s6], $0x20, s11, s6, $0xb8;
	[tilespmem:$0x4200] =	vst v63  }
0x3a: {  	_ =	swait.ge [sflag:s13], $0x1000  }
0x3b: {  	[sflag:s13] =	ssyncset.done $0x0  }
0x3c: {  	[sflag:s13] =	ssyncadd.s32 $0xFFFFF000  }
0x3d: {  	[hbm4b:s14+s3] =	stream.linear.scatter [tilespmem:s7], [sflag:$0x5], $0x1000, $0x38;
	[tilespmem:$0x4200] =	vst v63  }
0x3e: {  	_ =	swait.ge [sflag:s15], $0x1000  }
0x3f: {  	[sflag:s15] =	ssyncset.done $0x0  }
0x40: {  	[sflag:s15] =	ssyncadd.s32 $0xFFFFF000  }
0x41: {  	[hbm4b:s16+s3] =	stream.linear.scatter [tilespmem:s8], [sflag:$0x6], $0x1000, $0x38;
	[tilespmem:$0x4200] =	vst v63  }
0x42: {  	_ =	swait.ge [sflag:s17], $0x1000  }
0x43: {  	[sflag:s17] =	ssyncset.done $0x0  }
0x44: {  	[sflag:s17] =	ssyncadd.s32 $0xFFFFF000  }
0x45: {  	[hbm4b:s18+s3] =	stream.linear.scatter [tilespmem:s10], [sflag:$0x7], $0x1000, $0x38;
	[tilespmem:$0x4200] =	vst v63  }
0x46: {  	_ =	swait.ge [sflag:s19], $0x1000  }
0x47: {  	[sflag:s19] =	ssyncset.done $0x0  }
0x48: {  	[sflag:s19] =	ssyncadd.s32 $0xFFFFF000  }
0x49: {  	[hbm4b:s20+s3] =	stream.linear.scatter [tilespmem:s12], [sflag:$0x8], $0x1000, $0x38;
	[tilespmem:$0x4200] =	vst v63  }
0x4a: {  	_ =	swait.ge [sflag:s21], $0x1000  }
0x4b: {  	[sflag:s21] =	ssyncset.done $0x0  }
0x4c: {  	[sflag:s21] =	ssyncadd.s32 $0xFFFFF000  }
0x4d: {  	_ =	swait.ge [sflag:s22], $0x1000  }
0x4e: {  	[sflag:s22] =	ssyncset.done $0x0  }
0x4f: {  	[sflag:s22] =	ssyncadd.s32 $0xFFFFF000  }
.Ltmp1:
0x50: {  	_ =	swait.ge [sflag:s23], $0x1000;
	(pc) =	sbr.rel @p0 .LBB2_1-.Ltmp1, $4  }
0x51: {  	[sflag:s23] =	ssyncset.done $0x0  }
0x52: {  	[sflag:s23] =	ssyncadd.s32 $0xFFFFF000  }
0x53: {  	_ =	swait.ge [sflag:s24], $0x1000  }
0x54: {  	[sflag:s24] =	ssyncset.done $0x0  }
.LBB2_2:
0x55: {  	[sflag:s24] =	ssyncadd.s32 $0xFFFFF000  }
0x56: {  	_ =	sfence.sel $0x180000  }
0x57: {  	[bflag:$0x0] =	sbarrier.arrive $0xFFFF  }
0x58: {  	p0 =	sne.s32 s0, $0x0;
	_ =	strace $0x90000053  }
0x59: {  	s0 =	sadd.s32 @!p0 $0x100000, s1;
	[bflag:$0x2] =	sbarrier.arrive $0xFFFF  }
0x5a: {  	[sflag:s0] =	ssyncadd.tile.s32 @!p0 $0x1;
	_ =	shalt  }
.Lfunc_end2:
_tile_overlayer_lowered:
.L_overlay_start_2:
0x5b: {  	(tag) =	ssettag $0x2  }
0x5c: {  	s0 =	rddreg [dreg:$0x0];
	s2 =	stileid.u32  }
0x5d: {  	s1 =	rddreg [dreg:$0x1];
	p0 =	sne.s32 s2, $0x0  }
0x5e: {  	s3 =	rddreg [dreg:$0x2];
	[bflag:$0x3] =	sbarrier.arrive $0xFFFF;
	s2 =	simm.s32 @!p0 $0x1C09  }
0x5f: {  	[timem:s3], [sflag:s2] =	dma.local @!p0 [hbm:s0], s1  }
0x60: {  	s0 =	simm.s32 @!p0 $0x9  }
0x61: {  	_ =	swait.ge @!p0 [sflag:s0], s1  }
0x62: {  	s1 =	ssub.s32 @!p0 $0x0, s1;
	[sflag:s0] =	ssyncset.done @!p0 $0x0  }
0x63: {  	[sflag:s0] =	ssyncadd.s32 @!p0 s1  }
0x64: {  	[bflag:$0x3] =	sbarrier.arrive $0xFFFF  }
0x65: {  	_ =	shalt  }

</sc_bundles>
